<compile_context>
chip_gen: v7x
topology: tpu7x:2x2x1
jax: 0.10.2.dev20260603
libtpu: 0.0.44.dev20260713+nightly
codegen_flags: <defaults>
</compile_context>

<pallas_src>
import functools

import jax
import jax.numpy as jnp
from jax import lax
from jax.experimental import pallas as pl
from jax.experimental.pallas import tpu as pltpu
from jax.experimental.pallas import tpu_sc as plsc

OBS = 32768
K = int(OBS * 0.3)
KPAD = 9856
NT = 16
CHUNK = OBS // NT
NV = CHUNK // 16
RB = 256
NPASS = 4
_KEY_BIAS = 0x3F800000



def _importance_key_body(x_ref, wi1_ref, bi1_ref, wi2_ref, bi2_ref, out_ref):
    x = x_ref[...]
    h = jnp.maximum(
        jnp.dot(x, wi1_ref[...], preferred_element_type=jnp.float32)
        + bi1_ref[...], 0.0)
    logits = (jnp.dot(h, wi2_ref[...], preferred_element_type=jnp.float32)
              + bi2_ref[...])
    s = jax.nn.sigmoid(logits)
    bits = lax.bitcast_convert_type(s, jnp.int32)
    out_ref[...] = _KEY_BIAS - bits


def _importance_key(x, Wi1, bi1, Wi2, bi2):
    out = pl.pallas_call(
        _importance_key_body,
        out_shape=jax.ShapeDtypeStruct((1, OBS), jnp.int32),
    )(x.reshape(1, OBS), Wi1, bi1.reshape(1, 64), Wi2, bi2.reshape(1, OBS))
    return out.reshape(OBS)



def _sc_rank_body(key_hbm, rank_hbm, keyv, idxv, digv, lrankv, destv,
                  hist, basev, gridbuf, histgrid, keybuf, idxbuf):
    w = lax.axis_index("s")
    base_off = w * CHUNK
    pltpu.sync_copy(key_hbm.at[pl.ds(base_off, CHUNK)], keyv)

    def init_idx(i, c):
        idxv[pl.ds(i * 16, 16)] = base_off + i * 16 + lax.iota(jnp.int32, 16)
        return c
    lax.fori_loop(0, NV, init_idx, 0)

    for p in range(NPASS):
        shift = 8 * p

        def zero_hist(i, c):
            hist[pl.ds(i * 16, 16)] = jnp.zeros((16,), jnp.int32)
            return c
        lax.fori_loop(0, RB // 16, zero_hist, 0)

        def hist_body(i, c):
            sl = pl.ds(i * 16, 16)
            d16 = (keyv[sl] >> shift) & (RB - 1)
            digv[sl] = d16
            cnt, last = plsc.scan_count(d16)
            cur = plsc.load_gather(hist, [d16])
            lrankv[sl] = cur + cnt - 1
            plsc.addupdate_scatter(hist, [d16], cnt, mask=last)
            return c
        lax.fori_loop(0, NV, hist_body, 0)

        pltpu.sync_copy(hist, histgrid.at[w])
        plsc.subcore_barrier()
        pltpu.sync_copy(histgrid, gridbuf)

        def base_body(i, run):
            sl = pl.ds(i * 16, 16)
            colsum = jnp.zeros((16,), jnp.int32)
            below = jnp.zeros((16,), jnp.int32)
            for t in range(NT):
                row = gridbuf[t, sl]
                colsum = colsum + row
                below = below + row * (jnp.int32(t) < w).astype(jnp.int32)
            incl = plsc.cumsum(colsum)
            basev[sl] = incl - colsum + run + below
            return run + jnp.sum(colsum)
        lax.fori_loop(0, RB // 16, base_body, jnp.int32(0))

        def dest_body(i, c):
            sl = pl.ds(i * 16, 16)
            b16 = plsc.load_gather(basev, [digv[sl]])
            destv[sl] = b16 + lrankv[sl]
            return c
        lax.fori_loop(0, NV, dest_body, 0)

        if p < NPASS - 1:
            pltpu.sync_copy(keyv, keybuf.at[destv])
            pltpu.sync_copy(idxv, idxbuf.at[destv])
            plsc.subcore_barrier()
            pltpu.sync_copy(keybuf.at[pl.ds(base_off, CHUNK)], keyv)
            pltpu.sync_copy(idxbuf.at[pl.ds(base_off, CHUNK)], idxv)
        else:
            pltpu.sync_copy(destv, rank_hbm.at[idxv])


@functools.lru_cache(maxsize=None)
def _sc_rank_kernel():
    mesh = plsc.VectorSubcoreMesh(
        core_axis_name="c", subcore_axis_name="s", num_cores=1)
    return pl.kernel(
        _sc_rank_body,
        out_type=jax.ShapeDtypeStruct((OBS,), jnp.int32),
        mesh=mesh,
        compiler_params=pltpu.CompilerParams(needs_layout_passes=False),
        scratch_types=[
            pltpu.VMEM((CHUNK,), jnp.int32),
            pltpu.VMEM((CHUNK,), jnp.int32),
            pltpu.VMEM((CHUNK,), jnp.int32),
            pltpu.VMEM((CHUNK,), jnp.int32),
            pltpu.VMEM((CHUNK,), jnp.int32),
            pltpu.VMEM((RB,), jnp.int32),
            pltpu.VMEM((RB,), jnp.int32),
            pltpu.VMEM((NT, RB), jnp.int32),
            pltpu.VMEM_SHARED((NT, RB), jnp.int32),
            pltpu.VMEM_SHARED((OBS,), jnp.int32),
            pltpu.VMEM_SHARED((OBS,), jnp.int32),
        ],
    )



def _decode_body(x_ref, rank_ref, we1_ref, be1_ref, wd1_ref, bd1_ref,
                 wd2_ref, bd2_ref, out_ref):
    sx = jnp.where(rank_ref[...] < K, x_ref[...], 0.0)
    enc = jnp.maximum(
        jnp.dot(sx, we1_ref[...], preferred_element_type=jnp.float32)
        + be1_ref[...], 0.0)
    d = jnp.maximum(
        jnp.dot(enc, wd1_ref[...], preferred_element_type=jnp.float32)
        + bd1_ref[...], 0.0)
    out_ref[...] = (jnp.dot(d, wd2_ref[...], preferred_element_type=jnp.float32)
                    + bd2_ref[...])


def _decode(x, rank, We1, be1, Wd1, bd1, wd2k, bd2k):
    out = pl.pallas_call(
        _decode_body,
        out_shape=jax.ShapeDtypeStruct((1, KPAD), jnp.float32),
    )(x.reshape(1, OBS), rank.reshape(1, OBS), We1, be1.reshape(1, 32),
      Wd1, bd1.reshape(1, 64), wd2k, bd2k.reshape(1, KPAD))
    return out.reshape(KPAD)



def _sc_gather_body(rank_hbm, dec_hbm, out_hbm, rankv, decv, resv):
    c = lax.axis_index("c")
    s = lax.axis_index("s")
    wid = s * 2 + c
    off = wid * 1024
    pltpu.sync_copy(rank_hbm.at[pl.ds(off, 1024)], rankv)
    pltpu.sync_copy(dec_hbm, decv)

    def body(i, carry):
        sl = pl.ds(i * 16, 16)
        r = rankv[sl]
        m = r < K
        g = plsc.load_gather(decv, [jnp.where(m, r, 0)])
        resv[sl] = jnp.where(m, g, 0.0)
        return carry
    lax.fori_loop(0, 64, body, 0)
    pltpu.sync_copy(resv, out_hbm.at[pl.ds(off, 1024)])


@functools.lru_cache(maxsize=None)
def _sc_gather_kernel():
    mesh = plsc.VectorSubcoreMesh(core_axis_name="c", subcore_axis_name="s")
    return pl.kernel(
        _sc_gather_body,
        out_type=jax.ShapeDtypeStruct((OBS,), jnp.float32),
        mesh=mesh,
        compiler_params=pltpu.CompilerParams(needs_layout_passes=False),
        scratch_types=[
            pltpu.VMEM((1024,), jnp.int32),
            pltpu.VMEM((KPAD,), jnp.float32),
            pltpu.VMEM((1024,), jnp.float32),
        ],
    )



def kernel(x, Wi1, bi1, Wi2, bi2, We1, be1, Wd1, bd1, Wd2, bd2):
    key = _importance_key(x, Wi1, bi1, Wi2, bi2)
    rank = _sc_rank_kernel()(key)
    wd2k = jnp.concatenate(
        [Wd2[:, :K], jnp.zeros((64, KPAD - K), jnp.float32)], axis=1)
    bd2k = jnp.concatenate([bd2[:K], jnp.zeros((KPAD - K,), jnp.float32)])
    dec = _decode(x, rank, We1, be1, Wd1, bd1, wd2k, bd2k)
    return _sc_gather_kernel()(rank, dec)

# --- scband reference (transcript-rebuilt; emitter-appended) ---
"""Pipeline reference for scband-sparse-communication-network-38001870635679 (READ-ONLY COPY).

The authoritative reference and input builder live on the scoring server;
editing this copy changes nothing except your own understanding.
"""

import jax, jax.numpy as jnp
import numpy as np

OBS_DIM = 32768
K = int(OBS_DIM * 0.3)


def _w(k, fan_in, fan_out):
    return jax.random.normal(k, (fan_in, fan_out), dtype=jnp.float32) * (1.0 / np.sqrt(fan_in))


def setup_inputs(seed: int = 0) -> dict:
    key = jax.random.key(seed)
    ks = jax.random.split(key, 8)
    return {
        "x": jax.random.normal(ks[0], (OBS_DIM,), dtype=jnp.float32),
        "Wi1": _w(ks[1], OBS_DIM, 64),
        "bi1": jnp.zeros((64,), dtype=jnp.float32),
        "Wi2": _w(ks[2], 64, OBS_DIM),
        "bi2": jnp.zeros((OBS_DIM,), dtype=jnp.float32),
        "We1": _w(ks[3], OBS_DIM, 32),
        "be1": jnp.zeros((32,), dtype=jnp.float32),
        "Wd1": _w(ks[4], 32, 64),
        "bd1": jnp.zeros((64,), dtype=jnp.float32),
        "Wd2": _w(ks[5], 64, OBS_DIM),
        "bd2": jnp.zeros((OBS_DIM,), dtype=jnp.float32),
    }


def reference(x, Wi1, bi1, Wi2, bi2, We1, be1, Wd1, bd1, Wd2, bd2):
    # importance_net: Linear -> ReLU -> Linear -> Sigmoid
    h = jnp.maximum(x @ Wi1 + bi1, 0.0)
    importance = jax.nn.sigmoid(h @ Wi2 + bi2)
    # top-k over importance, select k = int(obs_dim * 0.3) indices
    _, indices = jax.lax.top_k(importance, K)
    # sparse masking: keep only top-k features of x
    sparse_x = jnp.zeros_like(x).at[indices].set(x[indices])
    # encoder: Linear -> ReLU
    encoded = jnp.maximum(sparse_x @ We1 + be1, 0.0)
    # decoder: Linear -> ReLU -> Linear
    d = jnp.maximum(encoded @ Wd1 + bd1, 0.0)
    decoded_full = d @ Wd2 + bd2
    # scatter first k decoded values back into top-k positions
    result = jnp.zeros((OBS_DIM,), dtype=decoded_full.dtype).at[indices].set(decoded_full[:K])
    return result

if __name__ == "__main__":
    import jax
    _d = setup_inputs()
    print(jax.jit(kernel)(*tuple(_d.values())))

</pallas_src>

<mosaic_0001>
#map = affine_map<(d0, d1) -> (0)>
module attributes {stable_mosaic.version = 14 : i64} {
  func.func @_sc_gather_body(%arg0: i32, %arg1: i32, %arg2: memref<32768xi32, #tpu.memory_space<hbm>>, %arg3: memref<9856xf32, #tpu.memory_space<hbm>>, %arg4: memref<32768xf32, #tpu.memory_space<hbm>>, %arg5: memref<1024xi32, #tpu.memory_space<vmem>>, %arg6: memref<9856xf32, #tpu.memory_space<vmem>>, %arg7: memref<1024xf32, #tpu.memory_space<vmem>>) attributes {dimension_semantics = [#tpu.dimension_semantics<core_parallel>, #tpu.dimension_semantics<subcore_parallel>], iteration_bounds = array<i64: 2, 16>, scalar_prefetch = 0 : i64, scratch_operands = 3 : i64, tpu.core_type = #tpu.core_type<sc_vector_subcore>, window_params = [{transform_indices = #map}, {transform_indices = #map}, {transform_indices = #map}]} {
    %mul3A = arith.constant 2 : i32
    %mul3A_0 = arith.muli %arg1, %mul3A : i32
    %add3A = arith.addi %mul3A_0, %arg0 : i32
    %mul3A_1 = arith.constant 1024 : i32
    %mul3A_2 = arith.muli %add3A, %mul3A_1 : i32
    "tpu.region"() ({
      %run_scoped3A = tpu.sem_alloc : memref<!tpu.dma_semaphore, #tpu.memory_space<semaphore_mem>>
      %dma_start3A = tpu.memref_slice %arg2[%mul3A_2] : memref<32768xi32, #tpu.memory_space<hbm>> -> memref<1024xi32, #tpu.memory_space<hbm>>
      %dma_start3A_8 = tpu.memref_slice %arg2[%mul3A_2] : memref<32768xi32, #tpu.memory_space<hbm>> -> memref<1024xi32, #tpu.memory_space<hbm>>
      tpu.enqueue_dma source(%dma_start3A_8 : memref<1024xi32, #tpu.memory_space<hbm>>) target(%arg5 : memref<1024xi32, #tpu.memory_space<vmem>>) target_semaphore(%run_scoped3A : memref<!tpu.dma_semaphore, #tpu.memory_space<semaphore_mem>>)
      %dma_wait3A = tpu.memref_slice %arg2[%mul3A_2] : memref<32768xi32, #tpu.memory_space<hbm>> -> memref<1024xi32, #tpu.memory_space<hbm>>
      %dma_wait3A_9 = tpu.memref_slice %arg2[%mul3A_2] : memref<32768xi32, #tpu.memory_space<hbm>> -> memref<1024xi32, #tpu.memory_space<hbm>>
      tpu.wait_dma2 semaphore(%run_scoped3A : memref<!tpu.dma_semaphore, #tpu.memory_space<semaphore_mem>>) src(%dma_wait3A_9 : memref<1024xi32, #tpu.memory_space<hbm>>) dst(%arg5 : memref<1024xi32, #tpu.memory_space<vmem>>)
      tpu.yield
    }) : () -> ()
    "tpu.region"() ({
      %run_scoped3A = tpu.sem_alloc : memref<!tpu.dma_semaphore, #tpu.memory_space<semaphore_mem>>
      tpu.enqueue_dma source(%arg3 : memref<9856xf32, #tpu.memory_space<hbm>>) target(%arg6 : memref<9856xf32, #tpu.memory_space<vmem>>) target_semaphore(%run_scoped3A : memref<!tpu.dma_semaphore, #tpu.memory_space<semaphore_mem>>)
      tpu.wait_dma2 semaphore(%run_scoped3A : memref<!tpu.dma_semaphore, #tpu.memory_space<semaphore_mem>>) src(%arg3 : memref<9856xf32, #tpu.memory_space<hbm>>) dst(%arg6 : memref<9856xf32, #tpu.memory_space<vmem>>)
      tpu.yield
    }) : () -> ()
    %scan3A = arith.constant 0 : i32
    %scan3A_3 = arith.constant 0 : i32
    %scan3A_4 = arith.constant 64 : i32
    %scan3A_5 = arith.addi %scan3A_3, %scan3A_4 : i32
    %scan3A_6 = arith.constant 1 : i32
    scf.for %scan3A_8 = %scan3A_3 to %scan3A_5 step %scan3A_6  : i32 {
      %mul3A_9 = arith.constant 16 : i32
      %mul3A_10 = arith.muli %scan3A_8, %mul3A_9 : i32
      %get3A = arith.index_cast %mul3A_10 : i32 to index
      %get3A_11 = tpu.vector_load %arg5[%get3A] {strides = array<i32>} : memref<1024xi32, #tpu.memory_space<vmem>>, vector<16xi32>,
      %lt3A = arith.constant 9830 : i32
      %lt3A_12 = vector.broadcast %lt3A : i32 to vector<16xi32>
      %lt3A_13 = arith.cmpi slt, %get3A_11, %lt3A_12 : vector<16xi32>
      %jit3A = arith.constant 0 : i32
      %broadcast_in_dim3A = vector.broadcast %jit3A : i32 to vector<16xi32>
      %select_n3A = arith.select %lt3A_13, %get3A_11, %broadcast_in_dim3A : vector<16xi1>, vector<16xi32>
      %gather3A = tpu.vector_load_idx %arg6[%select_n3A] : memref<9856xf32, #tpu.memory_space<vmem>>[vector<16xi32>], vector<16xf32>,
      %jit3A_14 = arith.constant 0.000000e+00 : f32
      %broadcast_in_dim3A_15 = vector.broadcast %jit3A_14 : f32 to vector<16xf32>
      %select_n3A_16 = arith.select %lt3A_13, %gather3A, %broadcast_in_dim3A_15 : vector<16xi1>, vector<16xf32>
      %swap3A = arith.index_cast %mul3A_10 : i32 to index
      %swap3A_17 = tpu.vector_load %arg7[%swap3A] {strides = array<i32>} : memref<1024xf32, #tpu.memory_space<vmem>>, vector<16xf32>,
      tpu.vector_store %arg7[%swap3A], %select_n3A_16 {strides = array<i32>} : memref<1024xf32, #tpu.memory_space<vmem>>, vector<16xf32>,
    }
    %scan3A_7 = arith.constant 64 : i32
    "tpu.region"() ({
      %run_scoped3A = tpu.sem_alloc : memref<!tpu.dma_semaphore, #tpu.memory_space<semaphore_mem>>
      %dma_start3A = tpu.memref_slice %arg4[%mul3A_2] : memref<32768xf32, #tpu.memory_space<hbm>> -> memref<1024xf32, #tpu.memory_space<hbm>>
      %dma_start3A_8 = tpu.memref_slice %arg4[%mul3A_2] : memref<32768xf32, #tpu.memory_space<hbm>> -> memref<1024xf32, #tpu.memory_space<hbm>>
      tpu.enqueue_dma source(%arg7 : memref<1024xf32, #tpu.memory_space<vmem>>) target(%dma_start3A_8 : memref<1024xf32, #tpu.memory_space<hbm>>) target_semaphore(%run_scoped3A : memref<!tpu.dma_semaphore, #tpu.memory_space<semaphore_mem>>)
      %dma_wait3A = tpu.memref_slice %arg4[%mul3A_2] : memref<32768xf32, #tpu.memory_space<hbm>> -> memref<1024xf32, #tpu.memory_space<hbm>>
      %dma_wait3A_9 = tpu.memref_slice %arg4[%mul3A_2] : memref<32768xf32, #tpu.memory_space<hbm>> -> memref<1024xf32, #tpu.memory_space<hbm>>
      tpu.wait_dma2 semaphore(%run_scoped3A : memref<!tpu.dma_semaphore, #tpu.memory_space<semaphore_mem>>) src(%arg7 : memref<1024xf32, #tpu.memory_space<vmem>>) dst(%dma_wait3A_9 : memref<1024xf32, #tpu.memory_space<hbm>>)
      tpu.yield
    }) : () -> ()
    return
  }
}

#map = affine_map<(d0, d1) -> (0)>
module attributes {stable_mosaic.version = 14 : i64} {
  func.func @_sc_rank_body(%arg0: i32, %arg1: i32, %arg2: memref<32768xi32, #tpu.memory_space<hbm>>, %arg3: memref<32768xi32, #tpu.memory_space<hbm>>, %arg4: memref<2048xi32, #tpu.memory_space<vmem>>, %arg5: memref<2048xi32, #tpu.memory_space<vmem>>, %arg6: memref<2048xi32, #tpu.memory_space<vmem>>, %arg7: memref<2048xi32, #tpu.memory_space<vmem>>, %arg8: memref<2048xi32, #tpu.memory_space<vmem>>, %arg9: memref<256xi32, #tpu.memory_space<vmem>>, %arg10: memref<256xi32, #tpu.memory_space<vmem>>, %arg11: memref<16x256xi32, #tpu.memory_space<vmem>>, %arg12: memref<16x256xi32, #tpu.memory_space<vmem_shared>>, %arg13: memref<32768xi32, #tpu.memory_space<vmem_shared>>, %arg14: memref<32768xi32, #tpu.memory_space<vmem_shared>>) attributes {dimension_semantics = [#tpu.dimension_semantics<core_parallel>, #tpu.dimension_semantics<subcore_parallel>], iteration_bounds = array<i64: 1, 16>, scalar_prefetch = 0 : i64, scratch_operands = 11 : i64, tpu.core_type = #tpu.core_type<sc_vector_subcore>, window_params = [{transform_indices = #map}, {transform_indices = #map}]} {
    %mul3A = arith.constant 2048 : i32
    %mul3A_0 = arith.muli %arg1, %mul3A : i32
    "tpu.region"() ({
      %run_scoped3A = tpu.sem_alloc : memref<!tpu.dma_semaphore, #tpu.memory_space<semaphore_mem>>
      %dma_start3A = tpu.memref_slice %arg2[%mul3A_0] : memref<32768xi32, #tpu.memory_space<hbm>> -> memref<2048xi32, #tpu.memory_space<hbm>>
      %dma_start3A_112 = tpu.memref_slice %arg2[%mul3A_0] : memref<32768xi32, #tpu.memory_space<hbm>> -> memref<2048xi32, #tpu.memory_space<hbm>>
      tpu.enqueue_dma source(%dma_start3A_112 : memref<2048xi32, #tpu.memory_space<hbm>>) target(%arg4 : memref<2048xi32, #tpu.memory_space<vmem>>) target_semaphore(%run_scoped3A : memref<!tpu.dma_semaphore, #tpu.memory_space<semaphore_mem>>)
      %dma_wait3A = tpu.memref_slice %arg2[%mul3A_0] : memref<32768xi32, #tpu.memory_space<hbm>> -> memref<2048xi32, #tpu.memory_space<hbm>>
      %dma_wait3A_113 = tpu.memref_slice %arg2[%mul3A_0] : memref<32768xi32, #tpu.memory_space<hbm>> -> memref<2048xi32, #tpu.memory_space<hbm>>
      tpu.wait_dma2 semaphore(%run_scoped3A : memref<!tpu.dma_semaphore, #tpu.memory_space<semaphore_mem>>) src(%dma_wait3A_113 : memref<2048xi32, #tpu.memory_space<hbm>>) dst(%arg4 : memref<2048xi32, #tpu.memory_space<vmem>>)
      tpu.yield
    }) : () -> ()
    %scan3A = arith.constant 0 : i32
    %scan3A_1 = arith.constant 0 : i32
    %scan3A_2 = arith.constant 128 : i32
    %scan3A_3 = arith.addi %scan3A_1, %scan3A_2 : i32
    %scan3A_4 = arith.constant 1 : i32
    scf.for %scan3A_112 = %scan3A_1 to %scan3A_3 step %scan3A_4  : i32 {
      %mul3A_113 = arith.constant 16 : i32
      %mul3A_114 = arith.muli %scan3A_112, %mul3A_113 : i32
      %add3A = arith.addi %mul3A_0, %mul3A_114 : i32
      %iota3A = tpu.iota {dimensions = array<i32: 0>} : vector<16xi32>
      %add3A_115 = vector.broadcast %add3A : i32 to vector<16xi32>
      %add3A_116 = arith.addi %add3A_115, %iota3A : vector<16xi32>
      %mul3A_117 = arith.constant 16 : i32
      %mul3A_118 = arith.muli %scan3A_112, %mul3A_117 : i32
      %swap3A = arith.index_cast %mul3A_118 : i32 to index
      %swap3A_119 = tpu.vector_load %arg5[%swap3A] {strides = array<i32>} : memref<2048xi32, #tpu.memory_space<vmem>>, vector<16xi32>,
      tpu.vector_store %arg5[%swap3A], %add3A_116 {strides = array<i32>} : memref<2048xi32, #tpu.memory_space<vmem>>, vector<16xi32>,
    }
    %scan3A_5 = arith.constant 128 : i32
    %scan3A_6 = arith.constant 0 : i32
    %scan3A_7 = arith.constant 0 : i32
    %scan3A_8 = arith.constant 16 : i32
    %scan3A_9 = arith.addi %scan3A_7, %scan3A_8 : i32
    %scan3A_10 = arith.constant 1 : i32
    scf.for %scan3A_112 = %scan3A_7 to %scan3A_9 step %scan3A_10  : i32 {
      %broadcast_in_dim3A = arith.constant 0 : i32
      %broadcast_in_dim3A_113 = vector.broadcast %broadcast_in_dim3A : i32 to vector<16xi32>
      %mul3A_114 = arith.constant 16 : i32
      %mul3A_115 = arith.muli %scan3A_112, %mul3A_114 : i32
      %swap3A = arith.index_cast %mul3A_115 : i32 to index
      %swap3A_116 = tpu.vector_load %arg9[%swap3A] {strides = array<i32>} : memref<256xi32, #tpu.memory_space<vmem>>, vector<16xi32>,
      tpu.vector_store %arg9[%swap3A], %broadcast_in_dim3A_113 {strides = array<i32>} : memref<256xi32, #tpu.memory_space<vmem>>, vector<16xi32>,
    }
    %scan3A_11 = arith.constant 16 : i32
    %scan3A_12 = arith.constant 0 : i32
    %scan3A_13 = arith.constant 0 : i32
    %scan3A_14 = arith.constant 128 : i32
    %scan3A_15 = arith.addi %scan3A_13, %scan3A_14 : i32
    %scan3A_16 = arith.constant 1 : i32
    scf.for %scan3A_112 = %scan3A_13 to %scan3A_15 step %scan3A_16  : i32 {
      %mul3A_113 = arith.constant 16 : i32
      %mul3A_114 = arith.muli %scan3A_112, %mul3A_113 : i32
      %get3A = arith.index_cast %mul3A_114 : i32 to index
      %get3A_115 = tpu.vector_load %arg4[%get3A] {strides = array<i32>} : memref<2048xi32, #tpu.memory_space<vmem>>, vector<16xi32>,
      %shift_right_arithmetic3A = arith.constant 0 : i32
      %shift_right_arithmetic3A_116 = vector.broadcast %shift_right_arithmetic3A : i32 to vector<16xi32>
      %shift_right_arithmetic3A_117 = arith.shrsi %get3A_115, %shift_right_arithmetic3A_116 : vector<16xi32>
      %and3A = arith.constant 255 : i32
      %and3A_118 = vector.broadcast %and3A : i32 to vector<16xi32>
      %and3A_119 = arith.andi %shift_right_arithmetic3A_117, %and3A_118 : vector<16xi32>
      %swap3A = arith.index_cast %mul3A_114 : i32 to index
      %swap3A_120 = tpu.vector_load %arg6[%swap3A] {strides = array<i32>} : memref<2048xi32, #tpu.memory_space<vmem>>, vector<16xi32>,
      tpu.vector_store %arg6[%swap3A], %and3A_119 {strides = array<i32>} : memref<2048xi32, #tpu.memory_space<vmem>>, vector<16xi32>,
      %broadcast_in_dim3A = arith.constant true
      %broadcast_in_dim3A_121 = vector.broadcast %broadcast_in_dim3A : i1 to vector<16xi1>
      %unique3A, %unique3A_122 = tpu.scan_count mask(%broadcast_in_dim3A_121 : vector<16xi1>) value(%and3A_119 : vector<16xi32>) : vector<16xi1>, vector<16xi32>
      %gather3A = tpu.vector_load_idx %arg9[%and3A_119] : memref<256xi32, #tpu.memory_space<vmem>>[vector<16xi32>], vector<16xi32>,
      %add3A = arith.addi %gather3A, %unique3A_122 : vector<16xi32>
      %sub3A = arith.constant 1 : i32
      %sub3A_123 = vector.broadcast %sub3A : i32 to vector<16xi32>
      %sub3A_124 = arith.subi %add3A, %sub3A_123 : vector<16xi32>
      %swap3A_125 = arith.index_cast %mul3A_114 : i32 to index
      %swap3A_126 = tpu.vector_load %arg7[%swap3A_125] {strides = array<i32>} : memref<2048xi32, #tpu.memory_space<vmem>>, vector<16xi32>,
      tpu.vector_store %arg7[%swap3A_125], %sub3A_124 {strides = array<i32>} : memref<2048xi32, #tpu.memory_space<vmem>>, vector<16xi32>,
      tpu.vector_store_idx %arg9[%and3A_119], %unique3A_122 masked %unique3A {add = true} : memref<256xi32, #tpu.memory_space<vmem>>[vector<16xi32>], vector<16xi32>, vector<16xi1>
    }
    %scan3A_17 = arith.constant 128 : i32
    "tpu.region"() ({
      %run_scoped3A = tpu.sem_alloc : memref<!tpu.dma_semaphore, #tpu.memory_space<semaphore_mem>>
      %dma_start3A = arith.constant 0 : i32
      %dma_start3A_112 = tpu.memref_slice %arg12[%arg1, %dma_start3A] : memref<16x256xi32, #tpu.memory_space<vmem_shared>> -> memref<1x256xi32, #tpu.memory_space<vmem_shared>>
      %dma_start3A_113 = tpu.memref_squeeze %dma_start3A_112 : memref<1x256xi32, #tpu.memory_space<vmem_shared>> -> memref<256xi32, #tpu.memory_space<vmem_shared>>
      %dma_start3A_114 = arith.constant 0 : i32
      %dma_start3A_115 = tpu.memref_slice %arg12[%arg1, %dma_start3A_114] : memref<16x256xi32, #tpu.memory_space<vmem_shared>> -> memref<1x256xi32, #tpu.memory_space<vmem_shared>>
      %dma_start3A_116 = tpu.memref_squeeze %dma_start3A_115 : memref<1x256xi32, #tpu.memory_space<vmem_shared>> -> memref<256xi32, #tpu.memory_space<vmem_shared>>
      tpu.enqueue_dma source(%arg9 : memref<256xi32, #tpu.memory_space<vmem>>) target(%dma_start3A_116 : memref<256xi32, #tpu.memory_space<vmem_shared>>) target_semaphore(%run_scoped3A : memref<!tpu.dma_semaphore, #tpu.memory_space<semaphore_mem>>)
      %dma_wait3A = arith.constant 0 : i32
      %dma_wait3A_117 = tpu.memref_slice %arg12[%arg1, %dma_wait3A] : memref<16x256xi32, #tpu.memory_space<vmem_shared>> -> memref<1x256xi32, #tpu.memory_space<vmem_shared>>
      %dma_wait3A_118 = tpu.memref_squeeze %dma_wait3A_117 : memref<1x256xi32, #tpu.memory_space<vmem_shared>> -> memref<256xi32, #tpu.memory_space<vmem_shared>>
      %dma_wait3A_119 = arith.constant 0 : i32
      %dma_wait3A_120 = tpu.memref_slice %arg12[%arg1, %dma_wait3A_119] : memref<16x256xi32, #tpu.memory_space<vmem_shared>> -> memref<1x256xi32, #tpu.memory_space<vmem_shared>>
      %dma_wait3A_121 = tpu.memref_squeeze %dma_wait3A_120 : memref<1x256xi32, #tpu.memory_space<vmem_shared>> -> memref<256xi32, #tpu.memory_space<vmem_shared>>
      tpu.wait_dma2 semaphore(%run_scoped3A : memref<!tpu.dma_semaphore, #tpu.memory_space<semaphore_mem>>) src(%arg9 : memref<256xi32, #tpu.memory_space<vmem>>) dst(%dma_wait3A_121 : memref<256xi32, #tpu.memory_space<vmem_shared>>)
      tpu.yield
    }) : () -> ()
    %barrier3A = arith.constant 0 : index
    tpu.barrier barrier_id(%barrier3A)
    "tpu.region"() ({
      %run_scoped3A = tpu.sem_alloc : memref<!tpu.dma_semaphore, #tpu.memory_space<semaphore_mem>>
      tpu.enqueue_dma source(%arg12 : memref<16x256xi32, #tpu.memory_space<vmem_shared>>) target(%arg11 : memref<16x256xi32, #tpu.memory_space<vmem>>) target_semaphore(%run_scoped3A : memref<!tpu.dma_semaphore, #tpu.memory_space<semaphore_mem>>)
      tpu.wait_dma2 semaphore(%run_scoped3A : memref<!tpu.dma_semaphore, #tpu.memory_space<semaphore_mem>>) src(%arg12 : memref<16x256xi32, #tpu.memory_space<vmem_shared>>) dst(%arg11 : memref<16x256xi32, #tpu.memory_space<vmem>>)
      tpu.yield
    }) : () -> ()
    %scan3A_18 = arith.constant 0 : i32
    %scan3A_19 = arith.constant 0 : i32
    %scan3A_20 = arith.constant 16 : i32
    %scan3A_21 = arith.addi %scan3A_19, %scan3A_20 : i32
    %scan3A_22 = arith.constant 1 : i32
    %scan3A_23 = scf.for %scan3A_112 = %scan3A_19 to %scan3A_21 step %scan3A_22 iter_args(%scan3A_113 = %scan3A_18) -> (i32)  : i32 {
      %mul3A_114 = arith.constant 16 : i32
      %mul3A_115 = arith.muli %scan3A_112, %mul3A_114 : i32
      %broadcast_in_dim3A = arith.constant 0 : i32
      %broadcast_in_dim3A_116 = vector.broadcast %broadcast_in_dim3A : i32 to vector<16xi32>
      %broadcast_in_dim3A_117 = arith.constant 0 : i32
      %broadcast_in_dim3A_118 = vector.broadcast %broadcast_in_dim3A_117 : i32 to vector<16xi32>
      %get3A = arith.constant 0 : i32
      %get3A_119 = arith.index_cast %get3A : i32 to index
      %get3A_120 = arith.index_cast %mul3A_115 : i32 to index
      %get3A_121 = tpu.vector_load %arg11[%get3A_119, %get3A_120] {strides = array<i32>} : memref<16x256xi32, #tpu.memory_space<vmem>>, vector<16xi32>,
      %add3A = arith.addi %broadcast_in_dim3A_116, %get3A_121 : vector<16xi32>
      %lt3A = arith.constant 0 : i32
      %lt3A_122 = arith.cmpi slt, %lt3A, %arg1 : i32
      %convert_element_type3A = arith.extui %lt3A_122 : i1 to i32
      %mul3A_123 = vector.broadcast %convert_element_type3A : i32 to vector<16xi32>
      %mul3A_124 = arith.muli %get3A_121, %mul3A_123 : vector<16xi32>
      %add3A_125 = arith.addi %broadcast_in_dim3A_118, %mul3A_124 : vector<16xi32>
      %get3A_126 = arith.constant 1 : i32
      %get3A_127 = arith.index_cast %get3A_126 : i32 to index
      %get3A_128 = arith.index_cast %mul3A_115 : i32 to index
      %get3A_129 = tpu.vector_load %arg11[%get3A_127, %get3A_128] {strides = array<i32>} : memref<16x256xi32, #tpu.memory_space<vmem>>, vector<16xi32>,
      %add3A_130 = arith.addi %add3A, %get3A_129 : vector<16xi32>
      %lt3A_131 = arith.constant 1 : i32
      %lt3A_132 = arith.cmpi slt, %lt3A_131, %arg1 : i32
      %convert_element_type3A_133 = arith.extui %lt3A_132 : i1 to i32
      %mul3A_134 = vector.broadcast %convert_element_type3A_133 : i32 to vector<16xi32>
      %mul3A_135 = arith.muli %get3A_129, %mul3A_134 : vector<16xi32>
      %add3A_136 = arith.addi %add3A_125, %mul3A_135 : vector<16xi32>
      %get3A_137 = arith.constant 2 : i32
      %get3A_138 = arith.index_cast %get3A_137 : i32 to index
      %get3A_139 = arith.index_cast %mul3A_115 : i32 to index
      %get3A_140 = tpu.vector_load %arg11[%get3A_138, %get3A_139] {strides = array<i32>} : memref<16x256xi32, #tpu.memory_space<vmem>>, vector<16xi32>,
      %add3A_141 = arith.addi %add3A_130, %get3A_140 : vector<16xi32>
      %lt3A_142 = arith.constant 2 : i32
      %lt3A_143 = arith.cmpi slt, %lt3A_142, %arg1 : i32
      %convert_element_type3A_144 = arith.extui %lt3A_143 : i1 to i32
      %mul3A_145 = vector.broadcast %convert_element_type3A_144 : i32 to vector<16xi32>
      %mul3A_146 = arith.muli %get3A_140, %mul3A_145 : vector<16xi32>
      %add3A_147 = arith.addi %add3A_136, %mul3A_146 : vector<16xi32>
      %get3A_148 = arith.constant 3 : i32
      %get3A_149 = arith.index_cast %get3A_148 : i32 to index
      %get3A_150 = arith.index_cast %mul3A_115 : i32 to index
      %get3A_151 = tpu.vector_load %arg11[%get3A_149, %get3A_150] {strides = array<i32>} : memref<16x256xi32, #tpu.memory_space<vmem>>, vector<16xi32>,
      %add3A_152 = arith.addi %add3A_141, %get3A_151 : vector<16xi32>
      %lt3A_153 = arith.constant 3 : i32
      %lt3A_154 = arith.cmpi slt, %lt3A_153, %arg1 : i32
      %convert_element_type3A_155 = arith.extui %lt3A_154 : i1 to i32
      %mul3A_156 = vector.broadcast %convert_element_type3A_155 : i32 to vector<16xi32>
      %mul3A_157 = arith.muli %get3A_151, %mul3A_156 : vector<16xi32>
      %add3A_158 = arith.addi %add3A_147, %mul3A_157 : vector<16xi32>
      %get3A_159 = arith.constant 4 : i32
      %get3A_160 = arith.index_cast %get3A_159 : i32 to index
      %get3A_161 = arith.index_cast %mul3A_115 : i32 to index
      %get3A_162 = tpu.vector_load %arg11[%get3A_160, %get3A_161] {strides = array<i32>} : memref<16x256xi32, #tpu.memory_space<vmem>>, vector<16xi32>,
      %add3A_163 = arith.addi %add3A_152, %get3A_162 : vector<16xi32>
      %lt3A_164 = arith.constant 4 : i32
      %lt3A_165 = arith.cmpi slt, %lt3A_164, %arg1 : i32
      %convert_element_type3A_166 = arith.extui %lt3A_165 : i1 to i32
      %mul3A_167 = vector.broadcast %convert_element_type3A_166 : i32 to vector<16xi32>
      %mul3A_168 = arith.muli %get3A_162, %mul3A_167 : vector<16xi32>
      %add3A_169 = arith.addi %add3A_158, %mul3A_168 : vector<16xi32>
      %get3A_170 = arith.constant 5 : i32
      %get3A_171 = arith.index_cast %get3A_170 : i32 to index
      %get3A_172 = arith.index_cast %mul3A_115 : i32 to index
      %get3A_173 = tpu.vector_load %arg11[%get3A_171, %get3A_172] {strides = array<i32>} : memref<16x256xi32, #tpu.memory_space<vmem>>, vector<16xi32>,
      %add3A_174 = arith.addi %add3A_163, %get3A_173 : vector<16xi32>
      %lt3A_175 = arith.constant 5 : i32
      %lt3A_176 = arith.cmpi slt, %lt3A_175, %arg1 : i32
      %convert_element_type3A_177 = arith.extui %lt3A_176 : i1 to i32
      %mul3A_178 = vector.broadcast %convert_element_type3A_177 : i32 to vector<16xi32>
      %mul3A_179 = arith.muli %get3A_173, %mul3A_178 : vector<16xi32>
      %add3A_180 = arith.addi %add3A_169, %mul3A_179 : vector<16xi32>
      %get3A_181 = arith.constant 6 : i32
      %get3A_182 = arith.index_cast %get3A_181 : i32 to index
      %get3A_183 = arith.index_cast %mul3A_115 : i32 to index
      %get3A_184 = tpu.vector_load %arg11[%get3A_182, %get3A_183] {strides = array<i32>} : memref<16x256xi32, #tpu.memory_space<vmem>>, vector<16xi32>,
      %add3A_185 = arith.addi %add3A_174, %get3A_184 : vector<16xi32>
      %lt3A_186 = arith.constant 6 : i32
      %lt3A_187 = arith.cmpi slt, %lt3A_186, %arg1 : i32
      %convert_element_type3A_188 = arith.extui %lt3A_187 : i1 to i32
      %mul3A_189 = vector.broadcast %convert_element_type3A_188 : i32 to vector<16xi32>
      %mul3A_190 = arith.muli %get3A_184, %mul3A_189 : vector<16xi32>
      %add3A_191 = arith.addi %add3A_180, %mul3A_190 : vector<16xi32>
      %get3A_192 = arith.constant 7 : i32
      %get3A_193 = arith.index_cast %get3A_192 : i32 to index
      %get3A_194 = arith.index_cast %mul3A_115 : i32 to index
      %get3A_195 = tpu.vector_load %arg11[%get3A_193, %get3A_194] {strides = array<i32>} : memref<16x256xi32, #tpu.memory_space<vmem>>, vector<16xi32>,
      %add3A_196 = arith.addi %add3A_185, %get3A_195 : vector<16xi32>
      %lt3A_197 = arith.constant 7 : i32
      %lt3A_198 = arith.cmpi slt, %lt3A_197, %arg1 : i32
      %convert_element_type3A_199 = arith.extui %lt3A_198 : i1 to i32
      %mul3A_200 = vector.broadcast %convert_element_type3A_199 : i32 to vector<16xi32>
      %mul3A_201 = arith.muli %get3A_195, %mul3A_200 : vector<16xi32>
      %add3A_202 = arith.addi %add3A_191, %mul3A_201 : vector<16xi32>
      %get3A_203 = arith.constant 8 : i32
      %get3A_204 = arith.index_cast %get3A_203 : i32 to index
      %get3A_205 = arith.index_cast %mul3A_115 : i32 to index
      %get3A_206 = tpu.vector_load %arg11[%get3A_204, %get3A_205] {strides = array<i32>} : memref<16x256xi32, #tpu.memory_space<vmem>>, vector<16xi32>,
      %add3A_207 = arith.addi %add3A_196, %get3A_206 : vector<16xi32>
      %lt3A_208 = arith.constant 8 : i32
      %lt3A_209 = arith.cmpi slt, %lt3A_208, %arg1 : i32
      %convert_element_type3A_210 = arith.extui %lt3A_209 : i1 to i32
      %mul3A_211 = vector.broadcast %convert_element_type3A_210 : i32 to vector<16xi32>
      %mul3A_212 = arith.muli %get3A_206, %mul3A_211 : vector<16xi32>
      %add3A_213 = arith.addi %add3A_202, %mul3A_212 : vector<16xi32>
      %get3A_214 = arith.constant 9 : i32
      %get3A_215 = arith.index_cast %get3A_214 : i32 to index
      %get3A_216 = arith.index_cast %mul3A_115 : i32 to index
      %get3A_217 = tpu.vector_load %arg11[%get3A_215, %get3A_216] {strides = array<i32>} : memref<16x256xi32, #tpu.memory_space<vmem>>, vector<16xi32>,
      %add3A_218 = arith.addi %add3A_207, %get3A_217 : vector<16xi32>
      %lt3A_219 = arith.constant 9 : i32
      %lt3A_220 = arith.cmpi slt, %lt3A_219, %arg1 : i32
      %convert_element_type3A_221 = arith.extui %lt3A_220 : i1 to i32
      %mul3A_222 = vector.broadcast %convert_element_type3A_221 : i32 to vector<16xi32>
      %mul3A_223 = arith.muli %get3A_217, %mul3A_222 : vector<16xi32>
      %add3A_224 = arith.addi %add3A_213, %mul3A_223 : vector<16xi32>
      %get3A_225 = arith.constant 10 : i32
      %get3A_226 = arith.index_cast %get3A_225 : i32 to index
      %get3A_227 = arith.index_cast %mul3A_115 : i32 to index
      %get3A_228 = tpu.vector_load %arg11[%get3A_226, %get3A_227] {strides = array<i32>} : memref<16x256xi32, #tpu.memory_space<vmem>>, vector<16xi32>,
      %add3A_229 = arith.addi %add3A_218, %get3A_228 : vector<16xi32>
      %lt3A_230 = arith.constant 10 : i32
      %lt3A_231 = arith.cmpi slt, %lt3A_230, %arg1 : i32
      %convert_element_type3A_232 = arith.extui %lt3A_231 : i1 to i32
      %mul3A_233 = vector.broadcast %convert_element_type3A_232 : i32 to vector<16xi32>
      %mul3A_234 = arith.muli %get3A_228, %mul3A_233 : vector<16xi32>
      %add3A_235 = arith.addi %add3A_224, %mul3A_234 : vector<16xi32>
      %get3A_236 = arith.constant 11 : i32
      %get3A_237 = arith.index_cast %get3A_236 : i32 to index
      %get3A_238 = arith.index_cast %mul3A_115 : i32 to index
      %get3A_239 = tpu.vector_load %arg11[%get3A_237, %get3A_238] {strides = array<i32>} : memref<16x256xi32, #tpu.memory_space<vmem>>, vector<16xi32>,
      %add3A_240 = arith.addi %add3A_229, %get3A_239 : vector<16xi32>
      %lt3A_241 = arith.constant 11 : i32
      %lt3A_242 = arith.cmpi slt, %lt3A_241, %arg1 : i32
      %convert_element_type3A_243 = arith.extui %lt3A_242 : i1 to i32
      %mul3A_244 = vector.broadcast %convert_element_type3A_243 : i32 to vector<16xi32>
      %mul3A_245 = arith.muli %get3A_239, %mul3A_244 : vector<16xi32>
      %add3A_246 = arith.addi %add3A_235, %mul3A_245 : vector<16xi32>
      %get3A_247 = arith.constant 12 : i32
      %get3A_248 = arith.index_cast %get3A_247 : i32 to index
      %get3A_249 = arith.index_cast %mul3A_115 : i32 to index
      %get3A_250 = tpu.vector_load %arg11[%get3A_248, %get3A_249] {strides = array<i32>} : memref<16x256xi32, #tpu.memory_space<vmem>>, vector<16xi32>,
      %add3A_251 = arith.addi %add3A_240, %get3A_250 : vector<16xi32>
      %lt3A_252 = arith.constant 12 : i32
      %lt3A_253 = arith.cmpi slt, %lt3A_252, %arg1 : i32
      %convert_element_type3A_254 = arith.extui %lt3A_253 : i1 to i32
      %mul3A_255 = vector.broadcast %convert_element_type3A_254 : i32 to vector<16xi32>
      %mul3A_256 = arith.muli %get3A_250, %mul3A_255 : vector<16xi32>
      %add3A_257 = arith.addi %add3A_246, %mul3A_256 : vector<16xi32>
      %get3A_258 = arith.constant 13 : i32
      %get3A_259 = arith.index_cast %get3A_258 : i32 to index
      %get3A_260 = arith.index_cast %mul3A_115 : i32 to index
      %get3A_261 = tpu.vector_load %arg11[%get3A_259, %get3A_260] {strides = array<i32>} : memref<16x256xi32, #tpu.memory_space<vmem>>, vector<16xi32>,
      %add3A_262 = arith.addi %add3A_251, %get3A_261 : vector<16xi32>
      %lt3A_263 = arith.constant 13 : i32
      %lt3A_264 = arith.cmpi slt, %lt3A_263, %arg1 : i32
      %convert_element_type3A_265 = arith.extui %lt3A_264 : i1 to i32
      %mul3A_266 = vector.broadcast %convert_element_type3A_265 : i32 to vector<16xi32>
      %mul3A_267 = arith.muli %get3A_261, %mul3A_266 : vector<16xi32>
      %add3A_268 = arith.addi %add3A_257, %mul3A_267 : vector<16xi32>
      %get3A_269 = arith.constant 14 : i32
      %get3A_270 = arith.index_cast %get3A_269 : i32 to index
      %get3A_271 = arith.index_cast %mul3A_115 : i32 to index
      %get3A_272 = tpu.vector_load %arg11[%get3A_270, %get3A_271] {strides = array<i32>} : memref<16x256xi32, #tpu.memory_space<vmem>>, vector<16xi32>,
      %add3A_273 = arith.addi %add3A_262, %get3A_272 : vector<16xi32>
      %lt3A_274 = arith.constant 14 : i32
      %lt3A_275 = arith.cmpi slt, %lt3A_274, %arg1 : i32
      %convert_element_type3A_276 = arith.extui %lt3A_275 : i1 to i32
      %mul3A_277 = vector.broadcast %convert_element_type3A_276 : i32 to vector<16xi32>
      %mul3A_278 = arith.muli %get3A_272, %mul3A_277 : vector<16xi32>
      %add3A_279 = arith.addi %add3A_268, %mul3A_278 : vector<16xi32>
      %get3A_280 = arith.constant 15 : i32
      %get3A_281 = arith.index_cast %get3A_280 : i32 to index
      %get3A_282 = arith.index_cast %mul3A_115 : i32 to index
      %get3A_283 = tpu.vector_load %arg11[%get3A_281, %get3A_282] {strides = array<i32>} : memref<16x256xi32, #tpu.memory_space<vmem>>, vector<16xi32>,
      %add3A_284 = arith.addi %add3A_273, %get3A_283 : vector<16xi32>
      %lt3A_285 = arith.constant 15 : i32
      %lt3A_286 = arith.cmpi slt, %lt3A_285, %arg1 : i32
      %convert_element_type3A_287 = arith.extui %lt3A_286 : i1 to i32
      %mul3A_288 = vector.broadcast %convert_element_type3A_287 : i32 to vector<16xi32>
      %mul3A_289 = arith.muli %get3A_283, %mul3A_288 : vector<16xi32>
      %add3A_290 = arith.addi %add3A_279, %mul3A_289 : vector<16xi32>
      %broadcast_in_dim3A_291 = arith.constant true
      %broadcast_in_dim3A_292 = vector.broadcast %broadcast_in_dim3A_291 : i1 to vector<16xi1>
      %masked_cumsum3A = tpu.scan <sum>, %add3A_284 masked %broadcast_in_dim3A_292 : vector<16xi32>, vector<16xi1> -> vector<16xi32>
      %sub3A = arith.subi %masked_cumsum3A, %add3A_284 : vector<16xi32>
      %add3A_293 = vector.broadcast %scan3A_113 : i32 to vector<16xi32>
      %add3A_294 = arith.addi %sub3A, %add3A_293 : vector<16xi32>
      %add3A_295 = arith.addi %add3A_294, %add3A_290 : vector<16xi32>
      %swap3A = arith.index_cast %mul3A_115 : i32 to index
      %swap3A_296 = tpu.vector_load %arg10[%swap3A] {strides = array<i32>} : memref<256xi32, #tpu.memory_space<vmem>>, vector<16xi32>,
      tpu.vector_store %arg10[%swap3A], %add3A_295 {strides = array<i32>} : memref<256xi32, #tpu.memory_space<vmem>>, vector<16xi32>,
      %reduce_sum3A = arith.constant true
      %reduce_sum3A_297 = vector.broadcast %reduce_sum3A : i1 to vector<16xi1>
      %reduce_sum3A_298 = tpu.scan <sum>, %add3A_284 masked %reduce_sum3A_297 : vector<16xi32>, vector<16xi1> -> vector<16xi32>
      %reduce_sum3A_299 = vector.extract %reduce_sum3A_298[15] : i32 from vector<16xi32>
      %add3A_300 = arith.addi %scan3A_113, %reduce_sum3A_299 : i32
      scf.yield %add3A_300 : i32
    }
    %scan3A_24 = arith.constant 16 : i32
    %scan3A_25 = arith.constant 0 : i32
    %scan3A_26 = arith.constant 0 : i32
    %scan3A_27 = arith.constant 128 : i32
    %scan3A_28 = arith.addi %scan3A_26, %scan3A_27 : i32
    %scan3A_29 = arith.constant 1 : i32
    scf.for %scan3A_112 = %scan3A_26 to %scan3A_28 step %scan3A_29  : i32 {
      %mul3A_113 = arith.constant 16 : i32
      %mul3A_114 = arith.muli %scan3A_112, %mul3A_113 : i32
      %get3A = arith.index_cast %mul3A_114 : i32 to index
      %get3A_115 = tpu.vector_load %arg6[%get3A] {strides = array<i32>} : memref<2048xi32, #tpu.memory_space<vmem>>, vector<16xi32>,
      %gather3A = tpu.vector_load_idx %arg10[%get3A_115] : memref<256xi32, #tpu.memory_space<vmem>>[vector<16xi32>], vector<16xi32>,
      %get3A_116 = arith.index_cast %mul3A_114 : i32 to index
      %get3A_117 = tpu.vector_load %arg7[%get3A_116] {strides = array<i32>} : memref<2048xi32, #tpu.memory_space<vmem>>, vector<16xi32>,
      %add3A = arith.addi %gather3A, %get3A_117 : vector<16xi32>
      %swap3A = arith.index_cast %mul3A_114 : i32 to index
      %swap3A_118 = tpu.vector_load %arg8[%swap3A] {strides = array<i32>} : memref<2048xi32, #tpu.memory_space<vmem>>, vector<16xi32>,
      tpu.vector_store %arg8[%swap3A], %add3A {strides = array<i32>} : memref<2048xi32, #tpu.memory_space<vmem>>, vector<16xi32>,
    }
    %scan3A_30 = arith.constant 128 : i32
    "tpu.region"() ({
      %run_scoped3A = tpu.sem_alloc : memref<!tpu.dma_semaphore, #tpu.memory_space<semaphore_mem>>
      %dma_start3A = arith.constant 0 : i32
      %dma_start3A_112 = tpu.memref_slice %arg13[%dma_start3A] : memref<32768xi32, #tpu.memory_space<vmem_shared>> -> memref<32768xi32, #tpu.memory_space<vmem_shared>>
      tpu.enqueue_indirect_dma source(%arg4 : memref<2048xi32, #tpu.memory_space<vmem>>) target(%dma_start3A_112 : memref<32768xi32, #tpu.memory_space<vmem_shared>>) offsets(%arg8 : memref<2048xi32, #tpu.memory_space<vmem>>) semaphore(%run_scoped3A : memref<!tpu.dma_semaphore, #tpu.memory_space<semaphore_mem>>)
      %dma_wait3A = arith.constant 0 : i32
      %dma_wait3A_113 = tpu.memref_slice %arg13[%dma_wait3A] : memref<32768xi32, #tpu.memory_space<vmem_shared>> -> memref<32768xi32, #tpu.memory_space<vmem_shared>>
      tpu.wait_indirect_dma semaphore(%run_scoped3A : memref<!tpu.dma_semaphore, #tpu.memory_space<semaphore_mem>>) src(%arg4 : memref<2048xi32, #tpu.memory_space<vmem>>) dst(%dma_wait3A_113 : memref<32768xi32, #tpu.memory_space<vmem_shared>>)
      tpu.yield
    }) : () -> ()
    "tpu.region"() ({
      %run_scoped3A = tpu.sem_alloc : memref<!tpu.dma_semaphore, #tpu.memory_space<semaphore_mem>>
      %dma_start3A = arith.constant 0 : i32
      %dma_start3A_112 = tpu.memref_slice %arg14[%dma_start3A] : memref<32768xi32, #tpu.memory_space<vmem_shared>> -> memref<32768xi32, #tpu.memory_space<vmem_shared>>
      tpu.enqueue_indirect_dma source(%arg5 : memref<2048xi32, #tpu.memory_space<vmem>>) target(%dma_start3A_112 : memref<32768xi32, #tpu.memory_space<vmem_shared>>) offsets(%arg8 : memref<2048xi32, #tpu.memory_space<vmem>>) semaphore(%run_scoped3A : memref<!tpu.dma_semaphore, #tpu.memory_space<semaphore_mem>>)
      %dma_wait3A = arith.constant 0 : i32
      %dma_wait3A_113 = tpu.memref_slice %arg14[%dma_wait3A] : memref<32768xi32, #tpu.memory_space<vmem_shared>> -> memref<32768xi32, #tpu.memory_space<vmem_shared>>
      tpu.wait_indirect_dma semaphore(%run_scoped3A : memref<!tpu.dma_semaphore, #tpu.memory_space<semaphore_mem>>) src(%arg5 : memref<2048xi32, #tpu.memory_space<vmem>>) dst(%dma_wait3A_113 : memref<32768xi32, #tpu.memory_space<vmem_shared>>)
      tpu.yield
    }) : () -> ()
    %barrier3A_31 = arith.constant 0 : index
    tpu.barrier barrier_id(%barrier3A_31)
    "tpu.region"() ({
      %run_scoped3A = tpu.sem_alloc : memref<!tpu.dma_semaphore, #tpu.memory_space<semaphore_mem>>
      %dma_start3A = tpu.memref_slice %arg13[%mul3A_0] : memref<32768xi32, #tpu.memory_space<vmem_shared>> -> memref<2048xi32, #tpu.memory_space<vmem_shared>>
      %dma_start3A_112 = tpu.memref_slice %arg13[%mul3A_0] : memref<32768xi32, #tpu.memory_space<vmem_shared>> -> memref<2048xi32, #tpu.memory_space<vmem_shared>>
      tpu.enqueue_dma source(%dma_start3A_112 : memref<2048xi32, #tpu.memory_space<vmem_shared>>) target(%arg4 : memref<2048xi32, #tpu.memory_space<vmem>>) target_semaphore(%run_scoped3A : memref<!tpu.dma_semaphore, #tpu.memory_space<semaphore_mem>>)
      %dma_wait3A = tpu.memref_slice %arg13[%mul3A_0] : memref<32768xi32, #tpu.memory_space<vmem_shared>> -> memref<2048xi32, #tpu.memory_space<vmem_shared>>
      %dma_wait3A_113 = tpu.memref_slice %arg13[%mul3A_0] : memref<32768xi32, #tpu.memory_space<vmem_shared>> -> memref<2048xi32, #tpu.memory_space<vmem_shared>>
      tpu.wait_dma2 semaphore(%run_scoped3A : memref<!tpu.dma_semaphore, #tpu.memory_space<semaphore_mem>>) src(%dma_wait3A_113 : memref<2048xi32, #tpu.memory_space<vmem_shared>>) dst(%arg4 : memref<2048xi32, #tpu.memory_space<vmem>>)
      tpu.yield
    }) : () -> ()
    "tpu.region"() ({
      %run_scoped3A = tpu.sem_alloc : memref<!tpu.dma_semaphore, #tpu.memory_space<semaphore_mem>>
      %dma_start3A = tpu.memref_slice %arg14[%mul3A_0] : memref<32768xi32, #tpu.memory_space<vmem_shared>> -> memref<2048xi32, #tpu.memory_space<vmem_shared>>
      %dma_start3A_112 = tpu.memref_slice %arg14[%mul3A_0] : memref<32768xi32, #tpu.memory_space<vmem_shared>> -> memref<2048xi32, #tpu.memory_space<vmem_shared>>
      tpu.enqueue_dma source(%dma_start3A_112 : memref<2048xi32, #tpu.memory_space<vmem_shared>>) target(%arg5 : memref<2048xi32, #tpu.memory_space<vmem>>) target_semaphore(%run_scoped3A : memref<!tpu.dma_semaphore, #tpu.memory_space<semaphore_mem>>)
      %dma_wait3A = tpu.memref_slice %arg14[%mul3A_0] : memref<32768xi32, #tpu.memory_space<vmem_shared>> -> memref<2048xi32, #tpu.memory_space<vmem_shared>>
      %dma_wait3A_113 = tpu.memref_slice %arg14[%mul3A_0] : memref<32768xi32, #tpu.memory_space<vmem_shared>> -> memref<2048xi32, #tpu.memory_space<vmem_shared>>
      tpu.wait_dma2 semaphore(%run_scoped3A : memref<!tpu.dma_semaphore, #tpu.memory_space<semaphore_mem>>) src(%dma_wait3A_113 : memref<2048xi32, #tpu.memory_space<vmem_shared>>) dst(%arg5 : memref<2048xi32, #tpu.memory_space<vmem>>)
      tpu.yield
    }) : () -> ()
    %scan3A_32 = arith.constant 0 : i32
    %scan3A_33 = arith.constant 0 : i32
    %scan3A_34 = arith.constant 16 : i32
    %scan3A_35 = arith.addi %scan3A_33, %scan3A_34 : i32
    %scan3A_36 = arith.constant 1 : i32
    scf.for %scan3A_112 = %scan3A_33 to %scan3A_35 step %scan3A_36  : i32 {
      %broadcast_in_dim3A = arith.constant 0 : i32
      %broadcast_in_dim3A_113 = vector.broadcast %broadcast_in_dim3A : i32 to vector<16xi32>
      %mul3A_114 = arith.constant 16 : i32
      %mul3A_115 = arith.muli %scan3A_112, %mul3A_114 : i32
      %swap3A = arith.index_cast %mul3A_115 : i32 to index
      %swap3A_116 = tpu.vector_load %arg9[%swap3A] {strides = array<i32>} : memref<256xi32, #tpu.memory_space<vmem>>, vector<16xi32>,
      tpu.vector_store %arg9[%swap3A], %broadcast_in_dim3A_113 {strides = array<i32>} : memref<256xi32, #tpu.memory_space<vmem>>, vector<16xi32>,
    }
    %scan3A_37 = arith.constant 16 : i32
    %scan3A_38 = arith.constant 0 : i32
    %scan3A_39 = arith.constant 0 : i32
    %scan3A_40 = arith.constant 128 : i32
    %scan3A_41 = arith.addi %scan3A_39, %scan3A_40 : i32
    %scan3A_42 = arith.constant 1 : i32
    scf.for %scan3A_112 = %scan3A_39 to %scan3A_41 step %scan3A_42  : i32 {
      %mul3A_113 = arith.constant 16 : i32
      %mul3A_114 = arith.muli %scan3A_112, %mul3A_113 : i32
      %get3A = arith.index_cast %mul3A_114 : i32 to index
      %get3A_115 = tpu.vector_load %arg4[%get3A] {strides = array<i32>} : memref<2048xi32, #tpu.memory_space<vmem>>, vector<16xi32>,
      %shift_right_arithmetic3A = arith.constant 8 : i32
      %shift_right_arithmetic3A_116 = vector.broadcast %shift_right_arithmetic3A : i32 to vector<16xi32>
      %shift_right_arithmetic3A_117 = arith.shrsi %get3A_115, %shift_right_arithmetic3A_116 : vector<16xi32>
      %and3A = arith.constant 255 : i32
      %and3A_118 = vector.broadcast %and3A : i32 to vector<16xi32>
      %and3A_119 = arith.andi %shift_right_arithmetic3A_117, %and3A_118 : vector<16xi32>
      %swap3A = arith.index_cast %mul3A_114 : i32 to index
      %swap3A_120 = tpu.vector_load %arg6[%swap3A] {strides = array<i32>} : memref<2048xi32, #tpu.memory_space<vmem>>, vector<16xi32>,
      tpu.vector_store %arg6[%swap3A], %and3A_119 {strides = array<i32>} : memref<2048xi32, #tpu.memory_space<vmem>>, vector<16xi32>,
      %broadcast_in_dim3A = arith.constant true
      %broadcast_in_dim3A_121 = vector.broadcast %broadcast_in_dim3A : i1 to vector<16xi1>
      %unique3A, %unique3A_122 = tpu.scan_count mask(%broadcast_in_dim3A_121 : vector<16xi1>) value(%and3A_119 : vector<16xi32>) : vector<16xi1>, vector<16xi32>
      %gather3A = tpu.vector_load_idx %arg9[%and3A_119] : memref<256xi32, #tpu.memory_space<vmem>>[vector<16xi32>], vector<16xi32>,
      %add3A = arith.addi %gather3A, %unique3A_122 : vector<16xi32>
      %sub3A = arith.constant 1 : i32
      %sub3A_123 = vector.broadcast %sub3A : i32 to vector<16xi32>
      %sub3A_124 = arith.subi %add3A, %sub3A_123 : vector<16xi32>
      %swap3A_125 = arith.index_cast %mul3A_114 : i32 to index
      %swap3A_126 = tpu.vector_load %arg7[%swap3A_125] {strides = array<i32>} : memref<2048xi32, #tpu.memory_space<vmem>>, vector<16xi32>,
      tpu.vector_store %arg7[%swap3A_125], %sub3A_124 {strides = array<i32>} : memref<2048xi32, #tpu.memory_space<vmem>>, vector<16xi32>,
      tpu.vector_store_idx %arg9[%and3A_119], %unique3A_122 masked %unique3A {add = true} : memref<256xi32, #tpu.memory_space<vmem>>[vector<16xi32>], vector<16xi32>, vector<16xi1>
    }
    %scan3A_43 = arith.constant 128 : i32
    "tpu.region"() ({
      %run_scoped3A = tpu.sem_alloc : memref<!tpu.dma_semaphore, #tpu.memory_space<semaphore_mem>>
      %dma_start3A = arith.constant 0 : i32
      %dma_start3A_112 = tpu.memref_slice %arg12[%arg1, %dma_start3A] : memref<16x256xi32, #tpu.memory_space<vmem_shared>> -> memref<1x256xi32, #tpu.memory_space<vmem_shared>>
      %dma_start3A_113 = tpu.memref_squeeze %dma_start3A_112 : memref<1x256xi32, #tpu.memory_space<vmem_shared>> -> memref<256xi32, #tpu.memory_space<vmem_shared>>
      %dma_start3A_114 = arith.constant 0 : i32
      %dma_start3A_115 = tpu.memref_slice %arg12[%arg1, %dma_start3A_114] : memref<16x256xi32, #tpu.memory_space<vmem_shared>> -> memref<1x256xi32, #tpu.memory_space<vmem_shared>>
      %dma_start3A_116 = tpu.memref_squeeze %dma_start3A_115 : memref<1x256xi32, #tpu.memory_space<vmem_shared>> -> memref<256xi32, #tpu.memory_space<vmem_shared>>
      tpu.enqueue_dma source(%arg9 : memref<256xi32, #tpu.memory_space<vmem>>) target(%dma_start3A_116 : memref<256xi32, #tpu.memory_space<vmem_shared>>) target_semaphore(%run_scoped3A : memref<!tpu.dma_semaphore, #tpu.memory_space<semaphore_mem>>)
      %dma_wait3A = arith.constant 0 : i32
      %dma_wait3A_117 = tpu.memref_slice %arg12[%arg1, %dma_wait3A] : memref<16x256xi32, #tpu.memory_space<vmem_shared>> -> memref<1x256xi32, #tpu.memory_space<vmem_shared>>
      %dma_wait3A_118 = tpu.memref_squeeze %dma_wait3A_117 : memref<1x256xi32, #tpu.memory_space<vmem_shared>> -> memref<256xi32, #tpu.memory_space<vmem_shared>>
      %dma_wait3A_119 = arith.constant 0 : i32
      %dma_wait3A_120 = tpu.memref_slice %arg12[%arg1, %dma_wait3A_119] : memref<16x256xi32, #tpu.memory_space<vmem_shared>> -> memref<1x256xi32, #tpu.memory_space<vmem_shared>>
      %dma_wait3A_121 = tpu.memref_squeeze %dma_wait3A_120 : memref<1x256xi32, #tpu.memory_space<vmem_shared>> -> memref<256xi32, #tpu.memory_space<vmem_shared>>
      tpu.wait_dma2 semaphore(%run_scoped3A : memref<!tpu.dma_semaphore, #tpu.memory_space<semaphore_mem>>) src(%arg9 : memref<256xi32, #tpu.memory_space<vmem>>) dst(%dma_wait3A_121 : memref<256xi32, #tpu.memory_space<vmem_shared>>)
      tpu.yield
    }) : () -> ()
    %barrier3A_44 = arith.constant 0 : index
    tpu.barrier barrier_id(%barrier3A_44)
    "tpu.region"() ({
      %run_scoped3A = tpu.sem_alloc : memref<!tpu.dma_semaphore, #tpu.memory_space<semaphore_mem>>
      tpu.enqueue_dma source(%arg12 : memref<16x256xi32, #tpu.memory_space<vmem_shared>>) target(%arg11 : memref<16x256xi32, #tpu.memory_space<vmem>>) target_semaphore(%run_scoped3A : memref<!tpu.dma_semaphore, #tpu.memory_space<semaphore_mem>>)
      tpu.wait_dma2 semaphore(%run_scoped3A : memref<!tpu.dma_semaphore, #tpu.memory_space<semaphore_mem>>) src(%arg12 : memref<16x256xi32, #tpu.memory_space<vmem_shared>>) dst(%arg11 : memref<16x256xi32, #tpu.memory_space<vmem>>)
      tpu.yield
    }) : () -> ()
    %scan3A_45 = arith.constant 0 : i32
    %scan3A_46 = arith.constant 0 : i32
    %scan3A_47 = arith.constant 16 : i32
    %scan3A_48 = arith.addi %scan3A_46, %scan3A_47 : i32
    %scan3A_49 = arith.constant 1 : i32
    %scan3A_50 = scf.for %scan3A_112 = %scan3A_46 to %scan3A_48 step %scan3A_49 iter_args(%scan3A_113 = %scan3A_45) -> (i32)  : i32 {
      %mul3A_114 = arith.constant 16 : i32
      %mul3A_115 = arith.muli %scan3A_112, %mul3A_114 : i32
      %broadcast_in_dim3A = arith.constant 0 : i32
      %broadcast_in_dim3A_116 = vector.broadcast %broadcast_in_dim3A : i32 to vector<16xi32>
      %broadcast_in_dim3A_117 = arith.constant 0 : i32
      %broadcast_in_dim3A_118 = vector.broadcast %broadcast_in_dim3A_117 : i32 to vector<16xi32>
      %get3A = arith.constant 0 : i32
      %get3A_119 = arith.index_cast %get3A : i32 to index
      %get3A_120 = arith.index_cast %mul3A_115 : i32 to index
      %get3A_121 = tpu.vector_load %arg11[%get3A_119, %get3A_120] {strides = array<i32>} : memref<16x256xi32, #tpu.memory_space<vmem>>, vector<16xi32>,
      %add3A = arith.addi %broadcast_in_dim3A_116, %get3A_121 : vector<16xi32>
      %lt3A = arith.constant 0 : i32
      %lt3A_122 = arith.cmpi slt, %lt3A, %arg1 : i32
      %convert_element_type3A = arith.extui %lt3A_122 : i1 to i32
      %mul3A_123 = vector.broadcast %convert_element_type3A : i32 to vector<16xi32>
      %mul3A_124 = arith.muli %get3A_121, %mul3A_123 : vector<16xi32>
      %add3A_125 = arith.addi %broadcast_in_dim3A_118, %mul3A_124 : vector<16xi32>
      %get3A_126 = arith.constant 1 : i32
      %get3A_127 = arith.index_cast %get3A_126 : i32 to index
      %get3A_128 = arith.index_cast %mul3A_115 : i32 to index
      %get3A_129 = tpu.vector_load %arg11[%get3A_127, %get3A_128] {strides = array<i32>} : memref<16x256xi32, #tpu.memory_space<vmem>>, vector<16xi32>,
      %add3A_130 = arith.addi %add3A, %get3A_129 : vector<16xi32>
      %lt3A_131 = arith.constant 1 : i32
      %lt3A_132 = arith.cmpi slt, %lt3A_131, %arg1 : i32
      %convert_element_type3A_133 = arith.extui %lt3A_132 : i1 to i32
      %mul3A_134 = vector.broadcast %convert_element_type3A_133 : i32 to vector<16xi32>
      %mul3A_135 = arith.muli %get3A_129, %mul3A_134 : vector<16xi32>
      %add3A_136 = arith.addi %add3A_125, %mul3A_135 : vector<16xi32>
      %get3A_137 = arith.constant 2 : i32
      %get3A_138 = arith.index_cast %get3A_137 : i32 to index
      %get3A_139 = arith.index_cast %mul3A_115 : i32 to index
      %get3A_140 = tpu.vector_load %arg11[%get3A_138, %get3A_139] {strides = array<i32>} : memref<16x256xi32, #tpu.memory_space<vmem>>, vector<16xi32>,
      %add3A_141 = arith.addi %add3A_130, %get3A_140 : vector<16xi32>
      %lt3A_142 = arith.constant 2 : i32
      %lt3A_143 = arith.cmpi slt, %lt3A_142, %arg1 : i32
      %convert_element_type3A_144 = arith.extui %lt3A_143 : i1 to i32
      %mul3A_145 = vector.broadcast %convert_element_type3A_144 : i32 to vector<16xi32>
      %mul3A_146 = arith.muli %get3A_140, %mul3A_145 : vector<16xi32>
      %add3A_147 = arith.addi %add3A_136, %mul3A_146 : vector<16xi32>
      %get3A_148 = arith.constant 3 : i32
      %get3A_149 = arith.index_cast %get3A_148 : i32 to index
      %get3A_150 = arith.index_cast %mul3A_115 : i32 to index
      %get3A_151 = tpu.vector_load %arg11[%get3A_149, %get3A_150] {strides = array<i32>} : memref<16x256xi32, #tpu.memory_space<vmem>>, vector<16xi32>,
      %add3A_152 = arith.addi %add3A_141, %get3A_151 : vector<16xi32>
      %lt3A_153 = arith.constant 3 : i32
      %lt3A_154 = arith.cmpi slt, %lt3A_153, %arg1 : i32
      %convert_element_type3A_155 = arith.extui %lt3A_154 : i1 to i32
      %mul3A_156 = vector.broadcast %convert_element_type3A_155 : i32 to vector<16xi32>
      %mul3A_157 = arith.muli %get3A_151, %mul3A_156 : vector<16xi32>
      %add3A_158 = arith.addi %add3A_147, %mul3A_157 : vector<16xi32>
      %get3A_159 = arith.constant 4 : i32
      %get3A_160 = arith.index_cast %get3A_159 : i32 to index
      %get3A_161 = arith.index_cast %mul3A_115 : i32 to index
      %get3A_162 = tpu.vector_load %arg11[%get3A_160, %get3A_161] {strides = array<i32>} : memref<16x256xi32, #tpu.memory_space<vmem>>, vector<16xi32>,
      %add3A_163 = arith.addi %add3A_152, %get3A_162 : vector<16xi32>
      %lt3A_164 = arith.constant 4 : i32
      %lt3A_165 = arith.cmpi slt, %lt3A_164, %arg1 : i32
      %convert_element_type3A_166 = arith.extui %lt3A_165 : i1 to i32
      %mul3A_167 = vector.broadcast %convert_element_type3A_166 : i32 to vector<16xi32>
      %mul3A_168 = arith.muli %get3A_162, %mul3A_167 : vector<16xi32>
      %add3A_169 = arith.addi %add3A_158, %mul3A_168 : vector<16xi32>
      %get3A_170 = arith.constant 5 : i32
      %get3A_171 = arith.index_cast %get3A_170 : i32 to index
      %get3A_172 = arith.index_cast %mul3A_115 : i32 to index
      %get3A_173 = tpu.vector_load %arg11[%get3A_171, %get3A_172] {strides = array<i32>} : memref<16x256xi32, #tpu.memory_space<vmem>>, vector<16xi32>,
      %add3A_174 = arith.addi %add3A_163, %get3A_173 : vector<16xi32>
      %lt3A_175 = arith.constant 5 : i32
      %lt3A_176 = arith.cmpi slt, %lt3A_175, %arg1 : i32
      %convert_element_type3A_177 = arith.extui %lt3A_176 : i1 to i32
      %mul3A_178 = vector.broadcast %convert_element_type3A_177 : i32 to vector<16xi32>
      %mul3A_179 = arith.muli %get3A_173, %mul3A_178 : vector<16xi32>
      %add3A_180 = arith.addi %add3A_169, %mul3A_179 : vector<16xi32>
      %get3A_181 = arith.constant 6 : i32
      %get3A_182 = arith.index_cast %get3A_181 : i32 to index
      %get3A_183 = arith.index_cast %mul3A_115 : i32 to index
      %get3A_184 = tpu.vector_load %arg11[%get3A_182, %get3A_183] {strides = array<i32>} : memref<16x256xi32, #tpu.memory_space<vmem>>, vector<16xi32>,
      %add3A_185 = arith.addi %add3A_174, %get3A_184 : vector<16xi32>
      %lt3A_186 = arith.constant 6 : i32
      %lt3A_187 = arith.cmpi slt, %lt3A_186, %arg1 : i32
      %convert_element_type3A_188 = arith.extui %lt3A_187 : i1 to i32
      %mul3A_189 = vector.broadcast %convert_element_type3A_188 : i32 to vector<16xi32>
      %mul3A_190 = arith.muli %get3A_184, %mul3A_189 : vector<16xi32>
      %add3A_191 = arith.addi %add3A_180, %mul3A_190 : vector<16xi32>
      %get3A_192 = arith.constant 7 : i32
      %get3A_193 = arith.index_cast %get3A_192 : i32 to index
      %get3A_194 = arith.index_cast %mul3A_115 : i32 to index
      %get3A_195 = tpu.vector_load %arg11[%get3A_193, %get3A_194] {strides = array<i32>} : memref<16x256xi32, #tpu.memory_space<vmem>>, vector<16xi32>,
      %add3A_196 = arith.addi %add3A_185, %get3A_195 : vector<16xi32>
      %lt3A_197 = arith.constant 7 : i32
      %lt3A_198 = arith.cmpi slt, %lt3A_197, %arg1 : i32
      %convert_element_type3A_199 = arith.extui %lt3A_198 : i1 to i32
      %mul3A_200 = vector.broadcast %convert_element_type3A_199 : i32 to vector<16xi32>
      %mul3A_201 = arith.muli %get3A_195, %mul3A_200 : vector<16xi32>
      %add3A_202 = arith.addi %add3A_191, %mul3A_201 : vector<16xi32>
      %get3A_203 = arith.constant 8 : i32
      %get3A_204 = arith.index_cast %get3A_203 : i32 to index
      %get3A_205 = arith.index_cast %mul3A_115 : i32 to index
      %get3A_206 = tpu.vector_load %arg11[%get3A_204, %get3A_205] {strides = array<i32>} : memref<16x256xi32, #tpu.memory_space<vmem>>, vector<16xi32>,
      %add3A_207 = arith.addi %add3A_196, %get3A_206 : vector<16xi32>
      %lt3A_208 = arith.constant 8 : i32
      %lt3A_209 = arith.cmpi slt, %lt3A_208, %arg1 : i32
      %convert_element_type3A_210 = arith.extui %lt3A_209 : i1 to i32
      %mul3A_211 = vector.broadcast %convert_element_type3A_210 : i32 to vector<16xi32>
      %mul3A_212 = arith.muli %get3A_206, %mul3A_211 : vector<16xi32>
      %add3A_213 = arith.addi %add3A_202, %mul3A_212 : vector<16xi32>
      %get3A_214 = arith.constant 9 : i32
      %get3A_215 = arith.index_cast %get3A_214 : i32 to index
      %get3A_216 = arith.index_cast %mul3A_115 : i32 to index
      %get3A_217 = tpu.vector_load %arg11[%get3A_215, %get3A_216] {strides = array<i32>} : memref<16x256xi32, #tpu.memory_space<vmem>>, vector<16xi32>,
      %add3A_218 = arith.addi %add3A_207, %get3A_217 : vector<16xi32>
      %lt3A_219 = arith.constant 9 : i32
      %lt3A_220 = arith.cmpi slt, %lt3A_219, %arg1 : i32
      %convert_element_type3A_221 = arith.extui %lt3A_220 : i1 to i32
      %mul3A_222 = vector.broadcast %convert_element_type3A_221 : i32 to vector<16xi32>
      %mul3A_223 = arith.muli %get3A_217, %mul3A_222 : vector<16xi32>
      %add3A_224 = arith.addi %add3A_213, %mul3A_223 : vector<16xi32>
      %get3A_225 = arith.constant 10 : i32
      %get3A_226 = arith.index_cast %get3A_225 : i32 to index
      %get3A_227 = arith.index_cast %mul3A_115 : i32 to index
      %get3A_228 = tpu.vector_load %arg11[%get3A_226, %get3A_227] {strides = array<i32>} : memref<16x256xi32, #tpu.memory_space<vmem>>, vector<16xi32>,
      %add3A_229 = arith.addi %add3A_218, %get3A_228 : vector<16xi32>
      %lt3A_230 = arith.constant 10 : i32
      %lt3A_231 = arith.cmpi slt, %lt3A_230, %arg1 : i32
      %convert_element_type3A_232 = arith.extui %lt3A_231 : i1 to i32
      %mul3A_233 = vector.broadcast %convert_element_type3A_232 : i32 to vector<16xi32>
      %mul3A_234 = arith.muli %get3A_228, %mul3A_233 : vector<16xi32>
      %add3A_235 = arith.addi %add3A_224, %mul3A_234 : vector<16xi32>
      %get3A_236 = arith.constant 11 : i32
      %get3A_237 = arith.index_cast %get3A_236 : i32 to index
      %get3A_238 = arith.index_cast %mul3A_115 : i32 to index
      %get3A_239 = tpu.vector_load %arg11[%get3A_237, %get3A_238] {strides = array<i32>} : memref<16x256xi32, #tpu.memory_space<vmem>>, vector<16xi32>,
      %add3A_240 = arith.addi %add3A_229, %get3A_239 : vector<16xi32>
      %lt3A_241 = arith.constant 11 : i32
      %lt3A_242 = arith.cmpi slt, %lt3A_241, %arg1 : i32
      %convert_element_type3A_243 = arith.extui %lt3A_242 : i1 to i32
      %mul3A_244 = vector.broadcast %convert_element_type3A_243 : i32 to vector<16xi32>
      %mul3A_245 = arith.muli %get3A_239, %mul3A_244 : vector<16xi32>
      %add3A_246 = arith.addi %add3A_235, %mul3A_245 : vector<16xi32>
      %get3A_247 = arith.constant 12 : i32
      %get3A_248 = arith.index_cast %get3A_247 : i32 to index
      %get3A_249 = arith.index_cast %mul3A_115 : i32 to index
      %get3A_250 = tpu.vector_load %arg11[%get3A_248, %get3A_249] {strides = array<i32>} : memref<16x256xi32, #tpu.memory_space<vmem>>, vector<16xi32>,
      %add3A_251 = arith.addi %add3A_240, %get3A_250 : vector<16xi32>
      %lt3A_252 = arith.constant 12 : i32
      %lt3A_253 = arith.cmpi slt, %lt3A_252, %arg1 : i32
      %convert_element_type3A_254 = arith.extui %lt3A_253 : i1 to i32
      %mul3A_255 = vector.broadcast %convert_element_type3A_254 : i32 to vector<16xi32>
      %mul3A_256 = arith.muli %get3A_250, %mul3A_255 : vector<16xi32>
      %add3A_257 = arith.addi %add3A_246, %mul3A_256 : vector<16xi32>
      %get3A_258 = arith.constant 13 : i32
      %get3A_259 = arith.index_cast %get3A_258 : i32 to index
      %get3A_260 = arith.index_cast %mul3A_115 : i32 to index
      %get3A_261 = tpu.vector_load %arg11[%get3A_259, %get3A_260] {strides = array<i32>} : memref<16x256xi32, #tpu.memory_space<vmem>>, vector<16xi32>,
      %add3A_262 = arith.addi %add3A_251, %get3A_261 : vector<16xi32>
      %lt3A_263 = arith.constant 13 : i32
      %lt3A_264 = arith.cmpi slt, %lt3A_263, %arg1 : i32
      %convert_element_type3A_265 = arith.extui %lt3A_264 : i1 to i32
      %mul3A_266 = vector.broadcast %convert_element_type3A_265 : i32 to vector<16xi32>
      %mul3A_267 = arith.muli %get3A_261, %mul3A_266 : vector<16xi32>
      %add3A_268 = arith.addi %add3A_257, %mul3A_267 : vector<16xi32>
      %get3A_269 = arith.constant 14 : i32
      %get3A_270 = arith.index_cast %get3A_269 : i32 to index
      %get3A_271 = arith.index_cast %mul3A_115 : i32 to index
      %get3A_272 = tpu.vector_load %arg11[%get3A_270, %get3A_271] {strides = array<i32>} : memref<16x256xi32, #tpu.memory_space<vmem>>, vector<16xi32>,
      %add3A_273 = arith.addi %add3A_262, %get3A_272 : vector<16xi32>
      %lt3A_274 = arith.constant 14 : i32
      %lt3A_275 = arith.cmpi slt, %lt3A_274, %arg1 : i32
      %convert_element_type3A_276 = arith.extui %lt3A_275 : i1 to i32
      %mul3A_277 = vector.broadcast %convert_element_type3A_276 : i32 to vector<16xi32>
      %mul3A_278 = arith.muli %get3A_272, %mul3A_277 : vector<16xi32>
      %add3A_279 = arith.addi %add3A_268, %mul3A_278 : vector<16xi32>
      %get3A_280 = arith.constant 15 : i32
      %get3A_281 = arith.index_cast %get3A_280 : i32 to index
      %get3A_282 = arith.index_cast %mul3A_115 : i32 to index
      %get3A_283 = tpu.vector_load %arg11[%get3A_281, %get3A_282] {strides = array<i32>} : memref<16x256xi32, #tpu.memory_space<vmem>>, vector<16xi32>,
      %add3A_284 = arith.addi %add3A_273, %get3A_283 : vector<16xi32>
      %lt3A_285 = arith.constant 15 : i32
      %lt3A_286 = arith.cmpi slt, %lt3A_285, %arg1 : i32
      %convert_element_type3A_287 = arith.extui %lt3A_286 : i1 to i32
      %mul3A_288 = vector.broadcast %convert_element_type3A_287 : i32 to vector<16xi32>
      %mul3A_289 = arith.muli %get3A_283, %mul3A_288 : vector<16xi32>
      %add3A_290 = arith.addi %add3A_279, %mul3A_289 : vector<16xi32>
      %broadcast_in_dim3A_291 = arith.constant true
      %broadcast_in_dim3A_292 = vector.broadcast %broadcast_in_dim3A_291 : i1 to vector<16xi1>
      %masked_cumsum3A = tpu.scan <sum>, %add3A_284 masked %broadcast_in_dim3A_292 : vector<16xi32>, vector<16xi1> -> vector<16xi32>
      %sub3A = arith.subi %masked_cumsum3A, %add3A_284 : vector<16xi32>
      %add3A_293 = vector.broadcast %scan3A_113 : i32 to vector<16xi32>
      %add3A_294 = arith.addi %sub3A, %add3A_293 : vector<16xi32>
      %add3A_295 = arith.addi %add3A_294, %add3A_290 : vector<16xi32>
      %swap3A = arith.index_cast %mul3A_115 : i32 to index
      %swap3A_296 = tpu.vector_load %arg10[%swap3A] {strides = array<i32>} : memref<256xi32, #tpu.memory_space<vmem>>, vector<16xi32>,
      tpu.vector_store %arg10[%swap3A], %add3A_295 {strides = array<i32>} : memref<256xi32, #tpu.memory_space<vmem>>, vector<16xi32>,
      %reduce_sum3A = arith.constant true
      %reduce_sum3A_297 = vector.broadcast %reduce_sum3A : i1 to vector<16xi1>
      %reduce_sum3A_298 = tpu.scan <sum>, %add3A_284 masked %reduce_sum3A_297 : vector<16xi32>, vector<16xi1> -> vector<16xi32>
      %reduce_sum3A_299 = vector.extract %reduce_sum3A_298[15] : i32 from vector<16xi32>
      %add3A_300 = arith.addi %scan3A_113, %reduce_sum3A_299 : i32
      scf.yield %add3A_300 : i32
    }
    %scan3A_51 = arith.constant 16 : i32
    %scan3A_52 = arith.constant 0 : i32
    %scan3A_53 = arith.constant 0 : i32
    %scan3A_54 = arith.constant 128 : i32
    %scan3A_55 = arith.addi %scan3A_53, %scan3A_54 : i32
    %scan3A_56 = arith.constant 1 : i32
    scf.for %scan3A_112 = %scan3A_53 to %scan3A_55 step %scan3A_56  : i32 {
      %mul3A_113 = arith.constant 16 : i32
      %mul3A_114 = arith.muli %scan3A_112, %mul3A_113 : i32
      %get3A = arith.index_cast %mul3A_114 : i32 to index
      %get3A_115 = tpu.vector_load %arg6[%get3A] {strides = array<i32>} : memref<2048xi32, #tpu.memory_space<vmem>>, vector<16xi32>,
      %gather3A = tpu.vector_load_idx %arg10[%get3A_115] : memref<256xi32, #tpu.memory_space<vmem>>[vector<16xi32>], vector<16xi32>,
      %get3A_116 = arith.index_cast %mul3A_114 : i32 to index
      %get3A_117 = tpu.vector_load %arg7[%get3A_116] {strides = array<i32>} : memref<2048xi32, #tpu.memory_space<vmem>>, vector<16xi32>,
      %add3A = arith.addi %gather3A, %get3A_117 : vector<16xi32>
      %swap3A = arith.index_cast %mul3A_114 : i32 to index
      %swap3A_118 = tpu.vector_load %arg8[%swap3A] {strides = array<i32>} : memref<2048xi32, #tpu.memory_space<vmem>>, vector<16xi32>,
      tpu.vector_store %arg8[%swap3A], %add3A {strides = array<i32>} : memref<2048xi32, #tpu.memory_space<vmem>>, vector<16xi32>,
    }
    %scan3A_57 = arith.constant 128 : i32
    "tpu.region"() ({
      %run_scoped3A = tpu.sem_alloc : memref<!tpu.dma_semaphore, #tpu.memory_space<semaphore_mem>>
      %dma_start3A = arith.constant 0 : i32
      %dma_start3A_112 = tpu.memref_slice %arg13[%dma_start3A] : memref<32768xi32, #tpu.memory_space<vmem_shared>> -> memref<32768xi32, #tpu.memory_space<vmem_shared>>
      tpu.enqueue_indirect_dma source(%arg4 : memref<2048xi32, #tpu.memory_space<vmem>>) target(%dma_start3A_112 : memref<32768xi32, #tpu.memory_space<vmem_shared>>) offsets(%arg8 : memref<2048xi32, #tpu.memory_space<vmem>>) semaphore(%run_scoped3A : memref<!tpu.dma_semaphore, #tpu.memory_space<semaphore_mem>>)
      %dma_wait3A = arith.constant 0 : i32
      %dma_wait3A_113 = tpu.memref_slice %arg13[%dma_wait3A] : memref<32768xi32, #tpu.memory_space<vmem_shared>> -> memref<32768xi32, #tpu.memory_space<vmem_shared>>
      tpu.wait_indirect_dma semaphore(%run_scoped3A : memref<!tpu.dma_semaphore, #tpu.memory_space<semaphore_mem>>) src(%arg4 : memref<2048xi32, #tpu.memory_space<vmem>>) dst(%dma_wait3A_113 : memref<32768xi32, #tpu.memory_space<vmem_shared>>)
      tpu.yield
    }) : () -> ()
    "tpu.region"() ({
      %run_scoped3A = tpu.sem_alloc : memref<!tpu.dma_semaphore, #tpu.memory_space<semaphore_mem>>
      %dma_start3A = arith.constant 0 : i32
      %dma_start3A_112 = tpu.memref_slice %arg14[%dma_start3A] : memref<32768xi32, #tpu.memory_space<vmem_shared>> -> memref<32768xi32, #tpu.memory_space<vmem_shared>>
      tpu.enqueue_indirect_dma source(%arg5 : memref<2048xi32, #tpu.memory_space<vmem>>) target(%dma_start3A_112 : memref<32768xi32, #tpu.memory_space<vmem_shared>>) offsets(%arg8 : memref<2048xi32, #tpu.memory_space<vmem>>) semaphore(%run_scoped3A : memref<!tpu.dma_semaphore, #tpu.memory_space<semaphore_mem>>)
      %dma_wait3A = arith.constant 0 : i32
      %dma_wait3A_113 = tpu.memref_slice %arg14[%dma_wait3A] : memref<32768xi32, #tpu.memory_space<vmem_shared>> -> memref<32768xi32, #tpu.memory_space<vmem_shared>>
      tpu.wait_indirect_dma semaphore(%run_scoped3A : memref<!tpu.dma_semaphore, #tpu.memory_space<semaphore_mem>>) src(%arg5 : memref<2048xi32, #tpu.memory_space<vmem>>) dst(%dma_wait3A_113 : memref<32768xi32, #tpu.memory_space<vmem_shared>>)
      tpu.yield
    }) : () -> ()
    %barrier3A_58 = arith.constant 0 : index
    tpu.barrier barrier_id(%barrier3A_58)
    "tpu.region"() ({
      %run_scoped3A = tpu.sem_alloc : memref<!tpu.dma_semaphore, #tpu.memory_space<semaphore_mem>>
      %dma_start3A = tpu.memref_slice %arg13[%mul3A_0] : memref<32768xi32, #tpu.memory_space<vmem_shared>> -> memref<2048xi32, #tpu.memory_space<vmem_shared>>
      %dma_start3A_112 = tpu.memref_slice %arg13[%mul3A_0] : memref<32768xi32, #tpu.memory_space<vmem_shared>> -> memref<2048xi32, #tpu.memory_space<vmem_shared>>
      tpu.enqueue_dma source(%dma_start3A_112 : memref<2048xi32, #tpu.memory_space<vmem_shared>>) target(%arg4 : memref<2048xi32, #tpu.memory_space<vmem>>) target_semaphore(%run_scoped3A : memref<!tpu.dma_semaphore, #tpu.memory_space<semaphore_mem>>)
      %dma_wait3A = tpu.memref_slice %arg13[%mul3A_0] : memref<32768xi32, #tpu.memory_space<vmem_shared>> -> memref<2048xi32, #tpu.memory_space<vmem_shared>>
      %dma_wait3A_113 = tpu.memref_slice %arg13[%mul3A_0] : memref<32768xi32, #tpu.memory_space<vmem_shared>> -> memref<2048xi32, #tpu.memory_space<vmem_shared>>
      tpu.wait_dma2 semaphore(%run_scoped3A : memref<!tpu.dma_semaphore, #tpu.memory_space<semaphore_mem>>) src(%dma_wait3A_113 : memref<2048xi32, #tpu.memory_space<vmem_shared>>) dst(%arg4 : memref<2048xi32, #tpu.memory_space<vmem>>)
      tpu.yield
    }) : () -> ()
    "tpu.region"() ({
      %run_scoped3A = tpu.sem_alloc : memref<!tpu.dma_semaphore, #tpu.memory_space<semaphore_mem>>
      %dma_start3A = tpu.memref_slice %arg14[%mul3A_0] : memref<32768xi32, #tpu.memory_space<vmem_shared>> -> memref<2048xi32, #tpu.memory_space<vmem_shared>>
      %dma_start3A_112 = tpu.memref_slice %arg14[%mul3A_0] : memref<32768xi32, #tpu.memory_space<vmem_shared>> -> memref<2048xi32, #tpu.memory_space<vmem_shared>>
      tpu.enqueue_dma source(%dma_start3A_112 : memref<2048xi32, #tpu.memory_space<vmem_shared>>) target(%arg5 : memref<2048xi32, #tpu.memory_space<vmem>>) target_semaphore(%run_scoped3A : memref<!tpu.dma_semaphore, #tpu.memory_space<semaphore_mem>>)
      %dma_wait3A = tpu.memref_slice %arg14[%mul3A_0] : memref<32768xi32, #tpu.memory_space<vmem_shared>> -> memref<2048xi32, #tpu.memory_space<vmem_shared>>
      %dma_wait3A_113 = tpu.memref_slice %arg14[%mul3A_0] : memref<32768xi32, #tpu.memory_space<vmem_shared>> -> memref<2048xi32, #tpu.memory_space<vmem_shared>>
      tpu.wait_dma2 semaphore(%run_scoped3A : memref<!tpu.dma_semaphore, #tpu.memory_space<semaphore_mem>>) src(%dma_wait3A_113 : memref<2048xi32, #tpu.memory_space<vmem_shared>>) dst(%arg5 : memref<2048xi32, #tpu.memory_space<vmem>>)
      tpu.yield
    }) : () -> ()
    %scan3A_59 = arith.constant 0 : i32
    %scan3A_60 = arith.constant 0 : i32
    %scan3A_61 = arith.constant 16 : i32
    %scan3A_62 = arith.addi %scan3A_60, %scan3A_61 : i32
    %scan3A_63 = arith.constant 1 : i32
    scf.for %scan3A_112 = %scan3A_60 to %scan3A_62 step %scan3A_63  : i32 {
      %broadcast_in_dim3A = arith.constant 0 : i32
      %broadcast_in_dim3A_113 = vector.broadcast %broadcast_in_dim3A : i32 to vector<16xi32>
      %mul3A_114 = arith.constant 16 : i32
      %mul3A_115 = arith.muli %scan3A_112, %mul3A_114 : i32
      %swap3A = arith.index_cast %mul3A_115 : i32 to index
      %swap3A_116 = tpu.vector_load %arg9[%swap3A] {strides = array<i32>} : memref<256xi32, #tpu.memory_space<vmem>>, vector<16xi32>,
      tpu.vector_store %arg9[%swap3A], %broadcast_in_dim3A_113 {strides = array<i32>} : memref<256xi32, #tpu.memory_space<vmem>>, vector<16xi32>,
    }
    %scan3A_64 = arith.constant 16 : i32
    %scan3A_65 = arith.constant 0 : i32
    %scan3A_66 = arith.constant 0 : i32
    %scan3A_67 = arith.constant 128 : i32
    %scan3A_68 = arith.addi %scan3A_66, %scan3A_67 : i32
    %scan3A_69 = arith.constant 1 : i32
    scf.for %scan3A_112 = %scan3A_66 to %scan3A_68 step %scan3A_69  : i32 {
      %mul3A_113 = arith.constant 16 : i32
      %mul3A_114 = arith.muli %scan3A_112, %mul3A_113 : i32
      %get3A = arith.index_cast %mul3A_114 : i32 to index
      %get3A_115 = tpu.vector_load %arg4[%get3A] {strides = array<i32>} : memref<2048xi32, #tpu.memory_space<vmem>>, vector<16xi32>,
      %shift_right_arithmetic3A = arith.constant 16 : i32
      %shift_right_arithmetic3A_116 = vector.broadcast %shift_right_arithmetic3A : i32 to vector<16xi32>
      %shift_right_arithmetic3A_117 = arith.shrsi %get3A_115, %shift_right_arithmetic3A_116 : vector<16xi32>
      %and3A = arith.constant 255 : i32
      %and3A_118 = vector.broadcast %and3A : i32 to vector<16xi32>
      %and3A_119 = arith.andi %shift_right_arithmetic3A_117, %and3A_118 : vector<16xi32>
      %swap3A = arith.index_cast %mul3A_114 : i32 to index
      %swap3A_120 = tpu.vector_load %arg6[%swap3A] {strides = array<i32>} : memref<2048xi32, #tpu.memory_space<vmem>>, vector<16xi32>,
      tpu.vector_store %arg6[%swap3A], %and3A_119 {strides = array<i32>} : memref<2048xi32, #tpu.memory_space<vmem>>, vector<16xi32>,
      %broadcast_in_dim3A = arith.constant true
      %broadcast_in_dim3A_121 = vector.broadcast %broadcast_in_dim3A : i1 to vector<16xi1>
      %unique3A, %unique3A_122 = tpu.scan_count mask(%broadcast_in_dim3A_121 : vector<16xi1>) value(%and3A_119 : vector<16xi32>) : vector<16xi1>, vector<16xi32>
      %gather3A = tpu.vector_load_idx %arg9[%and3A_119] : memref<256xi32, #tpu.memory_space<vmem>>[vector<16xi32>], vector<16xi32>,
      %add3A = arith.addi %gather3A, %unique3A_122 : vector<16xi32>
      %sub3A = arith.constant 1 : i32
      %sub3A_123 = vector.broadcast %sub3A : i32 to vector<16xi32>
      %sub3A_124 = arith.subi %add3A, %sub3A_123 : vector<16xi32>
      %swap3A_125 = arith.index_cast %mul3A_114 : i32 to index
      %swap3A_126 = tpu.vector_load %arg7[%swap3A_125] {strides = array<i32>} : memref<2048xi32, #tpu.memory_space<vmem>>, vector<16xi32>,
      tpu.vector_store %arg7[%swap3A_125], %sub3A_124 {strides = array<i32>} : memref<2048xi32, #tpu.memory_space<vmem>>, vector<16xi32>,
      tpu.vector_store_idx %arg9[%and3A_119], %unique3A_122 masked %unique3A {add = true} : memref<256xi32, #tpu.memory_space<vmem>>[vector<16xi32>], vector<16xi32>, vector<16xi1>
    }
    %scan3A_70 = arith.constant 128 : i32
    "tpu.region"() ({
      %run_scoped3A = tpu.sem_alloc : memref<!tpu.dma_semaphore, #tpu.memory_space<semaphore_mem>>
      %dma_start3A = arith.constant 0 : i32
      %dma_start3A_112 = tpu.memref_slice %arg12[%arg1, %dma_start3A] : memref<16x256xi32, #tpu.memory_space<vmem_shared>> -> memref<1x256xi32, #tpu.memory_space<vmem_shared>>
      %dma_start3A_113 = tpu.memref_squeeze %dma_start3A_112 : memref<1x256xi32, #tpu.memory_space<vmem_shared>> -> memref<256xi32, #tpu.memory_space<vmem_shared>>
      %dma_start3A_114 = arith.constant 0 : i32
      %dma_start3A_115 = tpu.memref_slice %arg12[%arg1, %dma_start3A_114] : memref<16x256xi32, #tpu.memory_space<vmem_shared>> -> memref<1x256xi32, #tpu.memory_space<vmem_shared>>
      %dma_start3A_116 = tpu.memref_squeeze %dma_start3A_115 : memref<1x256xi32, #tpu.memory_space<vmem_shared>> -> memref<256xi32, #tpu.memory_space<vmem_shared>>
      tpu.enqueue_dma source(%arg9 : memref<256xi32, #tpu.memory_space<vmem>>) target(%dma_start3A_116 : memref<256xi32, #tpu.memory_space<vmem_shared>>) target_semaphore(%run_scoped3A : memref<!tpu.dma_semaphore, #tpu.memory_space<semaphore_mem>>)
      %dma_wait3A = arith.constant 0 : i32
      %dma_wait3A_117 = tpu.memref_slice %arg12[%arg1, %dma_wait3A] : memref<16x256xi32, #tpu.memory_space<vmem_shared>> -> memref<1x256xi32, #tpu.memory_space<vmem_shared>>
      %dma_wait3A_118 = tpu.memref_squeeze %dma_wait3A_117 : memref<1x256xi32, #tpu.memory_space<vmem_shared>> -> memref<256xi32, #tpu.memory_space<vmem_shared>>
      %dma_wait3A_119 = arith.constant 0 : i32
      %dma_wait3A_120 = tpu.memref_slice %arg12[%arg1, %dma_wait3A_119] : memref<16x256xi32, #tpu.memory_space<vmem_shared>> -> memref<1x256xi32, #tpu.memory_space<vmem_shared>>
      %dma_wait3A_121 = tpu.memref_squeeze %dma_wait3A_120 : memref<1x256xi32, #tpu.memory_space<vmem_shared>> -> memref<256xi32, #tpu.memory_space<vmem_shared>>
      tpu.wait_dma2 semaphore(%run_scoped3A : memref<!tpu.dma_semaphore, #tpu.memory_space<semaphore_mem>>) src(%arg9 : memref<256xi32, #tpu.memory_space<vmem>>) dst(%dma_wait3A_121 : memref<256xi32, #tpu.memory_space<vmem_shared>>)
      tpu.yield
    }) : () -> ()
    %barrier3A_71 = arith.constant 0 : index
    tpu.barrier barrier_id(%barrier3A_71)
    "tpu.region"() ({
      %run_scoped3A = tpu.sem_alloc : memref<!tpu.dma_semaphore, #tpu.memory_space<semaphore_mem>>
      tpu.enqueue_dma source(%arg12 : memref<16x256xi32, #tpu.memory_space<vmem_shared>>) target(%arg11 : memref<16x256xi32, #tpu.memory_space<vmem>>) target_semaphore(%run_scoped3A : memref<!tpu.dma_semaphore, #tpu.memory_space<semaphore_mem>>)
      tpu.wait_dma2 semaphore(%run_scoped3A : memref<!tpu.dma_semaphore, #tpu.memory_space<semaphore_mem>>) src(%arg12 : memref<16x256xi32, #tpu.memory_space<vmem_shared>>) dst(%arg11 : memref<16x256xi32, #tpu.memory_space<vmem>>)
      tpu.yield
    }) : () -> ()
    %scan3A_72 = arith.constant 0 : i32
    %scan3A_73 = arith.constant 0 : i32
    %scan3A_74 = arith.constant 16 : i32
    %scan3A_75 = arith.addi %scan3A_73, %scan3A_74 : i32
    %scan3A_76 = arith.constant 1 : i32
    %scan3A_77 = scf.for %scan3A_112 = %scan3A_73 to %scan3A_75 step %scan3A_76 iter_args(%scan3A_113 = %scan3A_72) -> (i32)  : i32 {
      %mul3A_114 = arith.constant 16 : i32
      %mul3A_115 = arith.muli %scan3A_112, %mul3A_114 : i32
      %broadcast_in_dim3A = arith.constant 0 : i32
      %broadcast_in_dim3A_116 = vector.broadcast %broadcast_in_dim3A : i32 to vector<16xi32>
      %broadcast_in_dim3A_117 = arith.constant 0 : i32
      %broadcast_in_dim3A_118 = vector.broadcast %broadcast_in_dim3A_117 : i32 to vector<16xi32>
      %get3A = arith.constant 0 : i32
      %get3A_119 = arith.index_cast %get3A : i32 to index
      %get3A_120 = arith.index_cast %mul3A_115 : i32 to index
      %get3A_121 = tpu.vector_load %arg11[%get3A_119, %get3A_120] {strides = array<i32>} : memref<16x256xi32, #tpu.memory_space<vmem>>, vector<16xi32>,
      %add3A = arith.addi %broadcast_in_dim3A_116, %get3A_121 : vector<16xi32>
      %lt3A = arith.constant 0 : i32
      %lt3A_122 = arith.cmpi slt, %lt3A, %arg1 : i32
      %convert_element_type3A = arith.extui %lt3A_122 : i1 to i32
      %mul3A_123 = vector.broadcast %convert_element_type3A : i32 to vector<16xi32>
      %mul3A_124 = arith.muli %get3A_121, %mul3A_123 : vector<16xi32>
      %add3A_125 = arith.addi %broadcast_in_dim3A_118, %mul3A_124 : vector<16xi32>
      %get3A_126 = arith.constant 1 : i32
      %get3A_127 = arith.index_cast %get3A_126 : i32 to index
      %get3A_128 = arith.index_cast %mul3A_115 : i32 to index
      %get3A_129 = tpu.vector_load %arg11[%get3A_127, %get3A_128] {strides = array<i32>} : memref<16x256xi32, #tpu.memory_space<vmem>>, vector<16xi32>,
      %add3A_130 = arith.addi %add3A, %get3A_129 : vector<16xi32>
      %lt3A_131 = arith.constant 1 : i32
      %lt3A_132 = arith.cmpi slt, %lt3A_131, %arg1 : i32
      %convert_element_type3A_133 = arith.extui %lt3A_132 : i1 to i32
      %mul3A_134 = vector.broadcast %convert_element_type3A_133 : i32 to vector<16xi32>
      %mul3A_135 = arith.muli %get3A_129, %mul3A_134 : vector<16xi32>
      %add3A_136 = arith.addi %add3A_125, %mul3A_135 : vector<16xi32>
      %get3A_137 = arith.constant 2 : i32
      %get3A_138 = arith.index_cast %get3A_137 : i32 to index
      %get3A_139 = arith.index_cast %mul3A_115 : i32 to index
      %get3A_140 = tpu.vector_load %arg11[%get3A_138, %get3A_139] {strides = array<i32>} : memref<16x256xi32, #tpu.memory_space<vmem>>, vector<16xi32>,
      %add3A_141 = arith.addi %add3A_130, %get3A_140 : vector<16xi32>
      %lt3A_142 = arith.constant 2 : i32
      %lt3A_143 = arith.cmpi slt, %lt3A_142, %arg1 : i32
      %convert_element_type3A_144 = arith.extui %lt3A_143 : i1 to i32
      %mul3A_145 = vector.broadcast %convert_element_type3A_144 : i32 to vector<16xi32>
      %mul3A_146 = arith.muli %get3A_140, %mul3A_145 : vector<16xi32>
      %add3A_147 = arith.addi %add3A_136, %mul3A_146 : vector<16xi32>
      %get3A_148 = arith.constant 3 : i32
      %get3A_149 = arith.index_cast %get3A_148 : i32 to index
      %get3A_150 = arith.index_cast %mul3A_115 : i32 to index
      %get3A_151 = tpu.vector_load %arg11[%get3A_149, %get3A_150] {strides = array<i32>} : memref<16x256xi32, #tpu.memory_space<vmem>>, vector<16xi32>,
      %add3A_152 = arith.addi %add3A_141, %get3A_151 : vector<16xi32>
      %lt3A_153 = arith.constant 3 : i32
      %lt3A_154 = arith.cmpi slt, %lt3A_153, %arg1 : i32
      %convert_element_type3A_155 = arith.extui %lt3A_154 : i1 to i32
      %mul3A_156 = vector.broadcast %convert_element_type3A_155 : i32 to vector<16xi32>
      %mul3A_157 = arith.muli %get3A_151, %mul3A_156 : vector<16xi32>
      %add3A_158 = arith.addi %add3A_147, %mul3A_157 : vector<16xi32>
      %get3A_159 = arith.constant 4 : i32
      %get3A_160 = arith.index_cast %get3A_159 : i32 to index
      %get3A_161 = arith.index_cast %mul3A_115 : i32 to index
      %get3A_162 = tpu.vector_load %arg11[%get3A_160, %get3A_161] {strides = array<i32>} : memref<16x256xi32, #tpu.memory_space<vmem>>, vector<16xi32>,
      %add3A_163 = arith.addi %add3A_152, %get3A_162 : vector<16xi32>
      %lt3A_164 = arith.constant 4 : i32
      %lt3A_165 = arith.cmpi slt, %lt3A_164, %arg1 : i32
      %convert_element_type3A_166 = arith.extui %lt3A_165 : i1 to i32
      %mul3A_167 = vector.broadcast %convert_element_type3A_166 : i32 to vector<16xi32>
      %mul3A_168 = arith.muli %get3A_162, %mul3A_167 : vector<16xi32>
      %add3A_169 = arith.addi %add3A_158, %mul3A_168 : vector<16xi32>
      %get3A_170 = arith.constant 5 : i32
      %get3A_171 = arith.index_cast %get3A_170 : i32 to index
      %get3A_172 = arith.index_cast %mul3A_115 : i32 to index
      %get3A_173 = tpu.vector_load %arg11[%get3A_171, %get3A_172] {strides = array<i32>} : memref<16x256xi32, #tpu.memory_space<vmem>>, vector<16xi32>,
      %add3A_174 = arith.addi %add3A_163, %get3A_173 : vector<16xi32>
      %lt3A_175 = arith.constant 5 : i32
      %lt3A_176 = arith.cmpi slt, %lt3A_175, %arg1 : i32
      %convert_element_type3A_177 = arith.extui %lt3A_176 : i1 to i32
      %mul3A_178 = vector.broadcast %convert_element_type3A_177 : i32 to vector<16xi32>
      %mul3A_179 = arith.muli %get3A_173, %mul3A_178 : vector<16xi32>
      %add3A_180 = arith.addi %add3A_169, %mul3A_179 : vector<16xi32>
      %get3A_181 = arith.constant 6 : i32
      %get3A_182 = arith.index_cast %get3A_181 : i32 to index
      %get3A_183 = arith.index_cast %mul3A_115 : i32 to index
      %get3A_184 = tpu.vector_load %arg11[%get3A_182, %get3A_183] {strides = array<i32>} : memref<16x256xi32, #tpu.memory_space<vmem>>, vector<16xi32>,
      %add3A_185 = arith.addi %add3A_174, %get3A_184 : vector<16xi32>
      %lt3A_186 = arith.constant 6 : i32
      %lt3A_187 = arith.cmpi slt, %lt3A_186, %arg1 : i32
      %convert_element_type3A_188 = arith.extui %lt3A_187 : i1 to i32
      %mul3A_189 = vector.broadcast %convert_element_type3A_188 : i32 to vector<16xi32>
      %mul3A_190 = arith.muli %get3A_184, %mul3A_189 : vector<16xi32>
      %add3A_191 = arith.addi %add3A_180, %mul3A_190 : vector<16xi32>
      %get3A_192 = arith.constant 7 : i32
      %get3A_193 = arith.index_cast %get3A_192 : i32 to index
      %get3A_194 = arith.index_cast %mul3A_115 : i32 to index
      %get3A_195 = tpu.vector_load %arg11[%get3A_193, %get3A_194] {strides = array<i32>} : memref<16x256xi32, #tpu.memory_space<vmem>>, vector<16xi32>,
      %add3A_196 = arith.addi %add3A_185, %get3A_195 : vector<16xi32>
      %lt3A_197 = arith.constant 7 : i32
      %lt3A_198 = arith.cmpi slt, %lt3A_197, %arg1 : i32
      %convert_element_type3A_199 = arith.extui %lt3A_198 : i1 to i32
      %mul3A_200 = vector.broadcast %convert_element_type3A_199 : i32 to vector<16xi32>
      %mul3A_201 = arith.muli %get3A_195, %mul3A_200 : vector<16xi32>
      %add3A_202 = arith.addi %add3A_191, %mul3A_201 : vector<16xi32>
      %get3A_203 = arith.constant 8 : i32
      %get3A_204 = arith.index_cast %get3A_203 : i32 to index
      %get3A_205 = arith.index_cast %mul3A_115 : i32 to index
      %get3A_206 = tpu.vector_load %arg11[%get3A_204, %get3A_205] {strides = array<i32>} : memref<16x256xi32, #tpu.memory_space<vmem>>, vector<16xi32>,
      %add3A_207 = arith.addi %add3A_196, %get3A_206 : vector<16xi32>
      %lt3A_208 = arith.constant 8 : i32
      %lt3A_209 = arith.cmpi slt, %lt3A_208, %arg1 : i32
      %convert_element_type3A_210 = arith.extui %lt3A_209 : i1 to i32
      %mul3A_211 = vector.broadcast %convert_element_type3A_210 : i32 to vector<16xi32>
      %mul3A_212 = arith.muli %get3A_206, %mul3A_211 : vector<16xi32>
      %add3A_213 = arith.addi %add3A_202, %mul3A_212 : vector<16xi32>
      %get3A_214 = arith.constant 9 : i32
      %get3A_215 = arith.index_cast %get3A_214 : i32 to index
      %get3A_216 = arith.index_cast %mul3A_115 : i32 to index
      %get3A_217 = tpu.vector_load %arg11[%get3A_215, %get3A_216] {strides = array<i32>} : memref<16x256xi32, #tpu.memory_space<vmem>>, vector<16xi32>,
      %add3A_218 = arith.addi %add3A_207, %get3A_217 : vector<16xi32>
      %lt3A_219 = arith.constant 9 : i32
      %lt3A_220 = arith.cmpi slt, %lt3A_219, %arg1 : i32
      %convert_element_type3A_221 = arith.extui %lt3A_220 : i1 to i32
      %mul3A_222 = vector.broadcast %convert_element_type3A_221 : i32 to vector<16xi32>
      %mul3A_223 = arith.muli %get3A_217, %mul3A_222 : vector<16xi32>
      %add3A_224 = arith.addi %add3A_213, %mul3A_223 : vector<16xi32>
      %get3A_225 = arith.constant 10 : i32
      %get3A_226 = arith.index_cast %get3A_225 : i32 to index
      %get3A_227 = arith.index_cast %mul3A_115 : i32 to index
      %get3A_228 = tpu.vector_load %arg11[%get3A_226, %get3A_227] {strides = array<i32>} : memref<16x256xi32, #tpu.memory_space<vmem>>, vector<16xi32>,
      %add3A_229 = arith.addi %add3A_218, %get3A_228 : vector<16xi32>
      %lt3A_230 = arith.constant 10 : i32
      %lt3A_231 = arith.cmpi slt, %lt3A_230, %arg1 : i32
      %convert_element_type3A_232 = arith.extui %lt3A_231 : i1 to i32
      %mul3A_233 = vector.broadcast %convert_element_type3A_232 : i32 to vector<16xi32>
      %mul3A_234 = arith.muli %get3A_228, %mul3A_233 : vector<16xi32>
      %add3A_235 = arith.addi %add3A_224, %mul3A_234 : vector<16xi32>
      %get3A_236 = arith.constant 11 : i32
      %get3A_237 = arith.index_cast %get3A_236 : i32 to index
      %get3A_238 = arith.index_cast %mul3A_115 : i32 to index
      %get3A_239 = tpu.vector_load %arg11[%get3A_237, %get3A_238] {strides = array<i32>} : memref<16x256xi32, #tpu.memory_space<vmem>>, vector<16xi32>,
      %add3A_240 = arith.addi %add3A_229, %get3A_239 : vector<16xi32>
      %lt3A_241 = arith.constant 11 : i32
      %lt3A_242 = arith.cmpi slt, %lt3A_241, %arg1 : i32
      %convert_element_type3A_243 = arith.extui %lt3A_242 : i1 to i32
      %mul3A_244 = vector.broadcast %convert_element_type3A_243 : i32 to vector<16xi32>
      %mul3A_245 = arith.muli %get3A_239, %mul3A_244 : vector<16xi32>
      %add3A_246 = arith.addi %add3A_235, %mul3A_245 : vector<16xi32>
      %get3A_247 = arith.constant 12 : i32
      %get3A_248 = arith.index_cast %get3A_247 : i32 to index
      %get3A_249 = arith.index_cast %mul3A_115 : i32 to index
      %get3A_250 = tpu.vector_load %arg11[%get3A_248, %get3A_249] {strides = array<i32>} : memref<16x256xi32, #tpu.memory_space<vmem>>, vector<16xi32>,
      %add3A_251 = arith.addi %add3A_240, %get3A_250 : vector<16xi32>
      %lt3A_252 = arith.constant 12 : i32
      %lt3A_253 = arith.cmpi slt, %lt3A_252, %arg1 : i32
      %convert_element_type3A_254 = arith.extui %lt3A_253 : i1 to i32
      %mul3A_255 = vector.broadcast %convert_element_type3A_254 : i32 to vector<16xi32>
      %mul3A_256 = arith.muli %get3A_250, %mul3A_255 : vector<16xi32>
      %add3A_257 = arith.addi %add3A_246, %mul3A_256 : vector<16xi32>
      %get3A_258 = arith.constant 13 : i32
      %get3A_259 = arith.index_cast %get3A_258 : i32 to index
      %get3A_260 = arith.index_cast %mul3A_115 : i32 to index
      %get3A_261 = tpu.vector_load %arg11[%get3A_259, %get3A_260] {strides = array<i32>} : memref<16x256xi32, #tpu.memory_space<vmem>>, vector<16xi32>,
      %add3A_262 = arith.addi %add3A_251, %get3A_261 : vector<16xi32>
      %lt3A_263 = arith.constant 13 : i32
      %lt3A_264 = arith.cmpi slt, %lt3A_263, %arg1 : i32
      %convert_element_type3A_265 = arith.extui %lt3A_264 : i1 to i32
      %mul3A_266 = vector.broadcast %convert_element_type3A_265 : i32 to vector<16xi32>
      %mul3A_267 = arith.muli %get3A_261, %mul3A_266 : vector<16xi32>
      %add3A_268 = arith.addi %add3A_257, %mul3A_267 : vector<16xi32>
      %get3A_269 = arith.constant 14 : i32
      %get3A_270 = arith.index_cast %get3A_269 : i32 to index
      %get3A_271 = arith.index_cast %mul3A_115 : i32 to index
      %get3A_272 = tpu.vector_load %arg11[%get3A_270, %get3A_271] {strides = array<i32>} : memref<16x256xi32, #tpu.memory_space<vmem>>, vector<16xi32>,
      %add3A_273 = arith.addi %add3A_262, %get3A_272 : vector<16xi32>
      %lt3A_274 = arith.constant 14 : i32
      %lt3A_275 = arith.cmpi slt, %lt3A_274, %arg1 : i32
      %convert_element_type3A_276 = arith.extui %lt3A_275 : i1 to i32
      %mul3A_277 = vector.broadcast %convert_element_type3A_276 : i32 to vector<16xi32>
      %mul3A_278 = arith.muli %get3A_272, %mul3A_277 : vector<16xi32>
      %add3A_279 = arith.addi %add3A_268, %mul3A_278 : vector<16xi32>
      %get3A_280 = arith.constant 15 : i32
      %get3A_281 = arith.index_cast %get3A_280 : i32 to index
      %get3A_282 = arith.index_cast %mul3A_115 : i32 to index
      %get3A_283 = tpu.vector_load %arg11[%get3A_281, %get3A_282] {strides = array<i32>} : memref<16x256xi32, #tpu.memory_space<vmem>>, vector<16xi32>,
      %add3A_284 = arith.addi %add3A_273, %get3A_283 : vector<16xi32>
      %lt3A_285 = arith.constant 15 : i32
      %lt3A_286 = arith.cmpi slt, %lt3A_285, %arg1 : i32
      %convert_element_type3A_287 = arith.extui %lt3A_286 : i1 to i32
      %mul3A_288 = vector.broadcast %convert_element_type3A_287 : i32 to vector<16xi32>
      %mul3A_289 = arith.muli %get3A_283, %mul3A_288 : vector<16xi32>
      %add3A_290 = arith.addi %add3A_279, %mul3A_289 : vector<16xi32>
      %broadcast_in_dim3A_291 = arith.constant true
      %broadcast_in_dim3A_292 = vector.broadcast %broadcast_in_dim3A_291 : i1 to vector<16xi1>
      %masked_cumsum3A = tpu.scan <sum>, %add3A_284 masked %broadcast_in_dim3A_292 : vector<16xi32>, vector<16xi1> -> vector<16xi32>
      %sub3A = arith.subi %masked_cumsum3A, %add3A_284 : vector<16xi32>
      %add3A_293 = vector.broadcast %scan3A_113 : i32 to vector<16xi32>
      %add3A_294 = arith.addi %sub3A, %add3A_293 : vector<16xi32>
      %add3A_295 = arith.addi %add3A_294, %add3A_290 : vector<16xi32>
      %swap3A = arith.index_cast %mul3A_115 : i32 to index
      %swap3A_296 = tpu.vector_load %arg10[%swap3A] {strides = array<i32>} : memref<256xi32, #tpu.memory_space<vmem>>, vector<16xi32>,
      tpu.vector_store %arg10[%swap3A], %add3A_295 {strides = array<i32>} : memref<256xi32, #tpu.memory_space<vmem>>, vector<16xi32>,
      %reduce_sum3A = arith.constant true
      %reduce_sum3A_297 = vector.broadcast %reduce_sum3A : i1 to vector<16xi1>
      %reduce_sum3A_298 = tpu.scan <sum>, %add3A_284 masked %reduce_sum3A_297 : vector<16xi32>, vector<16xi1> -> vector<16xi32>
      %reduce_sum3A_299 = vector.extract %reduce_sum3A_298[15] : i32 from vector<16xi32>
      %add3A_300 = arith.addi %scan3A_113, %reduce_sum3A_299 : i32
      scf.yield %add3A_300 : i32
    }
    %scan3A_78 = arith.constant 16 : i32
    %scan3A_79 = arith.constant 0 : i32
    %scan3A_80 = arith.constant 0 : i32
    %scan3A_81 = arith.constant 128 : i32
    %scan3A_82 = arith.addi %scan3A_80, %scan3A_81 : i32
    %scan3A_83 = arith.constant 1 : i32
    scf.for %scan3A_112 = %scan3A_80 to %scan3A_82 step %scan3A_83  : i32 {
      %mul3A_113 = arith.constant 16 : i32
      %mul3A_114 = arith.muli %scan3A_112, %mul3A_113 : i32
      %get3A = arith.index_cast %mul3A_114 : i32 to index
      %get3A_115 = tpu.vector_load %arg6[%get3A] {strides = array<i32>} : memref<2048xi32, #tpu.memory_space<vmem>>, vector<16xi32>,
      %gather3A = tpu.vector_load_idx %arg10[%get3A_115] : memref<256xi32, #tpu.memory_space<vmem>>[vector<16xi32>], vector<16xi32>,
      %get3A_116 = arith.index_cast %mul3A_114 : i32 to index
      %get3A_117 = tpu.vector_load %arg7[%get3A_116] {strides = array<i32>} : memref<2048xi32, #tpu.memory_space<vmem>>, vector<16xi32>,
      %add3A = arith.addi %gather3A, %get3A_117 : vector<16xi32>
      %swap3A = arith.index_cast %mul3A_114 : i32 to index
      %swap3A_118 = tpu.vector_load %arg8[%swap3A] {strides = array<i32>} : memref<2048xi32, #tpu.memory_space<vmem>>, vector<16xi32>,
      tpu.vector_store %arg8[%swap3A], %add3A {strides = array<i32>} : memref<2048xi32, #tpu.memory_space<vmem>>, vector<16xi32>,
    }
    %scan3A_84 = arith.constant 128 : i32
    "tpu.region"() ({
      %run_scoped3A = tpu.sem_alloc : memref<!tpu.dma_semaphore, #tpu.memory_space<semaphore_mem>>
      %dma_start3A = arith.constant 0 : i32
      %dma_start3A_112 = tpu.memref_slice %arg13[%dma_start3A] : memref<32768xi32, #tpu.memory_space<vmem_shared>> -> memref<32768xi32, #tpu.memory_space<vmem_shared>>
      tpu.enqueue_indirect_dma source(%arg4 : memref<2048xi32, #tpu.memory_space<vmem>>) target(%dma_start3A_112 : memref<32768xi32, #tpu.memory_space<vmem_shared>>) offsets(%arg8 : memref<2048xi32, #tpu.memory_space<vmem>>) semaphore(%run_scoped3A : memref<!tpu.dma_semaphore, #tpu.memory_space<semaphore_mem>>)
      %dma_wait3A = arith.constant 0 : i32
      %dma_wait3A_113 = tpu.memref_slice %arg13[%dma_wait3A] : memref<32768xi32, #tpu.memory_space<vmem_shared>> -> memref<32768xi32, #tpu.memory_space<vmem_shared>>
      tpu.wait_indirect_dma semaphore(%run_scoped3A : memref<!tpu.dma_semaphore, #tpu.memory_space<semaphore_mem>>) src(%arg4 : memref<2048xi32, #tpu.memory_space<vmem>>) dst(%dma_wait3A_113 : memref<32768xi32, #tpu.memory_space<vmem_shared>>)
      tpu.yield
    }) : () -> ()
    "tpu.region"() ({
      %run_scoped3A = tpu.sem_alloc : memref<!tpu.dma_semaphore, #tpu.memory_space<semaphore_mem>>
      %dma_start3A = arith.constant 0 : i32
      %dma_start3A_112 = tpu.memref_slice %arg14[%dma_start3A] : memref<32768xi32, #tpu.memory_space<vmem_shared>> -> memref<32768xi32, #tpu.memory_space<vmem_shared>>
      tpu.enqueue_indirect_dma source(%arg5 : memref<2048xi32, #tpu.memory_space<vmem>>) target(%dma_start3A_112 : memref<32768xi32, #tpu.memory_space<vmem_shared>>) offsets(%arg8 : memref<2048xi32, #tpu.memory_space<vmem>>) semaphore(%run_scoped3A : memref<!tpu.dma_semaphore, #tpu.memory_space<semaphore_mem>>)
      %dma_wait3A = arith.constant 0 : i32
      %dma_wait3A_113 = tpu.memref_slice %arg14[%dma_wait3A] : memref<32768xi32, #tpu.memory_space<vmem_shared>> -> memref<32768xi32, #tpu.memory_space<vmem_shared>>
      tpu.wait_indirect_dma semaphore(%run_scoped3A : memref<!tpu.dma_semaphore, #tpu.memory_space<semaphore_mem>>) src(%arg5 : memref<2048xi32, #tpu.memory_space<vmem>>) dst(%dma_wait3A_113 : memref<32768xi32, #tpu.memory_space<vmem_shared>>)
      tpu.yield
    }) : () -> ()
    %barrier3A_85 = arith.constant 0 : index
    tpu.barrier barrier_id(%barrier3A_85)
    "tpu.region"() ({
      %run_scoped3A = tpu.sem_alloc : memref<!tpu.dma_semaphore, #tpu.memory_space<semaphore_mem>>
      %dma_start3A = tpu.memref_slice %arg13[%mul3A_0] : memref<32768xi32, #tpu.memory_space<vmem_shared>> -> memref<2048xi32, #tpu.memory_space<vmem_shared>>
      %dma_start3A_112 = tpu.memref_slice %arg13[%mul3A_0] : memref<32768xi32, #tpu.memory_space<vmem_shared>> -> memref<2048xi32, #tpu.memory_space<vmem_shared>>
      tpu.enqueue_dma source(%dma_start3A_112 : memref<2048xi32, #tpu.memory_space<vmem_shared>>) target(%arg4 : memref<2048xi32, #tpu.memory_space<vmem>>) target_semaphore(%run_scoped3A : memref<!tpu.dma_semaphore, #tpu.memory_space<semaphore_mem>>)
      %dma_wait3A = tpu.memref_slice %arg13[%mul3A_0] : memref<32768xi32, #tpu.memory_space<vmem_shared>> -> memref<2048xi32, #tpu.memory_space<vmem_shared>>
      %dma_wait3A_113 = tpu.memref_slice %arg13[%mul3A_0] : memref<32768xi32, #tpu.memory_space<vmem_shared>> -> memref<2048xi32, #tpu.memory_space<vmem_shared>>
      tpu.wait_dma2 semaphore(%run_scoped3A : memref<!tpu.dma_semaphore, #tpu.memory_space<semaphore_mem>>) src(%dma_wait3A_113 : memref<2048xi32, #tpu.memory_space<vmem_shared>>) dst(%arg4 : memref<2048xi32, #tpu.memory_space<vmem>>)
      tpu.yield
    }) : () -> ()
    "tpu.region"() ({
      %run_scoped3A = tpu.sem_alloc : memref<!tpu.dma_semaphore, #tpu.memory_space<semaphore_mem>>
      %dma_start3A = tpu.memref_slice %arg14[%mul3A_0] : memref<32768xi32, #tpu.memory_space<vmem_shared>> -> memref<2048xi32, #tpu.memory_space<vmem_shared>>
      %dma_start3A_112 = tpu.memref_slice %arg14[%mul3A_0] : memref<32768xi32, #tpu.memory_space<vmem_shared>> -> memref<2048xi32, #tpu.memory_space<vmem_shared>>
      tpu.enqueue_dma source(%dma_start3A_112 : memref<2048xi32, #tpu.memory_space<vmem_shared>>) target(%arg5 : memref<2048xi32, #tpu.memory_space<vmem>>) target_semaphore(%run_scoped3A : memref<!tpu.dma_semaphore, #tpu.memory_space<semaphore_mem>>)
      %dma_wait3A = tpu.memref_slice %arg14[%mul3A_0] : memref<32768xi32, #tpu.memory_space<vmem_shared>> -> memref<2048xi32, #tpu.memory_space<vmem_shared>>
      %dma_wait3A_113 = tpu.memref_slice %arg14[%mul3A_0] : memref<32768xi32, #tpu.memory_space<vmem_shared>> -> memref<2048xi32, #tpu.memory_space<vmem_shared>>
      tpu.wait_dma2 semaphore(%run_scoped3A : memref<!tpu.dma_semaphore, #tpu.memory_space<semaphore_mem>>) src(%dma_wait3A_113 : memref<2048xi32, #tpu.memory_space<vmem_shared>>) dst(%arg5 : memref<2048xi32, #tpu.memory_space<vmem>>)
      tpu.yield
    }) : () -> ()
    %scan3A_86 = arith.constant 0 : i32
    %scan3A_87 = arith.constant 0 : i32
    %scan3A_88 = arith.constant 16 : i32
    %scan3A_89 = arith.addi %scan3A_87, %scan3A_88 : i32
    %scan3A_90 = arith.constant 1 : i32
    scf.for %scan3A_112 = %scan3A_87 to %scan3A_89 step %scan3A_90  : i32 {
      %broadcast_in_dim3A = arith.constant 0 : i32
      %broadcast_in_dim3A_113 = vector.broadcast %broadcast_in_dim3A : i32 to vector<16xi32>
      %mul3A_114 = arith.constant 16 : i32
      %mul3A_115 = arith.muli %scan3A_112, %mul3A_114 : i32
      %swap3A = arith.index_cast %mul3A_115 : i32 to index
      %swap3A_116 = tpu.vector_load %arg9[%swap3A] {strides = array<i32>} : memref<256xi32, #tpu.memory_space<vmem>>, vector<16xi32>,
      tpu.vector_store %arg9[%swap3A], %broadcast_in_dim3A_113 {strides = array<i32>} : memref<256xi32, #tpu.memory_space<vmem>>, vector<16xi32>,
    }
    %scan3A_91 = arith.constant 16 : i32
    %scan3A_92 = arith.constant 0 : i32
    %scan3A_93 = arith.constant 0 : i32
    %scan3A_94 = arith.constant 128 : i32
    %scan3A_95 = arith.addi %scan3A_93, %scan3A_94 : i32
    %scan3A_96 = arith.constant 1 : i32
    scf.for %scan3A_112 = %scan3A_93 to %scan3A_95 step %scan3A_96  : i32 {
      %mul3A_113 = arith.constant 16 : i32
      %mul3A_114 = arith.muli %scan3A_112, %mul3A_113 : i32
      %get3A = arith.index_cast %mul3A_114 : i32 to index
      %get3A_115 = tpu.vector_load %arg4[%get3A] {strides = array<i32>} : memref<2048xi32, #tpu.memory_space<vmem>>, vector<16xi32>,
      %shift_right_arithmetic3A = arith.constant 24 : i32
      %shift_right_arithmetic3A_116 = vector.broadcast %shift_right_arithmetic3A : i32 to vector<16xi32>
      %shift_right_arithmetic3A_117 = arith.shrsi %get3A_115, %shift_right_arithmetic3A_116 : vector<16xi32>
      %and3A = arith.constant 255 : i32
      %and3A_118 = vector.broadcast %and3A : i32 to vector<16xi32>
      %and3A_119 = arith.andi %shift_right_arithmetic3A_117, %and3A_118 : vector<16xi32>
      %swap3A = arith.index_cast %mul3A_114 : i32 to index
      %swap3A_120 = tpu.vector_load %arg6[%swap3A] {strides = array<i32>} : memref<2048xi32, #tpu.memory_space<vmem>>, vector<16xi32>,
      tpu.vector_store %arg6[%swap3A], %and3A_119 {strides = array<i32>} : memref<2048xi32, #tpu.memory_space<vmem>>, vector<16xi32>,
      %broadcast_in_dim3A = arith.constant true
      %broadcast_in_dim3A_121 = vector.broadcast %broadcast_in_dim3A : i1 to vector<16xi1>
      %unique3A, %unique3A_122 = tpu.scan_count mask(%broadcast_in_dim3A_121 : vector<16xi1>) value(%and3A_119 : vector<16xi32>) : vector<16xi1>, vector<16xi32>
      %gather3A = tpu.vector_load_idx %arg9[%and3A_119] : memref<256xi32, #tpu.memory_space<vmem>>[vector<16xi32>], vector<16xi32>,
      %add3A = arith.addi %gather3A, %unique3A_122 : vector<16xi32>
      %sub3A = arith.constant 1 : i32
      %sub3A_123 = vector.broadcast %sub3A : i32 to vector<16xi32>
      %sub3A_124 = arith.subi %add3A, %sub3A_123 : vector<16xi32>
      %swap3A_125 = arith.index_cast %mul3A_114 : i32 to index
      %swap3A_126 = tpu.vector_load %arg7[%swap3A_125] {strides = array<i32>} : memref<2048xi32, #tpu.memory_space<vmem>>, vector<16xi32>,
      tpu.vector_store %arg7[%swap3A_125], %sub3A_124 {strides = array<i32>} : memref<2048xi32, #tpu.memory_space<vmem>>, vector<16xi32>,
      tpu.vector_store_idx %arg9[%and3A_119], %unique3A_122 masked %unique3A {add = true} : memref<256xi32, #tpu.memory_space<vmem>>[vector<16xi32>], vector<16xi32>, vector<16xi1>
    }
    %scan3A_97 = arith.constant 128 : i32
    "tpu.region"() ({
      %run_scoped3A = tpu.sem_alloc : memref<!tpu.dma_semaphore, #tpu.memory_space<semaphore_mem>>
      %dma_start3A = arith.constant 0 : i32
      %dma_start3A_112 = tpu.memref_slice %arg12[%arg1, %dma_start3A] : memref<16x256xi32, #tpu.memory_space<vmem_shared>> -> memref<1x256xi32, #tpu.memory_space<vmem_shared>>
      %dma_start3A_113 = tpu.memref_squeeze %dma_start3A_112 : memref<1x256xi32, #tpu.memory_space<vmem_shared>> -> memref<256xi32, #tpu.memory_space<vmem_shared>>
      %dma_start3A_114 = arith.constant 0 : i32
      %dma_start3A_115 = tpu.memref_slice %arg12[%arg1, %dma_start3A_114] : memref<16x256xi32, #tpu.memory_space<vmem_shared>> -> memref<1x256xi32, #tpu.memory_space<vmem_shared>>
      %dma_start3A_116 = tpu.memref_squeeze %dma_start3A_115 : memref<1x256xi32, #tpu.memory_space<vmem_shared>> -> memref<256xi32, #tpu.memory_space<vmem_shared>>
      tpu.enqueue_dma source(%arg9 : memref<256xi32, #tpu.memory_space<vmem>>) target(%dma_start3A_116 : memref<256xi32, #tpu.memory_space<vmem_shared>>) target_semaphore(%run_scoped3A : memref<!tpu.dma_semaphore, #tpu.memory_space<semaphore_mem>>)
      %dma_wait3A = arith.constant 0 : i32
      %dma_wait3A_117 = tpu.memref_slice %arg12[%arg1, %dma_wait3A] : memref<16x256xi32, #tpu.memory_space<vmem_shared>> -> memref<1x256xi32, #tpu.memory_space<vmem_shared>>
      %dma_wait3A_118 = tpu.memref_squeeze %dma_wait3A_117 : memref<1x256xi32, #tpu.memory_space<vmem_shared>> -> memref<256xi32, #tpu.memory_space<vmem_shared>>
      %dma_wait3A_119 = arith.constant 0 : i32
      %dma_wait3A_120 = tpu.memref_slice %arg12[%arg1, %dma_wait3A_119] : memref<16x256xi32, #tpu.memory_space<vmem_shared>> -> memref<1x256xi32, #tpu.memory_space<vmem_shared>>
      %dma_wait3A_121 = tpu.memref_squeeze %dma_wait3A_120 : memref<1x256xi32, #tpu.memory_space<vmem_shared>> -> memref<256xi32, #tpu.memory_space<vmem_shared>>
      tpu.wait_dma2 semaphore(%run_scoped3A : memref<!tpu.dma_semaphore, #tpu.memory_space<semaphore_mem>>) src(%arg9 : memref<256xi32, #tpu.memory_space<vmem>>) dst(%dma_wait3A_121 : memref<256xi32, #tpu.memory_space<vmem_shared>>)
      tpu.yield
    }) : () -> ()
    %barrier3A_98 = arith.constant 0 : index
    tpu.barrier barrier_id(%barrier3A_98)
    "tpu.region"() ({
      %run_scoped3A = tpu.sem_alloc : memref<!tpu.dma_semaphore, #tpu.memory_space<semaphore_mem>>
      tpu.enqueue_dma source(%arg12 : memref<16x256xi32, #tpu.memory_space<vmem_shared>>) target(%arg11 : memref<16x256xi32, #tpu.memory_space<vmem>>) target_semaphore(%run_scoped3A : memref<!tpu.dma_semaphore, #tpu.memory_space<semaphore_mem>>)
      tpu.wait_dma2 semaphore(%run_scoped3A : memref<!tpu.dma_semaphore, #tpu.memory_space<semaphore_mem>>) src(%arg12 : memref<16x256xi32, #tpu.memory_space<vmem_shared>>) dst(%arg11 : memref<16x256xi32, #tpu.memory_space<vmem>>)
      tpu.yield
    }) : () -> ()
    %scan3A_99 = arith.constant 0 : i32
    %scan3A_100 = arith.constant 0 : i32
    %scan3A_101 = arith.constant 16 : i32
    %scan3A_102 = arith.addi %scan3A_100, %scan3A_101 : i32
    %scan3A_103 = arith.constant 1 : i32
    %scan3A_104 = scf.for %scan3A_112 = %scan3A_100 to %scan3A_102 step %scan3A_103 iter_args(%scan3A_113 = %scan3A_99) -> (i32)  : i32 {
      %mul3A_114 = arith.constant 16 : i32
      %mul3A_115 = arith.muli %scan3A_112, %mul3A_114 : i32
      %broadcast_in_dim3A = arith.constant 0 : i32
      %broadcast_in_dim3A_116 = vector.broadcast %broadcast_in_dim3A : i32 to vector<16xi32>
      %broadcast_in_dim3A_117 = arith.constant 0 : i32
      %broadcast_in_dim3A_118 = vector.broadcast %broadcast_in_dim3A_117 : i32 to vector<16xi32>
      %get3A = arith.constant 0 : i32
      %get3A_119 = arith.index_cast %get3A : i32 to index
      %get3A_120 = arith.index_cast %mul3A_115 : i32 to index
      %get3A_121 = tpu.vector_load %arg11[%get3A_119, %get3A_120] {strides = array<i32>} : memref<16x256xi32, #tpu.memory_space<vmem>>, vector<16xi32>,
      %add3A = arith.addi %broadcast_in_dim3A_116, %get3A_121 : vector<16xi32>
      %lt3A = arith.constant 0 : i32
      %lt3A_122 = arith.cmpi slt, %lt3A, %arg1 : i32
      %convert_element_type3A = arith.extui %lt3A_122 : i1 to i32
      %mul3A_123 = vector.broadcast %convert_element_type3A : i32 to vector<16xi32>
      %mul3A_124 = arith.muli %get3A_121, %mul3A_123 : vector<16xi32>
      %add3A_125 = arith.addi %broadcast_in_dim3A_118, %mul3A_124 : vector<16xi32>
      %get3A_126 = arith.constant 1 : i32
      %get3A_127 = arith.index_cast %get3A_126 : i32 to index
      %get3A_128 = arith.index_cast %mul3A_115 : i32 to index
      %get3A_129 = tpu.vector_load %arg11[%get3A_127, %get3A_128] {strides = array<i32>} : memref<16x256xi32, #tpu.memory_space<vmem>>, vector<16xi32>,
      %add3A_130 = arith.addi %add3A, %get3A_129 : vector<16xi32>
      %lt3A_131 = arith.constant 1 : i32
      %lt3A_132 = arith.cmpi slt, %lt3A_131, %arg1 : i32
      %convert_element_type3A_133 = arith.extui %lt3A_132 : i1 to i32
      %mul3A_134 = vector.broadcast %convert_element_type3A_133 : i32 to vector<16xi32>
      %mul3A_135 = arith.muli %get3A_129, %mul3A_134 : vector<16xi32>
      %add3A_136 = arith.addi %add3A_125, %mul3A_135 : vector<16xi32>
      %get3A_137 = arith.constant 2 : i32
      %get3A_138 = arith.index_cast %get3A_137 : i32 to index
      %get3A_139 = arith.index_cast %mul3A_115 : i32 to index
      %get3A_140 = tpu.vector_load %arg11[%get3A_138, %get3A_139] {strides = array<i32>} : memref<16x256xi32, #tpu.memory_space<vmem>>, vector<16xi32>,
      %add3A_141 = arith.addi %add3A_130, %get3A_140 : vector<16xi32>
      %lt3A_142 = arith.constant 2 : i32
      %lt3A_143 = arith.cmpi slt, %lt3A_142, %arg1 : i32
      %convert_element_type3A_144 = arith.extui %lt3A_143 : i1 to i32
      %mul3A_145 = vector.broadcast %convert_element_type3A_144 : i32 to vector<16xi32>
      %mul3A_146 = arith.muli %get3A_140, %mul3A_145 : vector<16xi32>
      %add3A_147 = arith.addi %add3A_136, %mul3A_146 : vector<16xi32>
      %get3A_148 = arith.constant 3 : i32
      %get3A_149 = arith.index_cast %get3A_148 : i32 to index
      %get3A_150 = arith.index_cast %mul3A_115 : i32 to index
      %get3A_151 = tpu.vector_load %arg11[%get3A_149, %get3A_150] {strides = array<i32>} : memref<16x256xi32, #tpu.memory_space<vmem>>, vector<16xi32>,
      %add3A_152 = arith.addi %add3A_141, %get3A_151 : vector<16xi32>
      %lt3A_153 = arith.constant 3 : i32
      %lt3A_154 = arith.cmpi slt, %lt3A_153, %arg1 : i32
      %convert_element_type3A_155 = arith.extui %lt3A_154 : i1 to i32
      %mul3A_156 = vector.broadcast %convert_element_type3A_155 : i32 to vector<16xi32>
      %mul3A_157 = arith.muli %get3A_151, %mul3A_156 : vector<16xi32>
      %add3A_158 = arith.addi %add3A_147, %mul3A_157 : vector<16xi32>
      %get3A_159 = arith.constant 4 : i32
      %get3A_160 = arith.index_cast %get3A_159 : i32 to index
      %get3A_161 = arith.index_cast %mul3A_115 : i32 to index
      %get3A_162 = tpu.vector_load %arg11[%get3A_160, %get3A_161] {strides = array<i32>} : memref<16x256xi32, #tpu.memory_space<vmem>>, vector<16xi32>,
      %add3A_163 = arith.addi %add3A_152, %get3A_162 : vector<16xi32>
      %lt3A_164 = arith.constant 4 : i32
      %lt3A_165 = arith.cmpi slt, %lt3A_164, %arg1 : i32
      %convert_element_type3A_166 = arith.extui %lt3A_165 : i1 to i32
      %mul3A_167 = vector.broadcast %convert_element_type3A_166 : i32 to vector<16xi32>
      %mul3A_168 = arith.muli %get3A_162, %mul3A_167 : vector<16xi32>
      %add3A_169 = arith.addi %add3A_158, %mul3A_168 : vector<16xi32>
      %get3A_170 = arith.constant 5 : i32
      %get3A_171 = arith.index_cast %get3A_170 : i32 to index
      %get3A_172 = arith.index_cast %mul3A_115 : i32 to index
      %get3A_173 = tpu.vector_load %arg11[%get3A_171, %get3A_172] {strides = array<i32>} : memref<16x256xi32, #tpu.memory_space<vmem>>, vector<16xi32>,
      %add3A_174 = arith.addi %add3A_163, %get3A_173 : vector<16xi32>
      %lt3A_175 = arith.constant 5 : i32
      %lt3A_176 = arith.cmpi slt, %lt3A_175, %arg1 : i32
      %convert_element_type3A_177 = arith.extui %lt3A_176 : i1 to i32
      %mul3A_178 = vector.broadcast %convert_element_type3A_177 : i32 to vector<16xi32>
      %mul3A_179 = arith.muli %get3A_173, %mul3A_178 : vector<16xi32>
      %add3A_180 = arith.addi %add3A_169, %mul3A_179 : vector<16xi32>
      %get3A_181 = arith.constant 6 : i32
      %get3A_182 = arith.index_cast %get3A_181 : i32 to index
      %get3A_183 = arith.index_cast %mul3A_115 : i32 to index
      %get3A_184 = tpu.vector_load %arg11[%get3A_182, %get3A_183] {strides = array<i32>} : memref<16x256xi32, #tpu.memory_space<vmem>>, vector<16xi32>,
      %add3A_185 = arith.addi %add3A_174, %get3A_184 : vector<16xi32>
      %lt3A_186 = arith.constant 6 : i32
      %lt3A_187 = arith.cmpi slt, %lt3A_186, %arg1 : i32
      %convert_element_type3A_188 = arith.extui %lt3A_187 : i1 to i32
      %mul3A_189 = vector.broadcast %convert_element_type3A_188 : i32 to vector<16xi32>
      %mul3A_190 = arith.muli %get3A_184, %mul3A_189 : vector<16xi32>
      %add3A_191 = arith.addi %add3A_180, %mul3A_190 : vector<16xi32>
      %get3A_192 = arith.constant 7 : i32
      %get3A_193 = arith.index_cast %get3A_192 : i32 to index
      %get3A_194 = arith.index_cast %mul3A_115 : i32 to index
      %get3A_195 = tpu.vector_load %arg11[%get3A_193, %get3A_194] {strides = array<i32>} : memref<16x256xi32, #tpu.memory_space<vmem>>, vector<16xi32>,
      %add3A_196 = arith.addi %add3A_185, %get3A_195 : vector<16xi32>
      %lt3A_197 = arith.constant 7 : i32
      %lt3A_198 = arith.cmpi slt, %lt3A_197, %arg1 : i32
      %convert_element_type3A_199 = arith.extui %lt3A_198 : i1 to i32
      %mul3A_200 = vector.broadcast %convert_element_type3A_199 : i32 to vector<16xi32>
      %mul3A_201 = arith.muli %get3A_195, %mul3A_200 : vector<16xi32>
      %add3A_202 = arith.addi %add3A_191, %mul3A_201 : vector<16xi32>
      %get3A_203 = arith.constant 8 : i32
      %get3A_204 = arith.index_cast %get3A_203 : i32 to index
      %get3A_205 = arith.index_cast %mul3A_115 : i32 to index
      %get3A_206 = tpu.vector_load %arg11[%get3A_204, %get3A_205] {strides = array<i32>} : memref<16x256xi32, #tpu.memory_space<vmem>>, vector<16xi32>,
      %add3A_207 = arith.addi %add3A_196, %get3A_206 : vector<16xi32>
      %lt3A_208 = arith.constant 8 : i32
      %lt3A_209 = arith.cmpi slt, %lt3A_208, %arg1 : i32
      %convert_element_type3A_210 = arith.extui %lt3A_209 : i1 to i32
      %mul3A_211 = vector.broadcast %convert_element_type3A_210 : i32 to vector<16xi32>
      %mul3A_212 = arith.muli %get3A_206, %mul3A_211 : vector<16xi32>
      %add3A_213 = arith.addi %add3A_202, %mul3A_212 : vector<16xi32>
      %get3A_214 = arith.constant 9 : i32
      %get3A_215 = arith.index_cast %get3A_214 : i32 to index
      %get3A_216 = arith.index_cast %mul3A_115 : i32 to index
      %get3A_217 = tpu.vector_load %arg11[%get3A_215, %get3A_216] {strides = array<i32>} : memref<16x256xi32, #tpu.memory_space<vmem>>, vector<16xi32>,
      %add3A_218 = arith.addi %add3A_207, %get3A_217 : vector<16xi32>
      %lt3A_219 = arith.constant 9 : i32
      %lt3A_220 = arith.cmpi slt, %lt3A_219, %arg1 : i32
      %convert_element_type3A_221 = arith.extui %lt3A_220 : i1 to i32
      %mul3A_222 = vector.broadcast %convert_element_type3A_221 : i32 to vector<16xi32>
      %mul3A_223 = arith.muli %get3A_217, %mul3A_222 : vector<16xi32>
      %add3A_224 = arith.addi %add3A_213, %mul3A_223 : vector<16xi32>
      %get3A_225 = arith.constant 10 : i32
      %get3A_226 = arith.index_cast %get3A_225 : i32 to index
      %get3A_227 = arith.index_cast %mul3A_115 : i32 to index
      %get3A_228 = tpu.vector_load %arg11[%get3A_226, %get3A_227] {strides = array<i32>} : memref<16x256xi32, #tpu.memory_space<vmem>>, vector<16xi32>,
      %add3A_229 = arith.addi %add3A_218, %get3A_228 : vector<16xi32>
      %lt3A_230 = arith.constant 10 : i32
      %lt3A_231 = arith.cmpi slt, %lt3A_230, %arg1 : i32
      %convert_element_type3A_232 = arith.extui %lt3A_231 : i1 to i32
      %mul3A_233 = vector.broadcast %convert_element_type3A_232 : i32 to vector<16xi32>
      %mul3A_234 = arith.muli %get3A_228, %mul3A_233 : vector<16xi32>
      %add3A_235 = arith.addi %add3A_224, %mul3A_234 : vector<16xi32>
      %get3A_236 = arith.constant 11 : i32
      %get3A_237 = arith.index_cast %get3A_236 : i32 to index
      %get3A_238 = arith.index_cast %mul3A_115 : i32 to index
      %get3A_239 = tpu.vector_load %arg11[%get3A_237, %get3A_238] {strides = array<i32>} : memref<16x256xi32, #tpu.memory_space<vmem>>, vector<16xi32>,
      %add3A_240 = arith.addi %add3A_229, %get3A_239 : vector<16xi32>
      %lt3A_241 = arith.constant 11 : i32
      %lt3A_242 = arith.cmpi slt, %lt3A_241, %arg1 : i32
      %convert_element_type3A_243 = arith.extui %lt3A_242 : i1 to i32
      %mul3A_244 = vector.broadcast %convert_element_type3A_243 : i32 to vector<16xi32>
      %mul3A_245 = arith.muli %get3A_239, %mul3A_244 : vector<16xi32>
      %add3A_246 = arith.addi %add3A_235, %mul3A_245 : vector<16xi32>
      %get3A_247 = arith.constant 12 : i32
      %get3A_248 = arith.index_cast %get3A_247 : i32 to index
      %get3A_249 = arith.index_cast %mul3A_115 : i32 to index
      %get3A_250 = tpu.vector_load %arg11[%get3A_248, %get3A_249] {strides = array<i32>} : memref<16x256xi32, #tpu.memory_space<vmem>>, vector<16xi32>,
      %add3A_251 = arith.addi %add3A_240, %get3A_250 : vector<16xi32>
      %lt3A_252 = arith.constant 12 : i32
      %lt3A_253 = arith.cmpi slt, %lt3A_252, %arg1 : i32
      %convert_element_type3A_254 = arith.extui %lt3A_253 : i1 to i32
      %mul3A_255 = vector.broadcast %convert_element_type3A_254 : i32 to vector<16xi32>
      %mul3A_256 = arith.muli %get3A_250, %mul3A_255 : vector<16xi32>
      %add3A_257 = arith.addi %add3A_246, %mul3A_256 : vector<16xi32>
      %get3A_258 = arith.constant 13 : i32
      %get3A_259 = arith.index_cast %get3A_258 : i32 to index
      %get3A_260 = arith.index_cast %mul3A_115 : i32 to index
      %get3A_261 = tpu.vector_load %arg11[%get3A_259, %get3A_260] {strides = array<i32>} : memref<16x256xi32, #tpu.memory_space<vmem>>, vector<16xi32>,
      %add3A_262 = arith.addi %add3A_251, %get3A_261 : vector<16xi32>
      %lt3A_263 = arith.constant 13 : i32
      %lt3A_264 = arith.cmpi slt, %lt3A_263, %arg1 : i32
      %convert_element_type3A_265 = arith.extui %lt3A_264 : i1 to i32
      %mul3A_266 = vector.broadcast %convert_element_type3A_265 : i32 to vector<16xi32>
      %mul3A_267 = arith.muli %get3A_261, %mul3A_266 : vector<16xi32>
      %add3A_268 = arith.addi %add3A_257, %mul3A_267 : vector<16xi32>
      %get3A_269 = arith.constant 14 : i32
      %get3A_270 = arith.index_cast %get3A_269 : i32 to index
      %get3A_271 = arith.index_cast %mul3A_115 : i32 to index
      %get3A_272 = tpu.vector_load %arg11[%get3A_270, %get3A_271] {strides = array<i32>} : memref<16x256xi32, #tpu.memory_space<vmem>>, vector<16xi32>,
      %add3A_273 = arith.addi %add3A_262, %get3A_272 : vector<16xi32>
      %lt3A_274 = arith.constant 14 : i32
      %lt3A_275 = arith.cmpi slt, %lt3A_274, %arg1 : i32
      %convert_element_type3A_276 = arith.extui %lt3A_275 : i1 to i32
      %mul3A_277 = vector.broadcast %convert_element_type3A_276 : i32 to vector<16xi32>
      %mul3A_278 = arith.muli %get3A_272, %mul3A_277 : vector<16xi32>
      %add3A_279 = arith.addi %add3A_268, %mul3A_278 : vector<16xi32>
      %get3A_280 = arith.constant 15 : i32
      %get3A_281 = arith.index_cast %get3A_280 : i32 to index
      %get3A_282 = arith.index_cast %mul3A_115 : i32 to index
      %get3A_283 = tpu.vector_load %arg11[%get3A_281, %get3A_282] {strides = array<i32>} : memref<16x256xi32, #tpu.memory_space<vmem>>, vector<16xi32>,
      %add3A_284 = arith.addi %add3A_273, %get3A_283 : vector<16xi32>
      %lt3A_285 = arith.constant 15 : i32
      %lt3A_286 = arith.cmpi slt, %lt3A_285, %arg1 : i32
      %convert_element_type3A_287 = arith.extui %lt3A_286 : i1 to i32
      %mul3A_288 = vector.broadcast %convert_element_type3A_287 : i32 to vector<16xi32>
      %mul3A_289 = arith.muli %get3A_283, %mul3A_288 : vector<16xi32>
      %add3A_290 = arith.addi %add3A_279, %mul3A_289 : vector<16xi32>
      %broadcast_in_dim3A_291 = arith.constant true
      %broadcast_in_dim3A_292 = vector.broadcast %broadcast_in_dim3A_291 : i1 to vector<16xi1>
      %masked_cumsum3A = tpu.scan <sum>, %add3A_284 masked %broadcast_in_dim3A_292 : vector<16xi32>, vector<16xi1> -> vector<16xi32>
      %sub3A = arith.subi %masked_cumsum3A, %add3A_284 : vector<16xi32>
      %add3A_293 = vector.broadcast %scan3A_113 : i32 to vector<16xi32>
      %add3A_294 = arith.addi %sub3A, %add3A_293 : vector<16xi32>
      %add3A_295 = arith.addi %add3A_294, %add3A_290 : vector<16xi32>
      %swap3A = arith.index_cast %mul3A_115 : i32 to index
      %swap3A_296 = tpu.vector_load %arg10[%swap3A] {strides = array<i32>} : memref<256xi32, #tpu.memory_space<vmem>>, vector<16xi32>,
      tpu.vector_store %arg10[%swap3A], %add3A_295 {strides = array<i32>} : memref<256xi32, #tpu.memory_space<vmem>>, vector<16xi32>,
      %reduce_sum3A = arith.constant true
      %reduce_sum3A_297 = vector.broadcast %reduce_sum3A : i1 to vector<16xi1>
      %reduce_sum3A_298 = tpu.scan <sum>, %add3A_284 masked %reduce_sum3A_297 : vector<16xi32>, vector<16xi1> -> vector<16xi32>
      %reduce_sum3A_299 = vector.extract %reduce_sum3A_298[15] : i32 from vector<16xi32>
      %add3A_300 = arith.addi %scan3A_113, %reduce_sum3A_299 : i32
      scf.yield %add3A_300 : i32
    }
    %scan3A_105 = arith.constant 16 : i32
    %scan3A_106 = arith.constant 0 : i32
    %scan3A_107 = arith.constant 0 : i32
    %scan3A_108 = arith.constant 128 : i32
    %scan3A_109 = arith.addi %scan3A_107, %scan3A_108 : i32
    %scan3A_110 = arith.constant 1 : i32
    scf.for %scan3A_112 = %scan3A_107 to %scan3A_109 step %scan3A_110  : i32 {
      %mul3A_113 = arith.constant 16 : i32
      %mul3A_114 = arith.muli %scan3A_112, %mul3A_113 : i32
      %get3A = arith.index_cast %mul3A_114 : i32 to index
      %get3A_115 = tpu.vector_load %arg6[%get3A] {strides = array<i32>} : memref<2048xi32, #tpu.memory_space<vmem>>, vector<16xi32>,
      %gather3A = tpu.vector_load_idx %arg10[%get3A_115] : memref<256xi32, #tpu.memory_space<vmem>>[vector<16xi32>], vector<16xi32>,
      %get3A_116 = arith.index_cast %mul3A_114 : i32 to index
      %get3A_117 = tpu.vector_load %arg7[%get3A_116] {strides = array<i32>} : memref<2048xi32, #tpu.memory_space<vmem>>, vector<16xi32>,
      %add3A = arith.addi %gather3A, %get3A_117 : vector<16xi32>
      %swap3A = arith.index_cast %mul3A_114 : i32 to index
      %swap3A_118 = tpu.vector_load %arg8[%swap3A] {strides = array<i32>} : memref<2048xi32, #tpu.memory_space<vmem>>, vector<16xi32>,
      tpu.vector_store %arg8[%swap3A], %add3A {strides = array<i32>} : memref<2048xi32, #tpu.memory_space<vmem>>, vector<16xi32>,
    }
    %scan3A_111 = arith.constant 128 : i32
    "tpu.region"() ({
      %run_scoped3A = tpu.sem_alloc : memref<!tpu.dma_semaphore, #tpu.memory_space<semaphore_mem>>
      %dma_start3A = arith.constant 0 : i32
      %dma_start3A_112 = tpu.memref_slice %arg3[%dma_start3A] : memref<32768xi32, #tpu.memory_space<hbm>> -> memref<32768xi32, #tpu.memory_space<hbm>>
      tpu.enqueue_indirect_dma source(%arg8 : memref<2048xi32, #tpu.memory_space<vmem>>) target(%dma_start3A_112 : memref<32768xi32, #tpu.memory_space<hbm>>) offsets(%arg5 : memref<2048xi32, #tpu.memory_space<vmem>>) semaphore(%run_scoped3A : memref<!tpu.dma_semaphore, #tpu.memory_space<semaphore_mem>>)
      %dma_wait3A = arith.constant 0 : i32
      %dma_wait3A_113 = tpu.memref_slice %arg3[%dma_wait3A] : memref<32768xi32, #tpu.memory_space<hbm>> -> memref<32768xi32, #tpu.memory_space<hbm>>
      tpu.wait_indirect_dma semaphore(%run_scoped3A : memref<!tpu.dma_semaphore, #tpu.memory_space<semaphore_mem>>) src(%arg8 : memref<2048xi32, #tpu.memory_space<vmem>>) dst(%dma_wait3A_113 : memref<32768xi32, #tpu.memory_space<hbm>>)
      tpu.yield
    }) : () -> ()
    return
  }
}

module attributes {stable_mosaic.version = 14 : i64} {
  func.func @_importance_key_body(%arg0: memref<1x32768xf32, #tpu.memory_space<vmem>>, %arg1: memref<32768x64xf32, #tpu.memory_space<vmem>>, %arg2: memref<1x64xf32, #tpu.memory_space<vmem>>, %arg3: memref<64x32768xf32, #tpu.memory_space<vmem>>, %arg4: memref<1x32768xf32, #tpu.memory_space<vmem>>, %arg5: memref<1x32768xi32, #tpu.memory_space<vmem>>) attributes {dimension_semantics = [], scalar_prefetch = 0 : i64, scratch_operands = 0 : i64, tpu.core_type = #tpu.core_type<tc>} {
    %get3A = arith.constant 0 : index
    %get3A_0 = arith.constant 0 : index
    %get3A_1 = vector.load %arg0[%get3A, %get3A_0] : memref<1x32768xf32, #tpu.memory_space<vmem>>, vector<1x32768xf32>
    %get3A_2 = arith.constant 0 : index
    %get3A_3 = arith.constant 0 : index
    %get3A_4 = vector.load %arg1[%get3A_2, %get3A_3] : memref<32768x64xf32, #tpu.memory_space<vmem>>, vector<32768x64xf32>
    %dot_general3A = arith.constant dense<0.000000e+00> : vector<1x64xf32>
    %dot_general3A_5 = tpu.matmul %get3A_1, %get3A_4, %dot_general3A {dimension_numbers = #tpu.dot_dimension_numbers<[1], [0], [0], [1], [0, 0, 1, 1], [], []>, transpose_lhs_hint = false} : vector<1x32768xf32>, vector<32768x64xf32>, vector<1x64xf32> -> vector<1x64xf32>
    %get3A_6 = arith.constant 0 : index
    %get3A_7 = arith.constant 0 : index
    %get3A_8 = vector.load %arg2[%get3A_6, %get3A_7] : memref<1x64xf32, #tpu.memory_space<vmem>>, vector<1x64xf32>
    %add3A = arith.addf %dot_general3A_5, %get3A_8 : vector<1x64xf32>
    %max3A = arith.constant 0.000000e+00 : f32
    %max3A_9 = vector.broadcast %max3A : f32 to vector<1x64xf32>
    %max3A_10 = arith.maximumf %add3A, %max3A_9 : vector<1x64xf32>
    %get3A_11 = arith.constant 0 : index
    %get3A_12 = arith.constant 0 : index
    %get3A_13 = vector.load %arg3[%get3A_11, %get3A_12] : memref<64x32768xf32, #tpu.memory_space<vmem>>, vector<64x32768xf32>
    %dot_general3A_14 = arith.constant dense<0.000000e+00> : vector<1x32768xf32>
    %dot_general3A_15 = tpu.matmul %max3A_10, %get3A_13, %dot_general3A_14 {dimension_numbers = #tpu.dot_dimension_numbers<[1], [0], [0], [1], [0, 0, 1, 1], [], []>, transpose_lhs_hint = false} : vector<1x64xf32>, vector<64x32768xf32>, vector<1x32768xf32> -> vector<1x32768xf32>
    %get3A_16 = arith.constant 0 : index
    %get3A_17 = arith.constant 0 : index
    %get3A_18 = vector.load %arg4[%get3A_16, %get3A_17] : memref<1x32768xf32, #tpu.memory_space<vmem>>, vector<1x32768xf32>
    %add3A_19 = arith.addf %dot_general3A_15, %get3A_18 : vector<1x32768xf32>
    %logistic3A = arith.negf %add3A_19 : vector<1x32768xf32>
    %logistic3A_20 = math.exp %logistic3A : vector<1x32768xf32>
    %logistic3A_21 = arith.constant 1.000000e+00 : f32
    %logistic3A_22 = vector.broadcast %logistic3A_21 : f32 to vector<1x32768xf32>
    %logistic3A_23 = arith.addf %logistic3A_22, %logistic3A_20 : vector<1x32768xf32>
    %logistic3A_24 = arith.divf %logistic3A_22, %logistic3A_23 : vector<1x32768xf32>
    %bitcast_convert_type3A = tpu.bitcast %logistic3A_24 : vector<1x32768xf32> -> vector<1x32768xi32>
    %sub3A = arith.constant 1065353216 : i32
    %sub3A_25 = vector.broadcast %sub3A : i32 to vector<1x32768xi32>
    %sub3A_26 = arith.subi %sub3A_25, %bitcast_convert_type3A : vector<1x32768xi32>
    %swap3A = arith.constant 0 : index
    %swap3A_27 = arith.constant 0 : index
    %swap3A_28 = vector.load %arg5[%swap3A, %swap3A_27] : memref<1x32768xi32, #tpu.memory_space<vmem>>, vector<1x32768xi32>
    tpu.vector_store %arg5[%swap3A, %swap3A_27], %sub3A_26 {strides = array<i32>} : memref<1x32768xi32, #tpu.memory_space<vmem>>, vector<1x32768xi32>,
    return
  }
}

module attributes {stable_mosaic.version = 14 : i64} {
  func.func @_decode_body(%arg0: memref<1x32768xf32, #tpu.memory_space<vmem>>, %arg1: memref<1x32768xi32, #tpu.memory_space<vmem>>, %arg2: memref<32768x32xf32, #tpu.memory_space<vmem>>, %arg3: memref<1x32xf32, #tpu.memory_space<vmem>>, %arg4: memref<32x64xf32, #tpu.memory_space<vmem>>, %arg5: memref<1x64xf32, #tpu.memory_space<vmem>>, %arg6: memref<64x9856xf32, #tpu.memory_space<vmem>>, %arg7: memref<1x9856xf32, #tpu.memory_space<vmem>>, %arg8: memref<1x9856xf32, #tpu.memory_space<vmem>>) attributes {dimension_semantics = [], scalar_prefetch = 0 : i64, scratch_operands = 0 : i64, tpu.core_type = #tpu.core_type<tc>} {
    %get3A = arith.constant 0 : index
    %get3A_0 = arith.constant 0 : index
    %get3A_1 = vector.load %arg1[%get3A, %get3A_0] : memref<1x32768xi32, #tpu.memory_space<vmem>>, vector<1x32768xi32>
    %lt3A = arith.constant 9830 : i32
    %lt3A_2 = vector.broadcast %lt3A : i32 to vector<1x32768xi32>
    %lt3A_3 = arith.cmpi slt, %get3A_1, %lt3A_2 : vector<1x32768xi32>
    %get3A_4 = arith.constant 0 : index
    %get3A_5 = arith.constant 0 : index
    %get3A_6 = vector.load %arg0[%get3A_4, %get3A_5] : memref<1x32768xf32, #tpu.memory_space<vmem>>, vector<1x32768xf32>
    %jit3A = arith.constant 0.000000e+00 : f32
    %broadcast_in_dim3A = vector.broadcast %jit3A : f32 to vector<1x32768xf32>
    %select_n3A = arith.select %lt3A_3, %get3A_6, %broadcast_in_dim3A : vector<1x32768xi1>, vector<1x32768xf32>
    %get3A_7 = arith.constant 0 : index
    %get3A_8 = arith.constant 0 : index
    %get3A_9 = vector.load %arg2[%get3A_7, %get3A_8] : memref<32768x32xf32, #tpu.memory_space<vmem>>, vector<32768x32xf32>
    %dot_general3A = arith.constant dense<0.000000e+00> : vector<1x32xf32>
    %dot_general3A_10 = tpu.matmul %select_n3A, %get3A_9, %dot_general3A {dimension_numbers = #tpu.dot_dimension_numbers<[1], [0], [0], [1], [0, 0, 1, 1], [], []>, transpose_lhs_hint = false} : vector<1x32768xf32>, vector<32768x32xf32>, vector<1x32xf32> -> vector<1x32xf32>
    %get3A_11 = arith.constant 0 : index
    %get3A_12 = arith.constant 0 : index
    %get3A_13 = vector.load %arg3[%get3A_11, %get3A_12] : memref<1x32xf32, #tpu.memory_space<vmem>>, vector<1x32xf32>
    %add3A = arith.addf %dot_general3A_10, %get3A_13 : vector<1x32xf32>
    %max3A = arith.constant 0.000000e+00 : f32
    %max3A_14 = vector.broadcast %max3A : f32 to vector<1x32xf32>
    %max3A_15 = arith.maximumf %add3A, %max3A_14 : vector<1x32xf32>
    %get3A_16 = arith.constant 0 : index
    %get3A_17 = arith.constant 0 : index
    %get3A_18 = vector.load %arg4[%get3A_16, %get3A_17] : memref<32x64xf32, #tpu.memory_space<vmem>>, vector<32x64xf32>
    %dot_general3A_19 = arith.constant dense<0.000000e+00> : vector<1x64xf32>
    %dot_general3A_20 = tpu.matmul %max3A_15, %get3A_18, %dot_general3A_19 {dimension_numbers = #tpu.dot_dimension_numbers<[1], [0], [0], [1], [0, 0, 1, 1], [], []>, transpose_lhs_hint = false} : vector<1x32xf32>, vector<32x64xf32>, vector<1x64xf32> -> vector<1x64xf32>
    %get3A_21 = arith.constant 0 : index
    %get3A_22 = arith.constant 0 : index
    %get3A_23 = vector.load %arg5[%get3A_21, %get3A_22] : memref<1x64xf32, #tpu.memory_space<vmem>>, vector<1x64xf32>
    %add3A_24 = arith.addf %dot_general3A_20, %get3A_23 : vector<1x64xf32>
    %max3A_25 = arith.constant 0.000000e+00 : f32
    %max3A_26 = vector.broadcast %max3A_25 : f32 to vector<1x64xf32>
    %max3A_27 = arith.maximumf %add3A_24, %max3A_26 : vector<1x64xf32>
    %get3A_28 = arith.constant 0 : index
    %get3A_29 = arith.constant 0 : index
    %get3A_30 = vector.load %arg6[%get3A_28, %get3A_29] : memref<64x9856xf32, #tpu.memory_space<vmem>>, vector<64x9856xf32>
    %dot_general3A_31 = arith.constant dense<0.000000e+00> : vector<1x9856xf32>
    %dot_general3A_32 = tpu.matmul %max3A_27, %get3A_30, %dot_general3A_31 {dimension_numbers = #tpu.dot_dimension_numbers<[1], [0], [0], [1], [0, 0, 1, 1], [], []>, transpose_lhs_hint = false} : vector<1x64xf32>, vector<64x9856xf32>, vector<1x9856xf32> -> vector<1x9856xf32>
    %get3A_33 = arith.constant 0 : index
    %get3A_34 = arith.constant 0 : index
    %get3A_35 = vector.load %arg7[%get3A_33, %get3A_34] : memref<1x9856xf32, #tpu.memory_space<vmem>>, vector<1x9856xf32>
    %add3A_36 = arith.addf %dot_general3A_32, %get3A_35 : vector<1x9856xf32>
    %swap3A = arith.constant 0 : index
    %swap3A_37 = arith.constant 0 : index
    %swap3A_38 = vector.load %arg8[%swap3A, %swap3A_37] : memref<1x9856xf32, #tpu.memory_space<vmem>>, vector<1x9856xf32>
    tpu.vector_store %arg8[%swap3A, %swap3A_37], %add3A_36 {strides = array<i32>} : memref<1x9856xf32, #tpu.memory_space<vmem>>, vector<1x9856xf32>,
    return
  }
}

</mosaic_0001>

<sc_bundles>
// kernel: kernel.6.cloned.1.call-start
scs
__scs_entry_jumppad:
0x0: {  	(pc) =	sbr.rel $0x88, $3  }
0x1: {  	(tag) =	ssettag $0x0;
	lr =	simm.s32 $0x1  }
0x2: {  	[smem:$0x3F96] =	sst lr;
	_ =	strace $0xD0000000  }
0x3: {  	_ = 	snop  }
0x4: {  	_ = 	snop  }
0x5: {  	_ = 	snop  }
0x6: {  	_ = 	snop  }
0x7: {  	_ = 	snop  }
__scs_overlays_trampoline_lowered:
0x8: {  	[smem:$0x3FA5] =	sst s0  }
0x9: {  	[smem:$0x3FA6] =	sst s1  }
0xa: {  	[smem:$0x3FA7] =	sst s2  }
0xb: {  	[smem:$0x3FA8] =	sst s3  }
0xc: {  	[smem:$0x3FA9] =	sst s4  }
0xd: {  	[smem:$0x3FAA] =	sst s5  }
0xe: {  	[smem:$0x3FAB] =	sst s6  }
0xf: {  	[smem:$0x3FAC] =	sst s7  }
0x10: {  	[smem:$0x3FAD] =	sst s8  }
0x11: {  	[smem:$0x3FAE] =	sst s9;
	s0 =	simm.s32 @!p0 $0x0  }
0x12: {  	s1 =	sld [smem:$0x3F94];
	s0 =	simm.s32 @p0 $0x1  }
0x13: {  	[smem:$0x3FAF] =	sst s0;
	s0 =	simm.s32 @!p1 $0x0  }
0x14: {  	s2 =	sld [smem:$0x3F93];
	s0 =	simm.s32 @p1 $0x1  }
0x15: {  	[smem:$0x3FB0] =	sst s0;
	s0 =	simm.s32 @!p2 $0x0  }
0x16: {  	s3 =	sld [smem:$0x3FDB];
	s0 =	simm.s32 @p2 $0x1  }
0x17: {  	s4 =	simm.s32 $0x1BF5;
	[smem:$0x3FB2] =	sst s0  }
0x18: {  	s0 =	sld [smem:$0x3F95];
	_ =	swait.ge [sflag:s4], $0x0  }
0x19: {  	s7 =	sld [smem:$0x3F96]  }
0x1a: {  	s8 =	sadd.s32 $0xFFFFE003, lr  }
0x1b: {  	s9 =	sadd.s32 $0xFFFFFEF7, lr;
	s5 =	simm.s32 $0xFFFFFFFF;
	p2 =	slt.u32 s8, $0xFFFFF086  }
0x1c: {  	p1 =	slt.u32 s9, $0xF7A;
	s5 =	simm.s32 @!p2 $0x0  }
0x1d: {  	s5 =	simm.s32 @p1 $0x1;
	p0 =	seq.s32 s7, s2  }
0x1e: {  	s7 =	smul.u32 @!p0 $0xF7A, s2;
	p2 =	seq.s32 @!p0 s5, $0x0  }
0x1f: {  	s9 =	smul.u32 $0xF7A, s1;
	s8 =	simm.s32 @!p0 $0x1BF5;
	p2 =	por !p2, p0  }
0x20: {  	[sflag:s8] =	ssyncset.s32 @!p0 $0xFFFFF086;
	s6 =	sadd.s32 @!p0 s3, s7;
	s7 =	simm.s32 @!p0 $0x108  }
0x21: {  	s3 =	sadd.s32 s3, s9;
	s6 =	sadd.s32 @!p0 $0x88, s6;
	s7 =	simm.s32 @p2 $0x1082  }
0x22: {  	[simem:s7], [sflag:s8] =	dma.local @!p0 [hbm:s6], $0xF7A  }
0x23: {  	s9 =	sor.u32 $0xD0000000, s2;
	s6 =	simm.s32 $0x108;
	_ =	swait.ge @!p0 [sflag:s8], $0x0  }
0x24: {  	s3 =	sadd.s32 $0x88, s3;
	s6 =	simm.s32 @!p1 $0x1082;
	[sflag:s4] =	ssyncset.s32 $0xFFFFF086  }
0x25: {  	[simem:s6], [sflag:s4] =	dma.local [hbm:s3], $0xF7A  }
0x26: {  	[smem:$0x3F96] =	sst s1;
	(tag) =	ssettag s2;
	_ =	strace s9  }
0x27: {  	s1 =	sld [smem:$0x3FA6]  }
0x28: {  	s2 =	sld [smem:$0x3FA7]  }
0x29: {  	s4 =	sld [smem:$0x3FA9]  }
0x2a: {  	p0 =	seq.s32 s5, $0x0;
	s5 =	sld [smem:$0x3FAA]  }
0x2b: {  	s6 =	sld [smem:$0x3FAB]  }
0x2c: {  	s7 =	sld [smem:$0x3FAC]  }
0x2d: {  	s3 =	simm.s32 $0x108;
	s8 =	sld [smem:$0x3FAD]  }
0x2e: {  	s3 =	simm.s32 @!p0 $0x1082;
	s9 =	sld [smem:$0x3FAE]  }
0x2f: {  	lr =	sadd.s32 s0, s3;
	s0 =	sld [smem:$0x3FA5]  }
0x30: {  	s3 =	sld [smem:$0x3FA8]  }
0x31: {  	[smem:$0x3FB1] =	sst s10  }
0x32: {  	s10 =	sld [smem:$0x3FAF];
	_ =	sdelay $0x3  }
0x33: {  	p0 =	seq.s32 s10, $0x1;
	s10 =	sld [smem:$0x3FB1];
	_ =	sdelay $0x3  }
0x34: {  	[smem:$0x3FB1] =	sst s10  }
0x35: {  	s10 =	sld [smem:$0x3FB0];
	_ =	sdelay $0x3  }
0x36: {  	p1 =	seq.s32 s10, $0x1;
	s10 =	sld [smem:$0x3FB1];
	_ =	sdelay $0x3  }
0x37: {  	[smem:$0x3FB1] =	sst s10  }
0x38: {  	s10 =	sld [smem:$0x3FB2]  }
0x39: {  	_ = 	snop;
	(pc) =	sbr.ind lr, $3  }
0x3a: {  	_ = 	snop  }
0x3b: {  	_ = 	snop  }
0x3c: {  	p2 =	seq.s32 s10, $0x1;
	s10 =	sld [smem:$0x3FB1]  }
0x3d: {  	_ =	shalt  }
0x3e: {  	_ =	shalt  }
0x3f: {  	_ =	shalt  }
0x40: {  	_ =	shalt  }
0x41: {  	_ =	shalt  }
0x42: {  	_ =	shalt  }
0x43: {  	_ =	shalt  }
0x44: {  	_ =	shalt  }
0x45: {  	_ =	shalt  }
0x46: {  	_ =	shalt  }
0x47: {  	_ =	shalt  }
0x48: {  	_ =	shalt  }
0x49: {  	_ =	shalt  }
0x4a: {  	_ =	shalt  }
0x4b: {  	_ =	shalt  }
0x4c: {  	_ =	shalt  }
0x4d: {  	_ =	shalt  }
0x4e: {  	_ =	shalt  }
0x4f: {  	_ =	shalt  }
0x50: {  	_ =	shalt  }
0x51: {  	_ =	shalt  }
0x52: {  	_ =	shalt  }
0x53: {  	_ =	shalt  }
0x54: {  	_ =	shalt  }
0x55: {  	_ =	shalt  }
0x56: {  	_ =	shalt  }
0x57: {  	_ =	shalt  }
0x58: {  	_ =	shalt  }
0x59: {  	_ =	shalt  }
0x5a: {  	_ =	shalt  }
0x5b: {  	_ =	shalt  }
0x5c: {  	_ =	shalt  }
0x5d: {  	_ =	shalt  }
0x5e: {  	_ =	shalt  }
0x5f: {  	_ =	shalt  }
0x60: {  	_ =	shalt  }
0x61: {  	_ =	shalt  }
0x62: {  	_ =	shalt  }
0x63: {  	_ =	shalt  }
0x64: {  	_ =	shalt  }
0x65: {  	_ =	shalt  }
0x66: {  	_ =	shalt  }
0x67: {  	_ =	shalt  }
0x68: {  	_ =	shalt  }
0x69: {  	_ =	shalt  }
0x6a: {  	_ =	shalt  }
0x6b: {  	_ =	shalt  }
0x6c: {  	_ =	shalt  }
0x6d: {  	_ =	shalt  }
0x6e: {  	_ =	shalt  }
0x6f: {  	_ =	shalt  }
0x70: {  	_ =	shalt  }
0x71: {  	_ =	shalt  }
0x72: {  	_ =	shalt  }
0x73: {  	_ =	shalt  }
0x74: {  	_ =	shalt  }
0x75: {  	_ =	shalt  }
0x76: {  	_ =	shalt  }
0x77: {  	_ =	shalt  }
0x78: {  	_ =	shalt  }
0x79: {  	_ =	shalt  }
0x7a: {  	_ =	shalt  }
0x7b: {  	_ =	shalt  }
0x7c: {  	_ =	shalt  }
0x7d: {  	_ =	shalt  }
0x7e: {  	_ =	shalt  }
0x7f: {  	_ =	shalt  }
0x80: {  	_ =	shalt  }
0x81: {  	_ =	shalt  }
0x82: {  	_ =	shalt  }
0x83: {  	_ =	shalt  }
0x84: {  	_ =	shalt  }
0x85: {  	_ =	shalt  }
0x86: {  	_ =	shalt  }
0x87: {  	_ =	shalt  }
.Lfunc_end0:
.L_simem_size_0:
called_computation_lowered:
.L_overlay_start_0:
0x88: {  	s0 =	sld [smem:$0x3FD9]  }
0x89: {  	s1 =	sld [smem:$0x3FFE];
	_ =	sdelay $0x3  }
0x8a: {  	s0 =	sadd.s32 s1, s0  }
0x8b: {  	[smem:$0x3FBD] =	sst s0  }
0x8c: {  	_ = 	snop  }
0x8d: {  	s0 =	sld [smem:$0x3FD0];
	(tm) =	ssettm $0x1  }
0x8e: {  	s16 =	sld [smem:$0x3FFB];
	_ =	sdelay $0x3  }
0x8f: {  	_ =	strace s16  }
0x90: {  	s1 =	sld [smem:$0x3FFC];
	_ =	sdelay $0x3  }
0x91: {  	_ =	strace s1  }
0x92: {  	s1 =	sld [smem:$0x3FFD];
	_ =	sdelay $0x3  }
0x93: {  	_ =	strace s1  }
0x94: {  	_ =	strace $0x8FFFFFFF  }
0x95: {  	s17 =	sld [smem:$0x3FDB];
	_ =	sdelay $0x1  }
0x96: {  	s2 =	simm.s32 $_scs_section_size  }
0x97: {  	s3 =	simm.s32 $_size__tile_overlayer_lowered;
	s4 =	simm.s32 $_tile_overlayer_lowered  }
0x98: {  	s20 =	simm.s32 $0x1BFF;
	s19 =	sshll.u32 s4, $0x1;
	s1 =	sadd.s32 s2, s17  }
0x99: {  	s5 =	simm.s32 $0x0;
	s18 =	sshll.u32 s3, $0x1;
	s3 =	sadd.s32 s19, s1  }
0x9a: {  	[timem:s5], [sflag:s20] =	dma.local [hbm:s3], s18  }
0x9b: {  	_ =	swait.ge [sflag:s20], s18  }
0x9c: {  	s2 =	ssub.s32 $0x0, s18;
	[sflag:s20] =	ssyncset.done $0x0  }
0x9d: {  	[sflag:s20] =	ssyncadd.s32 s2;
	_ =	sdelay $0x1  }
0x9e: {  	s21 =	simm.s32 $0x1B8B  }
0x9f: {  	_ =	swait.ge [sflag:s21], $0x1  }
0xa0: {  	[sflag:s21] =	ssyncset.done $0x0  }
0xa1: {  	s23 =	simm.s32 $0x1B8E;
	s22 =	sld [smem:$0x3FFE];
	[sflag:s21] =	ssyncadd.s32 $0xFFFFFFFF  }
0xa2: {  	s24 =	simm.s32 $execute0_lowered;
	[smem:$0x3FD2] =	sst s23  }
0xa3: {  	s3 =	sshll.u32 s24, $0x1;
	_ =	strace $0x80000046;
	[dreg:$0x1] =	wrdreg $0xFFFFFFFF  }
0xa4: {  	s25 =	simm.s32 $_size_execute0_lowered;
	s1 =	sadd.s32 s1, s3;
	[dreg:$0x0] =	wrdreg $0x0  }
0xa5: {  	s3 =	sshll.u32 s25, $0x1;
	[dreg:$0x2] =	wrdreg s1  }
0xa6: {  	[dreg:$0x3] =	wrdreg s3  }
0xa7: {  	[dreg:$0x4] =	wrdreg $0xC0  }
0xa8: {  	_ =	task [dreg:s5], $0x5FFFF  }
0xa9: {  	[dreg:$0x1] =	wrdreg $0xFFFFFFFF  }
0xaa: {  	[dreg:$0x0] =	wrdreg $0x60  }
0xab: {  	[dreg:$0x2] =	wrdreg s0  }
0xac: {  	[dreg:$0x3] =	wrdreg s22  }
0xad: {  	[dreg:$0x4] =	wrdreg $0x3A000  }
0xae: {  	[dreg:$0x5] =	wrdreg $0x3B000  }
0xaf: {  	[dreg:$0x6] =	wrdreg $0x43000  }
0xb0: {  	[dreg:$0x7] =	wrdreg $0x9  }
0xb1: {  	_ =	task.clear_ibuf [dreg:s5], $0x8FFFF;
	_ =	strace $0x90000046  }
0xb2: {  	s26 =	simm.s32 $0x9;
	_ =	strace $0x80000048  }
0xb3: {  	_ =	swait.ge [sflag:s26], $0x1  }
0xb4: {  	[sflag:s26] =	ssyncadd.s32 $0xFFFFFFFF  }
0xb5: {  	_ =	strace $0x90000048  }
0xb6: {  	_ =	sfence  }
0xb7: {  	s28 =	sld [smem:$0x0];
	_ =	sdelay $0x1  }
0xb8: {  	s29 =	srdreg.scid  }
0xb9: {  	s30 =	sshll.u32 s29, $0xD;
	s31 =	sshrl.u32 s29, $0x2  }
0xba: {  	s2 =	sand.u32 $0x4000, s30;
	s1 =	sand.u32 $0x1, s29;
	s0 =	sadd.s32 s31, s28  }
0xbb: {  	s1 =	sor.u32 s2, s1;
	s0 =	sshll.u32 s0, $0x11  }
0xbc: {  	s0 =	sor.u32 s0, s1  }
0xbd: {  	s0 =	sadd.s32 $0x8F2B, s0  }
0xbe: {  	[sflag:s0] =	ssyncadd.remote.s32 $0x1  }
0xbf: {  	_ =	sfence.sel $0xFFFF  }
0xc0: {  	[dreg:$0x0] =	wrdreg $0xFFFFFFFF;
	(pc) =	sbr.abs _section_cstart, $3  }
0xc1: {  	[dreg:$0x1] =	wrdreg $0xFFFFFFFF  }
0xc2: {  	_ =	task.clear_ibuf [dreg:s5], $0x2FFFF;
	_ =	strace $0x9FFFFFFF  }
0xc3: {  	(tm) =	ssettm $0x7FFFFFFF  }
tec
execute0_lowered:
.L_overlay_start_1:
0x0: {  	(tag) =	ssettag $0x1  }
0x1: {  	s1 =	rddreg [dreg:$0x0]  }
0x2: {  	s6 =	rddreg [dreg:$0x1]  }
0x3: {  	s2 =	rddreg [dreg:$0x2]  }
0x4: {  	s4 =	rddreg [dreg:$0x3]  }
0x5: {  	s3 =	rddreg [dreg:$0x4]  }
0x6: {  	s0 =	rddreg [dreg:$0x5];
	s7 =	simm.s32 $0x0;
	s8 =	stileid.u32  }
0x7: {  	[smem:$0x7FF] =	sst s7;
	s5 =	sshll.u32 s8, $0x8  }
0x8: {  	s9 =	simm.s32 $0x1;
	_ =	strace $0x80000047;
	s1 =	sadd.s32 s1, s5  }
0x9: {  	[tilespmem:s7], [sflag:$0x1] =	stream.linear.gather [hbm4b:s1+s7], $0x800, $0x38;
	[tilespmem:$0x4B00] =	vst v63  }
0xa: {  	s10 =	simm.s32 $0x0;
	_ =	swait.ge [sflag:s9], $0x800  }
0xb: {  	v0 =	vlaneseq.u32;
	s1 =	sadd.s32 $0x1A00, s6;
	s7 =	sshll.u32 s8, $0xB;
	[sflag:s9] =	ssyncset.done $0x0  }
0xc: {  	s6 =	simm.s32 $0x40;
	v1 =	vor.u32 s7, v0;
	[sflag:s9] =	ssyncadd.s32 $0xFFFFF800;
	s9 =	smov.u32 s7  }
.LBB2_1:
0xd: {  	p0 =	sne.s32 s6, $0x1FC0  }
0xe: {  	[tilespmem:s10+$0x800] =	vst v1;
	s9 =	sadd.s32 $0x10, s9;
	s10 =	smov.u32 s6;
	s6 =	sadd.s32 $0x40, s6  }
.Ltmp0:
0xf: {  	(pc) =	sbr.rel @p0 .LBB2_1-.Ltmp0, $2  }
0x10: {  	_ =	sdelay $0x2  }
0x11: {  	v1 =	vor.u32 s9, v0;
	s10 =	sshra.s32 s10, $0x2  }
0x12: {  	[tilespmem:s10+$0x800] =	vst v1;
	v0 =	vimm.s32 $0x0  }
0x13: {  	[tilespmem:$0x2800] =	vst v0  }
0x14: {  	[tilespmem:$0x2810] =	vst v0  }
0x15: {  	[tilespmem:$0x2820] =	vst v0  }
0x16: {  	[tilespmem:$0x2830] =	vst v0  }
0x17: {  	[tilespmem:$0x2840] =	vst v0  }
0x18: {  	[tilespmem:$0x2850] =	vst v0  }
0x19: {  	[tilespmem:$0x2860] =	vst v0  }
0x1a: {  	[tilespmem:$0x2870] =	vst v0  }
0x1b: {  	[tilespmem:$0x2880] =	vst v0  }
0x1c: {  	[tilespmem:$0x2890] =	vst v0  }
0x1d: {  	[tilespmem:$0x28A0] =	vst v0  }
0x1e: {  	[tilespmem:$0x28B0] =	vst v0  }
0x1f: {  	[tilespmem:$0x28C0] =	vst v0  }
0x20: {  	[tilespmem:$0x28D0] =	vst v0  }
0x21: {  	[tilespmem:$0x28E0] =	vst v0  }
0x22: {  	s11 =	simm.s32 $0x0;
	[tilespmem:$0x28F0] =	vst v0  }
0x23: {  	v0 =	vld [tilespmem:s11+$0x0];
	_ =	sdelay $0x4  }
0x24: {  	v0 =	vand.u32 $0xFF, v0  }
0x25: {  	(xrf1) =	vunique.msk.u32 $0xffff, v0;
	_ =	sdelay $0x8  }
0x26: {  	s6 =	simm.s32 $0x2800;
	[tilespmem:s11+$0x1000] =	vst v0  }
0x27: {  	v2 =	vld.idx.msk [tilespmem:v0+s6+$0x0], $0xffff;
	_ =	sdelay $0x3  }
0x28: {  	_, v1, vm0 =	vpop (xrf1)  }
0x29: {  	v2 =	vadd.s32 v1, v2  }
0x2a: {  	v2 =	vadd.s32 $0xFFFFFFFF, v2  }
0x2b: {  	s9 =	simm.s32 $0x40;
	s10 =	simm.s32 $0x80;
	[tilespmem:s11+$0x1800] =	vst v2  }
.LBB2_3:
0x2c: {  	_ = 	snop  }
0x2d: {  	p0 =	sne.s32 s10, $0x1FC0  }
0x2e: {  	s11 =	sshra.s32 s9, $0x2;
	[tilespmem:v0+s6+$0x0] =	vst.idx.add.s32.msk vm0, v1;
	s9 =	smov.u32 s10;
	s10 =	sadd.s32 $0x40, s10  }
0x2f: {  	v0 =	vld [tilespmem:s11+$0x0];
	_ =	sdelay $0x4  }
0x30: {  	v0 =	vand.u32 $0xFF, v0  }
0x31: {  	(xrf1) =	vunique.msk.u32 $0xffff, v0;
	_ =	sdelay $0x7  }
0x32: {  	[tilespmem:s11+$0x1000] =	vst v0  }
0x33: {  	v2 =	vld.idx.msk [tilespmem:v0+s6+$0x0], $0xffff;
	_ =	sdelay $0x3  }
.Ltmp1:
0x34: {  	(pc) =	sbr.rel @p0 .LBB2_3-.Ltmp1, $4  }
0x35: {  	_, v1, vm0 =	vpop (xrf1)  }
0x36: {  	v2 =	vadd.s32 v1, v2  }
0x37: {  	v2 =	vadd.s32 $0xFFFFFFFF, v2  }
0x38: {  	[tilespmem:s11+$0x1800] =	vst v2  }
0x39: {  	_ =	sdelay $0x4  }
0x3a: {  	s9 =	sshra.s32 s9, $0x2;
	[tilespmem:v0+s6+$0x0] =	vst.idx.add.s32.msk vm0, v1  }
0x3b: {  	v0 =	vld [tilespmem:s9+$0x0];
	_ =	sdelay $0x4  }
0x3c: {  	v0 =	vand.u32 $0xFF, v0  }
0x3d: {  	(xrf1) =	vunique.msk.u32 $0xffff, v0;
	_ =	sdelay $0xa  }
0x3e: {  	[tilespmem:s9+$0x1000] =	vst v0  }
0x3f: {  	v1 =	vld.idx.msk [tilespmem:v0+s6+$0x0], $0xffff;
	_ =	sdelay $0x1  }
0x40: {  	_, v2, vm15 =	vpop (xrf1);
	_ =	sdelay $0x2  }
0x41: {  	v1 =	vadd.s32 v2, v1  }
0x42: {  	s5 =	sand.u32 $0x800, s5;
	s10 =	sshll.u32 s8, $0x7;
	s23 =	simm.s32 $0x1;
	v1 =	vadd.s32 $0xFFFFFFFF, v1  }
0x43: {  	s24 =	simm.s32 $0x80;
	s10 =	sand.u32 $0x380, s10;
	s5 =	sadd.s32 s5, s2;
	[tilespmem:s9+$0x1800] =	vst v1  }
0x44: {  	s25 =	simm.s32 $0x400;
	s11 =	simm.s32 $0x2800;
	s5 =	sadd.s32 s10, s5;
	[tilespmem:v0+s6+$0x0] =	vst.idx.add.s32.msk vm15, v2  }
0x45: {  	[spmem:s5] =	stream.strided.scatter [tilespmem:s11], [sflag:$0x1], $0x100, s25, s24, $0x38;
	[tilespmem:$0x4B00] =	vst v63  }
0x46: {  	_ =	swait.ge [sflag:s23], $0x100  }
0x47: {  	[sflag:s23] =	ssyncset.done $0x0  }
0x48: {  	[sflag:s23] =	ssyncadd.s32 $0xFFFFFF00  }
0x49: {  	s26 =	simm.s32 $0x2A00;
	[bflag:$0x0] =	sbarrier.arrive $0xFFFF  }
0x4a: {  	[tilespmem:s26], [sflag:$0x1] =	stream.linear.gather [spmem:s2], $0x1000, $0x38;
	[tilespmem:$0x4B00] =	vst v63  }
0x4b: {  	s6 =	simm.s32 $0x0;
	_ =	swait.ge [sflag:s23], $0x1000  }
0x4c: {  	s28 =	sand.u32 $0x70, s6;
	s12 =	sand.u32 $0x400, s6;
	[sflag:s23] =	ssyncset.done $0x0  }
0x4d: {  	s29 =	sor.u32 s28, s12;
	[sflag:s23] =	ssyncadd.s32 $0xFFFFF000  }
0x4e: {  	v12 =	vld [tilespmem:s29+$0x2A80]  }
0x4f: {  	p0 =	sne.s32 s8, $0x0;
	p1 =	sgt.u32 s8, $0x1;
	v11 =	vld [tilespmem:s29+$0x2A00]  }
0x50: {  	s13 =	simm.s32 $0x1;
	s14 =	simm.s32 $0x1;
	s15 =	simm.s32 $0x1;
	v13 =	vld [tilespmem:s29+$0x2B00]  }
0x51: {  	s13 =	simm.s32 @!p1 $0x0;
	p1 =	sgt.u32 s8, $0x2;
	s11 =	simm.s32 $0x1;
	v14 =	vld [tilespmem:s29+$0x2B80]  }
0x52: {  	s11 =	simm.s32 @!p1 $0x0;
	p1 =	sgt.u32 s8, $0x3;
	s12 =	simm.s32 $0x1;
	v15 =	vld [tilespmem:s29+$0x2C00]  }
0x53: {  	s16 =	simm.s32 $0x1;
	s12 =	simm.s32 @!p1 $0x0;
	p1 =	sgt.u32 s8, $0x4;
	v16 =	vld [tilespmem:s29+$0x2C80]  }
0x54: {  	s10 =	simm.s32 $0x1;
	s14 =	simm.s32 @!p1 $0x0;
	p1 =	sgt.u32 s8, $0x5;
	v17 =	vld [tilespmem:s29+$0x2D00];
	v4 =	vadd.s32 v11, v12  }
0x55: {  	s10 =	simm.s32 @!p0 $0x0;
	s15 =	simm.s32 @!p1 $0x0;
	p1 =	sgt.u32 s8, $0x6;
	v18 =	vld [tilespmem:s29+$0x2D80];
	v8 =	vadd.s32 v13, v4  }
0x56: {  	v5 =	vmov s10;
	s10 =	simm.s32 $0x1;
	v0 =	vmov s13;
	s16 =	simm.s32 @!p1 $0x0;
	p1 =	sgt.u32 s8, $0x7;
	v19 =	vld [tilespmem:s29+$0x3200];
	v10 =	vadd.s32 v14, v8  }
0x57: {  	v3 =	vmov s11;
	s11 =	simm.s32 $0x1;
	v1 =	vmov s12;
	s10 =	simm.s32 @!p1 $0x0;
	p1 =	sgt.u32 s8, $0x8;
	v21 =	vld [tilespmem:s29+$0x3280];
	v20 =	vadd.s32 v15, v10  }
0x58: {  	v6 =	vmov s14;
	v2 =	vmov s15;
	s11 =	simm.s32 @!p1 $0x0;
	v23 =	vld [tilespmem:s29+$0x3300];
	v20 =	vadd.s32 v16, v20  }
0x59: {  	v7 =	vmov s16;
	v9 =	vmov s11;
	v24 =	vld [tilespmem:s29+$0x3380];
	v20 =	vadd.s32 v17, v20  }
0x5a: {  	v25 =	vld [tilespmem:s29+$0x3400];
	v22 =	vmul.u32 v5, v11;
	v12 =	vmul.u32 v0, v12;
	v20 =	vadd.s32 v18, v20  }
0x5b: {  	v26 =	vld [tilespmem:s29+$0x3480];
	v4 =	vmov s10;
	v13 =	vmul.u32 v3, v13;
	v20 =	vadd.s32 v19, v20  }
0x5c: {  	v56 =	vld [tilespmem:s29+$0x3500];
	v22 =	vadd.s32 s6, v22;
	v14 =	vmul.u32 v1, v14;
	v20 =	vadd.s32 v21, v20  }
0x5d: {  	s12 =	simm.s32 $0x1;
	p1 =	sgt.u32 s8, $0x9;
	v58 =	vld [tilespmem:s29+$0x3580];
	v12 =	vadd.s32 v12, v22;
	v15 =	vmul.u32 v6, v15;
	v57 =	vadd.s32 v23, v20  }
0x5e: {  	s12 =	simm.s32 @!p1 $0x0;
	v12 =	vadd.s32 v13, v12;
	v13 =	vmul.u32 v2, v16;
	v16 =	vadd.s32 v24, v57  }
0x5f: {  	v8 =	vmov s12;
	v12 =	vadd.s32 v14, v12;
	v16 =	vadd.s32 v25, v16  }
0x60: {  	v14 =	vmul.u32 v7, v17;
	v12 =	vadd.s32 v15, v12;
	v16 =	vadd.s32 v26, v16  }
0x61: {  	p1 =	sgt.u32 s8, $0xA;
	s10 =	simm.s32 $0x1;
	v15 =	vmul.u32 v4, v18;
	v12 =	vadd.s32 v13, v12;
	v16 =	vadd.s32 v56, v16  }
0x62: {  	s11 =	simm.s32 $0x1;
	s10 =	simm.s32 @!p1 $0x0;
	p1 =	sgt.u32 s8, $0xB;
	v13 =	vmul.u32 v9, v19;
	v12 =	vadd.s32 v14, v12;
	v16 =	vadd.s32 v58, v16  }
0x63: {  	s9 =	simm.s32 $0x1;
	v10 =	vmov s10;
	s11 =	simm.s32 @!p1 $0x0;
	p1 =	sgt.u32 s8, $0xC;
	v14 =	vmul.u32 v8, v21;
	v12 =	vadd.s32 v15, v12;
	(xrf0) =	vadd.scan.msk.s32 $0xffff, v16  }
0x64: {  	s10 =	simm.s32 $0x1;
	v11 =	vmov s11;
	s9 =	simm.s32 @!p1 $0x0;
	p1 =	sgt.u32 s8, $0xD;
	v15 =	vmul.u32 v10, v23;
	v13 =	vadd.s32 v13, v12  }
0x65: {  	s10 =	simm.s32 @!p1 $0x0;
	p1 =	seq.s32 s8, $0xF;
	s8 =	simm.s32 $0x1;
	v59 =	vmul.u32 v11, v24;
	v12 =	vmov s9;
	v14 =	vadd.s32 v14, v13  }
0x66: {  	s8 =	simm.s32 @!p1 $0x0;
	v13 =	vmov s10;
	v60 =	vmul.u32 v12, v25;
	v15 =	vadd.s32 v15, v14  }
0x67: {  	v14 =	vmov s8;
	v61 =	vmul.u32 v13, v26;
	v15 =	vadd.s32 v59, v15  }
0x68: {  	v62 =	vmul.u32 v14, v56;
	v15 =	vadd.s32 v60, v15  }
0x69: {  	v15 =	vadd.s32 v61, v15;
	v63, _, _ =	vpop (xrf0)  }
0x6a: {  	v15 =	vadd.s32 v62, v15;
	(v2sf) =	vpush v63, $0xF  }
0x6b: {  	s30 =	simm.s32 $0x10;
	s9 =	simm.s32 $0x80;
	v15 =	vsub.s32 v15, v16  }
0x6c: {  	s10 =	sand.u32 $0x70, s30;
	s31 =	sand.u32 $0x400, s9;
	s8 =	simm.s32 $0x2900;
	v15 =	vadd.s32 v63, v15  }
0x6d: {  	s11 =	sor.u32 s10, s31;
	s10 =	simm.s32 $0x20;
	[tilespmem:s8+$0x0] =	vst v15  }
.LBB2_5:
0x6e: {  	p1 =	sne.s32 s10, $0xF0;
	v15 =	vld [tilespmem:s11+$0x2A80]  }
0x6f: {  	v16 =	vld [tilespmem:s11+$0x2A00]  }
0x70: {  	v17 =	vld [tilespmem:s11+$0x2B00]  }
0x71: {  	v18 =	vld [tilespmem:s11+$0x2B80]  }
0x72: {  	v19 =	vld [tilespmem:s11+$0x2C00]  }
0x73: {  	v20 =	vmul.u32 v0, v15;
	v21 =	vld [tilespmem:s11+$0x2C80]  }
0x74: {  	v22 =	vmul.u32 v5, v16;
	v15 =	vadd.s32 v16, v15;
	v16 =	vld [tilespmem:s11+$0x2D00]  }
0x75: {  	v15 =	vadd.s32 v17, v15;
	v17 =	vmul.u32 v3, v17;
	v23 =	vld [tilespmem:s11+$0x2D80]  }
0x76: {  	v15 =	vadd.s32 v18, v15;
	v18 =	vmul.u32 v1, v18;
	v24 =	vld [tilespmem:s11+$0x3200]  }
0x77: {  	v15 =	vadd.s32 v19, v15;
	v19 =	vmul.u32 v6, v19;
	v25 =	vld [tilespmem:s11+$0x3280]  }
0x78: {  	v15 =	vadd.s32 v21, v15;
	v21 =	vmul.u32 v2, v21;
	v26 =	vld [tilespmem:s11+$0x3300]  }
0x79: {  	v15 =	vadd.s32 v16, v15;
	v16 =	vmul.u32 v7, v16;
	v27 =	vld [tilespmem:s11+$0x3380];
	s12 =	spop (v2sf)  }
0x7a: {  	v15 =	vadd.s32 v23, v15;
	v23 =	vmul.u32 v4, v23;
	v28 =	vld [tilespmem:s11+$0x3400];
	s6 =	sadd.s32 s6, s12  }
0x7b: {  	v15 =	vadd.s32 v24, v15;
	v24 =	vmul.u32 v9, v24;
	v29 =	vld [tilespmem:s11+$0x3480];
	v22 =	vadd.s32 s6, v22  }
0x7c: {  	v15 =	vadd.s32 v25, v15;
	v25 =	vmul.u32 v8, v25;
	v30 =	vld [tilespmem:s11+$0x3500];
	v20 =	vadd.s32 v20, v22  }
0x7d: {  	v15 =	vadd.s32 v26, v15;
	v22 =	vmul.u32 v10, v26;
	v26 =	vld [tilespmem:s11+$0x3580];
	v17 =	vadd.s32 v17, v20  }
0x7e: {  	v15 =	vadd.s32 v27, v15;
	v20 =	vmul.u32 v11, v27;
	v17 =	vadd.s32 v18, v17  }
0x7f: {  	v15 =	vadd.s32 v28, v15;
	v18 =	vmul.u32 v12, v28;
	v17 =	vadd.s32 v19, v17  }
0x80: {  	v15 =	vadd.s32 v29, v15;
	v19 =	vmul.u32 v13, v29;
	v17 =	vadd.s32 v21, v17  }
0x81: {  	v15 =	vadd.s32 v30, v15;
	v21 =	vmul.u32 v14, v30;
	v16 =	vadd.s32 v16, v17  }
0x82: {  	v15 =	vadd.s32 v26, v15;
	v16 =	vadd.s32 v23, v16  }
0x83: {  	v16 =	vadd.s32 v24, v16;
	(xrf0) =	vadd.scan.msk.s32 $0xffff, v15  }
0x84: {  	v16 =	vadd.s32 v25, v16  }
0x85: {  	v16 =	vadd.s32 v22, v16  }
0x86: {  	v16 =	vadd.s32 v20, v16  }
0x87: {  	v16 =	vadd.s32 v18, v16  }
0x88: {  	v16 =	vadd.s32 v19, v16  }
.Ltmp2:
0x89: {  	v16 =	vadd.s32 v21, v16;
	v17, _, _ =	vpop (xrf0);
	(pc) =	sbr.rel @p1 .LBB2_5-.Ltmp2, $4  }
0x8a: {  	v15 =	vsub.s32 v16, v15;
	(v2sf) =	vpush v17, $0xF  }
0x8b: {  	s9 =	sadd.s32 $0x80, s9;
	s8 =	sadd.s32 $0x10, s8;
	v15 =	vadd.s32 v17, v15  }
0x8c: {  	s12 =	sand.u32 $0x400, s9;
	s11 =	sand.u32 $0x70, s10;
	[tilespmem:s8+$0x0] =	vst v15  }
0x8d: {  	s10 =	sadd.s32 $0x10, s10;
	s11 =	sor.u32 s11, s12  }
0x8e: {  	v15 =	vld [tilespmem:s11+$0x2A80]  }
0x8f: {  	v16 =	vld [tilespmem:s11+$0x2A00]  }
0x90: {  	v17 =	vld [tilespmem:s11+$0x2B00]  }
0x91: {  	v18 =	vld [tilespmem:s11+$0x2B80]  }
0x92: {  	v19 =	vld [tilespmem:s11+$0x2C00]  }
0x93: {  	v20 =	vld [tilespmem:s11+$0x2C80]  }
0x94: {  	v22 =	vld [tilespmem:s11+$0x2D00];
	v21 =	vadd.s32 v16, v15  }
0x95: {  	v23 =	vld [tilespmem:s11+$0x2D80];
	v21 =	vadd.s32 v17, v21  }
0x96: {  	v24 =	vld [tilespmem:s11+$0x3200];
	v21 =	vadd.s32 v18, v21  }
0x97: {  	v25 =	vld [tilespmem:s11+$0x3280];
	v21 =	vadd.s32 v19, v21  }
0x98: {  	v26 =	vld [tilespmem:s11+$0x3300];
	v21 =	vadd.s32 v20, v21  }
0x99: {  	v27 =	vld [tilespmem:s11+$0x3380];
	v21 =	vadd.s32 v22, v21  }
0x9a: {  	v28 =	vld [tilespmem:s11+$0x3400];
	v21 =	vadd.s32 v23, v21  }
0x9b: {  	v29 =	vld [tilespmem:s11+$0x3480];
	v21 =	vadd.s32 v24, v21  }
0x9c: {  	v30 =	vld [tilespmem:s11+$0x3500];
	v16 =	vmul.u32 v5, v16;
	s9 =	spop (v2sf);
	v21 =	vadd.s32 v25, v21  }
0x9d: {  	v31 =	vld [tilespmem:s11+$0x3580];
	v15 =	vmul.u32 v0, v15;
	s6 =	sadd.s32 s6, s9;
	v21 =	vadd.s32 v26, v21  }
0x9e: {  	v17 =	vmul.u32 v3, v17;
	v16 =	vadd.s32 s6, v16;
	v21 =	vadd.s32 v27, v21  }
0x9f: {  	v15 =	vadd.s32 v15, v16;
	v16 =	vmul.u32 v1, v18;
	v21 =	vadd.s32 v28, v21  }
0xa0: {  	v19 =	vmul.u32 v6, v19;
	v15 =	vadd.s32 v17, v15;
	v18 =	vadd.s32 v29, v21  }
0xa1: {  	v15 =	vadd.s32 v16, v15;
	v17 =	vadd.s32 v30, v18;
	v18 =	vmul.u32 v2, v20  }
0xa2: {  	v15 =	vadd.s32 v19, v15;
	v16 =	vadd.s32 v31, v17;
	v17 =	vmul.u32 v7, v22  }
0xa3: {  	v19 =	vmul.u32 v4, v23;
	(xrf0) =	vadd.scan.msk.s32 $0xffff, v16;
	v15 =	vadd.s32 v18, v15  }
0xa4: {  	v15 =	vadd.s32 v17, v15  }
0xa5: {  	v18 =	vmul.u32 v9, v24;
	v15 =	vadd.s32 v19, v15;
	v19 =	vmul.u32 v10, v26  }
0xa6: {  	v17 =	vmul.u32 v8, v25  }
0xa7: {  	v15 =	vadd.s32 v18, v15  }
0xa8: {  	v18 =	vmul.u32 v11, v27;
	v15 =	vadd.s32 v17, v15  }
0xa9: {  	v17 =	vmul.u32 v12, v28;
	v15 =	vadd.s32 v19, v15;
	v19, _, _ =	vpop (xrf0)  }
0xaa: {  	v63 =	vmul.u32 v13, v29;
	v15 =	vadd.s32 v18, v15;
	(v2sf) =	vpush v19, $0xF  }
0xab: {  	v18 =	vmul.u32 v14, v30;
	v15 =	vadd.s32 v17, v15  }
0xac: {  	v15 =	vadd.s32 v63, v15  }
0xad: {  	v15 =	vadd.s32 v18, v15  }
0xae: {  	v15 =	vsub.s32 v15, v16  }
0xaf: {  	s30 =	sadd.s32 $0x10, s8;
	v15 =	vadd.s32 v19, v15  }
0xb0: {  	s8 =	simm.s32 $0x0;
	[tilespmem:s30+$0x0] =	vst v15  }
0xb1: {  	v16 =	vld [tilespmem:s8+$0x1000];
	_ =	sdelay $0x6  }
0xb2: {  	s6 =	simm.s32 $0x2900;
	v15 =	vld [tilespmem:s8+$0x1800]  }
0xb3: {  	s10 =	simm.s32 $0x80;
	s9 =	simm.s32 $0x10;
	v16 =	vld.idx.msk [tilespmem:v16+s6+$0x0], $0xffff;
	s31 =	spop (v2sf)  }
.LBB2_7:
0xb4: {  	p1 =	sne.s32 s10, $0x1FC0;
	v17 =	vld [tilespmem:s9+$0x1000];
	_ =	sdelay $0x3  }
.Ltmp3:
0xb5: {  	(pc) =	sbr.rel @p1 .LBB2_7-.Ltmp3, $4  }
0xb6: {  	v15 =	vadd.s32 v16, v15  }
0xb7: {  	[tilespmem:s8+$0x2000] =	vst v15;
	s8 =	smov.u32 s9  }
0xb8: {  	v15 =	vld [tilespmem:s8+$0x1800]  }
0xb9: {  	s9 =	sshra.s32 s10, $0x2;
	s10 =	sadd.s32 $0x40, s10;
	v16 =	vld.idx.msk [tilespmem:v17+s6+$0x0], $0xffff  }
0xba: {  	v17 =	vld [tilespmem:s9+$0x1000];
	_ =	sdelay $0x4  }
0xbb: {  	v15 =	vadd.s32 v16, v15  }
0xbc: {  	[tilespmem:s8+$0x2000] =	vst v15  }
0xbd: {  	v15 =	vld [tilespmem:s9+$0x1800]  }
0xbe: {  	v16 =	vld.idx.msk [tilespmem:v17+s6+$0x0], $0xffff;
	_ =	sdelay $0x4  }
0xbf: {  	s29 =	simm.s32 $0x800;
	v15 =	vadd.s32 v16, v15  }
0xc0: {  	s30 =	simm.s32 $0x2000;
	s31 =	simm.s32 $0x0;
	s10 =	simm.s32 $0x1;
	[tilespmem:s9+$0x2000] =	vst v15  }
0xc1: {  	[spmem:s4] =	stream.indirect.scatter [tilespmem:s31], [sflag:$0x1], $0x1, s30, s29, $0xb8;
	[tilespmem:$0x4B00] =	vst v63  }
0xc2: {  	_ =	swait.ge [sflag:s10], $0x800  }
0xc3: {  	[sflag:s10] =	ssyncset.done $0x0  }
0xc4: {  	[sflag:s10] =	ssyncadd.s32 $0xFFFFF800  }
0xc5: {  	[spmem:s3] =	stream.indirect.scatter [tilespmem:s29], [sflag:$0x1], $0x1, s30, s29, $0xb8;
	[tilespmem:$0x4B00] =	vst v63  }
0xc6: {  	_ =	swait.ge [sflag:s10], $0x800  }
0xc7: {  	[sflag:s10] =	ssyncset.done $0x0  }
0xc8: {  	[sflag:s10] =	ssyncadd.s32 $0xFFFFF800  }
0xc9: {  	s6 =	sadd.s32 s7, s4;
	[bflag:$0x0] =	sbarrier.arrive $0xFFFF  }
0xca: {  	[tilespmem:s31], [sflag:$0x1] =	stream.linear.gather [spmem:s6], $0x800, $0x38;
	[tilespmem:$0x4B00] =	vst v63  }
0xcb: {  	_ =	swait.ge [sflag:s10], $0x800  }
0xcc: {  	[sflag:s10] =	ssyncset.done $0x0  }
0xcd: {  	s7 =	sadd.s32 s7, s3;
	[sflag:s10] =	ssyncadd.s32 $0xFFFFF800  }
0xce: {  	[tilespmem:s29], [sflag:$0x1] =	stream.linear.gather [spmem:s7], $0x800, $0x38;
	[tilespmem:$0x4B00] =	vst v63  }
0xcf: {  	_ =	swait.ge [sflag:s10], $0x800  }
0xd0: {  	[sflag:s10] =	ssyncset.done $0x0  }
0xd1: {  	v15 =	vimm.s32 $0x0;
	[sflag:s10] =	ssyncadd.s32 $0xFFFFF800  }
0xd2: {  	[tilespmem:$0x2800] =	vst v15  }
0xd3: {  	[tilespmem:$0x2810] =	vst v15  }
0xd4: {  	[tilespmem:$0x2820] =	vst v15  }
0xd5: {  	[tilespmem:$0x2830] =	vst v15  }
0xd6: {  	[tilespmem:$0x2840] =	vst v15  }
0xd7: {  	[tilespmem:$0x2850] =	vst v15  }
0xd8: {  	[tilespmem:$0x2860] =	vst v15  }
0xd9: {  	[tilespmem:$0x2870] =	vst v15  }
0xda: {  	[tilespmem:$0x2880] =	vst v15  }
0xdb: {  	[tilespmem:$0x2890] =	vst v15  }
0xdc: {  	[tilespmem:$0x28A0] =	vst v15  }
0xdd: {  	[tilespmem:$0x28B0] =	vst v15  }
0xde: {  	[tilespmem:$0x28C0] =	vst v15  }
0xdf: {  	[tilespmem:$0x28D0] =	vst v15  }
0xe0: {  	[tilespmem:$0x28E0] =	vst v15  }
0xe1: {  	s11 =	simm.s32 $0x0;
	[tilespmem:$0x28F0] =	vst v15  }
0xe2: {  	v15 =	vld [tilespmem:s11+$0x0];
	_ =	sdelay $0x4  }
0xe3: {  	v15 =	vshrl.u32 v15, $0x8  }
0xe4: {  	v15 =	vand.u32 $0xFF, v15  }
0xe5: {  	(xrf1) =	vunique.msk.u32 $0xffff, v15;
	_ =	sdelay $0x8  }
0xe6: {  	s8 =	simm.s32 $0x2800;
	[tilespmem:s11+$0x1000] =	vst v15  }
0xe7: {  	v17 =	vld.idx.msk [tilespmem:v15+s8+$0x0], $0xffff;
	_ =	sdelay $0x3  }
0xe8: {  	_, v16, vm0 =	vpop (xrf1)  }
0xe9: {  	v17 =	vadd.s32 v16, v17  }
0xea: {  	v17 =	vadd.s32 $0xFFFFFFFF, v17  }
0xeb: {  	s9 =	simm.s32 $0x40;
	s10 =	simm.s32 $0x80;
	[tilespmem:s11+$0x1800] =	vst v17  }
.LBB2_9:
0xec: {  	_ = 	snop  }
0xed: {  	p1 =	sne.s32 s10, $0x1FC0  }
0xee: {  	s11 =	sshra.s32 s9, $0x2;
	[tilespmem:v15+s8+$0x0] =	vst.idx.add.s32.msk vm0, v16;
	s9 =	smov.u32 s10;
	s10 =	sadd.s32 $0x40, s10  }
0xef: {  	v15 =	vld [tilespmem:s11+$0x0];
	_ =	sdelay $0x4  }
0xf0: {  	v15 =	vshrl.u32 v15, $0x8  }
0xf1: {  	v15 =	vand.u32 $0xFF, v15  }
0xf2: {  	(xrf1) =	vunique.msk.u32 $0xffff, v15;
	_ =	sdelay $0x7  }
0xf3: {  	[tilespmem:s11+$0x1000] =	vst v15  }
0xf4: {  	v17 =	vld.idx.msk [tilespmem:v15+s8+$0x0], $0xffff;
	_ =	sdelay $0x3  }
.Ltmp4:
0xf5: {  	(pc) =	sbr.rel @p1 .LBB2_9-.Ltmp4, $4  }
0xf6: {  	_, v16, vm0 =	vpop (xrf1)  }
0xf7: {  	v17 =	vadd.s32 v16, v17  }
0xf8: {  	v17 =	vadd.s32 $0xFFFFFFFF, v17  }
0xf9: {  	[tilespmem:s11+$0x1800] =	vst v17  }
0xfa: {  	_ =	sdelay $0x4  }
0xfb: {  	s9 =	sshra.s32 s9, $0x2;
	[tilespmem:v15+s8+$0x0] =	vst.idx.add.s32.msk vm0, v16  }
0xfc: {  	v15 =	vld [tilespmem:s9+$0x0];
	_ =	sdelay $0x4  }
0xfd: {  	v15 =	vshrl.u32 v15, $0x8  }
0xfe: {  	v15 =	vand.u32 $0xFF, v15  }
0xff: {  	(xrf1) =	vunique.msk.u32 $0xffff, v15;
	_ =	sdelay $0xa  }
0x100: {  	[tilespmem:s9+$0x1000] =	vst v15  }
0x101: {  	v16 =	vld.idx.msk [tilespmem:v15+s8+$0x0], $0xffff;
	_ =	sdelay $0x1  }
0x102: {  	_, v17, vm15 =	vpop (xrf1);
	_ =	sdelay $0x2  }
0x103: {  	v16 =	vadd.s32 v17, v16  }
0x104: {  	v16 =	vadd.s32 $0xFFFFFFFF, v16  }
0x105: {  	s24 =	simm.s32 $0x80;
	[tilespmem:s9+$0x1800] =	vst v16  }
0x106: {  	s25 =	simm.s32 $0x400;
	s10 =	simm.s32 $0x2800;
	s26 =	simm.s32 $0x1;
	[tilespmem:v15+s8+$0x0] =	vst.idx.add.s32.msk vm15, v17  }
0x107: {  	[spmem:s5] =	stream.strided.scatter [tilespmem:s10], [sflag:$0x1], $0x100, s25, s24, $0x38;
	[tilespmem:$0x4B00] =	vst v63  }
0x108: {  	_ =	swait.ge [sflag:s26], $0x100  }
0x109: {  	[sflag:s26] =	ssyncset.done $0x0  }
0x10a: {  	[sflag:s26] =	ssyncadd.s32 $0xFFFFFF00  }
0x10b: {  	s28 =	simm.s32 $0x2A00;
	[bflag:$0x0] =	sbarrier.arrive $0xFFFF  }
0x10c: {  	[tilespmem:s28], [sflag:$0x1] =	stream.linear.gather [spmem:s2], $0x1000, $0x38;
	[tilespmem:$0x4B00] =	vst v63  }
0x10d: {  	s8 =	simm.s32 $0x0;
	_ =	swait.ge [sflag:s26], $0x1000  }
0x10e: {  	s29 =	sand.u32 $0x70, s8;
	s11 =	sand.u32 $0x400, s8;
	[sflag:s26] =	ssyncset.done $0x0  }
0x10f: {  	s30 =	sor.u32 s29, s11;
	[sflag:s26] =	ssyncadd.s32 $0xFFFFF000  }
0x110: {  	v15 =	vld [tilespmem:s30+$0x2A80]  }
0x111: {  	v47 =	vld [tilespmem:s30+$0x2A00]  }
0x112: {  	v48 =	vld [tilespmem:s30+$0x2B00]  }
0x113: {  	v18 =	vld [tilespmem:s30+$0x2B80]  }
0x114: {  	v19 =	vld [tilespmem:s30+$0x2C00]  }
0x115: {  	v20 =	vld [tilespmem:s30+$0x2C80]  }
0x116: {  	v22 =	vld [tilespmem:s30+$0x2D00];
	v21 =	vadd.s32 v47, v15  }
0x117: {  	v23 =	vld [tilespmem:s30+$0x2D80];
	v21 =	vadd.s32 v48, v21  }
0x118: {  	v24 =	vld [tilespmem:s30+$0x3200];
	v21 =	vadd.s32 v18, v21  }
0x119: {  	v25 =	vld [tilespmem:s30+$0x3280];
	v21 =	vadd.s32 v19, v21  }
0x11a: {  	v26 =	vld [tilespmem:s30+$0x3300];
	v21 =	vadd.s32 v20, v21  }
0x11b: {  	v27 =	vld [tilespmem:s30+$0x3380];
	v21 =	vadd.s32 v22, v21  }
0x11c: {  	v28 =	vld [tilespmem:s30+$0x3400];
	v16 =	vmul.u32 v5, v47;
	v21 =	vadd.s32 v23, v21  }
0x11d: {  	v29 =	vld [tilespmem:s30+$0x3480];
	v15 =	vmul.u32 v0, v15;
	v17 =	vmul.u32 v3, v48;
	v21 =	vadd.s32 v24, v21  }
0x11e: {  	v51 =	vld [tilespmem:s30+$0x3500];
	v49 =	vmul.u32 v6, v19;
	v16 =	vadd.s32 s8, v16;
	v50 =	vadd.s32 v25, v21  }
0x11f: {  	v53 =	vld [tilespmem:s30+$0x3580];
	v18 =	vmul.u32 v1, v18;
	v15 =	vadd.s32 v15, v16;
	v19 =	vadd.s32 v26, v50  }
0x120: {  	v15 =	vadd.s32 v17, v15;
	v19 =	vadd.s32 v27, v19  }
0x121: {  	v52 =	vmul.u32 v2, v20;
	v15 =	vadd.s32 v18, v15;
	v19 =	vadd.s32 v28, v19  }
0x122: {  	v54 =	vmul.u32 v7, v22;
	v15 =	vadd.s32 v49, v15;
	v19 =	vadd.s32 v29, v19  }
0x123: {  	v55 =	vmul.u32 v4, v23;
	v15 =	vadd.s32 v52, v15;
	v19 =	vadd.s32 v51, v19  }
0x124: {  	v56 =	vmul.u32 v9, v24;
	v15 =	vadd.s32 v54, v15;
	v19 =	vadd.s32 v53, v19  }
0x125: {  	v57 =	vmul.u32 v8, v25;
	v15 =	vadd.s32 v55, v15;
	(xrf0) =	vadd.scan.msk.s32 $0xffff, v19  }
0x126: {  	v58 =	vmul.u32 v10, v26;
	v15 =	vadd.s32 v56, v15  }
0x127: {  	v59 =	vmul.u32 v11, v27;
	v15 =	vadd.s32 v57, v15  }
0x128: {  	v60 =	vmul.u32 v12, v28;
	v15 =	vadd.s32 v58, v15  }
0x129: {  	v61 =	vmul.u32 v13, v29;
	v15 =	vadd.s32 v59, v15  }
0x12a: {  	v62 =	vmul.u32 v14, v51;
	v15 =	vadd.s32 v60, v15  }
0x12b: {  	v15 =	vadd.s32 v61, v15;
	v63, _, _ =	vpop (xrf0)  }
0x12c: {  	v15 =	vadd.s32 v62, v15;
	(v2sf) =	vpush v63, $0xF  }
0x12d: {  	s31 =	simm.s32 $0x10;
	s10 =	simm.s32 $0x80;
	v15 =	vsub.s32 v15, v19  }
0x12e: {  	s9 =	simm.s32 $0x2900;
	s11 =	sand.u32 $0x70, s31;
	s12 =	sand.u32 $0x400, s10;
	v15 =	vadd.s32 v63, v15  }
0x12f: {  	s12 =	sor.u32 s11, s12;
	s11 =	simm.s32 $0x20;
	[tilespmem:s9+$0x0] =	vst v15  }
.LBB2_11:
0x130: {  	p1 =	sne.s32 s11, $0xF0;
	v15 =	vld [tilespmem:s12+$0x2A80]  }
0x131: {  	v16 =	vld [tilespmem:s12+$0x2A00]  }
0x132: {  	v17 =	vld [tilespmem:s12+$0x2B00]  }
0x133: {  	v18 =	vld [tilespmem:s12+$0x2B80]  }
0x134: {  	v19 =	vld [tilespmem:s12+$0x2C00]  }
0x135: {  	v20 =	vmul.u32 v0, v15;
	v21 =	vld [tilespmem:s12+$0x2C80]  }
0x136: {  	v22 =	vmul.u32 v5, v16;
	v15 =	vadd.s32 v16, v15;
	v16 =	vld [tilespmem:s12+$0x2D00]  }
0x137: {  	v15 =	vadd.s32 v17, v15;
	v17 =	vmul.u32 v3, v17;
	v23 =	vld [tilespmem:s12+$0x2D80]  }
0x138: {  	v15 =	vadd.s32 v18, v15;
	v18 =	vmul.u32 v1, v18;
	v24 =	vld [tilespmem:s12+$0x3200]  }
0x139: {  	v15 =	vadd.s32 v19, v15;
	v19 =	vmul.u32 v6, v19;
	v25 =	vld [tilespmem:s12+$0x3280]  }
0x13a: {  	v15 =	vadd.s32 v21, v15;
	v21 =	vmul.u32 v2, v21;
	v26 =	vld [tilespmem:s12+$0x3300]  }
0x13b: {  	v15 =	vadd.s32 v16, v15;
	v16 =	vmul.u32 v7, v16;
	v27 =	vld [tilespmem:s12+$0x3380];
	s13 =	spop (v2sf)  }
0x13c: {  	v15 =	vadd.s32 v23, v15;
	v23 =	vmul.u32 v4, v23;
	v28 =	vld [tilespmem:s12+$0x3400];
	s8 =	sadd.s32 s8, s13  }
0x13d: {  	v15 =	vadd.s32 v24, v15;
	v24 =	vmul.u32 v9, v24;
	v29 =	vld [tilespmem:s12+$0x3480];
	v22 =	vadd.s32 s8, v22  }
0x13e: {  	v15 =	vadd.s32 v25, v15;
	v25 =	vmul.u32 v8, v25;
	v30 =	vld [tilespmem:s12+$0x3500];
	v20 =	vadd.s32 v20, v22  }
0x13f: {  	v15 =	vadd.s32 v26, v15;
	v22 =	vmul.u32 v10, v26;
	v26 =	vld [tilespmem:s12+$0x3580];
	v17 =	vadd.s32 v17, v20  }
0x140: {  	v15 =	vadd.s32 v27, v15;
	v20 =	vmul.u32 v11, v27;
	v17 =	vadd.s32 v18, v17  }
0x141: {  	v15 =	vadd.s32 v28, v15;
	v18 =	vmul.u32 v12, v28;
	v17 =	vadd.s32 v19, v17  }
0x142: {  	v15 =	vadd.s32 v29, v15;
	v19 =	vmul.u32 v13, v29;
	v17 =	vadd.s32 v21, v17  }
0x143: {  	v15 =	vadd.s32 v30, v15;
	v21 =	vmul.u32 v14, v30;
	v16 =	vadd.s32 v16, v17  }
0x144: {  	v15 =	vadd.s32 v26, v15;
	v16 =	vadd.s32 v23, v16  }
0x145: {  	v16 =	vadd.s32 v24, v16;
	(xrf0) =	vadd.scan.msk.s32 $0xffff, v15  }
0x146: {  	v16 =	vadd.s32 v25, v16  }
0x147: {  	v16 =	vadd.s32 v22, v16  }
0x148: {  	v16 =	vadd.s32 v20, v16  }
0x149: {  	v16 =	vadd.s32 v18, v16  }
0x14a: {  	v16 =	vadd.s32 v19, v16  }
.Ltmp5:
0x14b: {  	v16 =	vadd.s32 v21, v16;
	v17, _, _ =	vpop (xrf0);
	(pc) =	sbr.rel @p1 .LBB2_11-.Ltmp5, $4  }
0x14c: {  	v15 =	vsub.s32 v16, v15;
	(v2sf) =	vpush v17, $0xF  }
0x14d: {  	s10 =	sadd.s32 $0x80, s10;
	s9 =	sadd.s32 $0x10, s9;
	v15 =	vadd.s32 v17, v15  }
0x14e: {  	s13 =	sand.u32 $0x400, s10;
	s12 =	sand.u32 $0x70, s11;
	[tilespmem:s9+$0x0] =	vst v15  }
0x14f: {  	s11 =	sadd.s32 $0x10, s11;
	s12 =	sor.u32 s12, s13  }
0x150: {  	v15 =	vld [tilespmem:s12+$0x2A80]  }
0x151: {  	v16 =	vld [tilespmem:s12+$0x2A00]  }
0x152: {  	v17 =	vld [tilespmem:s12+$0x2B00]  }
0x153: {  	v18 =	vld [tilespmem:s12+$0x2B80]  }
0x154: {  	v19 =	vld [tilespmem:s12+$0x2C00]  }
0x155: {  	v20 =	vld [tilespmem:s12+$0x2C80]  }
0x156: {  	v22 =	vld [tilespmem:s12+$0x2D00];
	v21 =	vadd.s32 v16, v15  }
0x157: {  	v23 =	vld [tilespmem:s12+$0x2D80];
	v21 =	vadd.s32 v17, v21  }
0x158: {  	v24 =	vld [tilespmem:s12+$0x3200];
	v21 =	vadd.s32 v18, v21  }
0x159: {  	v25 =	vld [tilespmem:s12+$0x3280];
	v21 =	vadd.s32 v19, v21  }
0x15a: {  	v26 =	vld [tilespmem:s12+$0x3300];
	v21 =	vadd.s32 v20, v21  }
0x15b: {  	v27 =	vld [tilespmem:s12+$0x3380];
	v21 =	vadd.s32 v22, v21  }
0x15c: {  	v28 =	vld [tilespmem:s12+$0x3400];
	v21 =	vadd.s32 v23, v21  }
0x15d: {  	v29 =	vld [tilespmem:s12+$0x3480];
	v21 =	vadd.s32 v24, v21  }
0x15e: {  	v30 =	vld [tilespmem:s12+$0x3500];
	v16 =	vmul.u32 v5, v16;
	s10 =	spop (v2sf);
	v21 =	vadd.s32 v25, v21  }
0x15f: {  	v31 =	vld [tilespmem:s12+$0x3580];
	v15 =	vmul.u32 v0, v15;
	s8 =	sadd.s32 s8, s10;
	v21 =	vadd.s32 v26, v21  }
0x160: {  	v17 =	vmul.u32 v3, v17;
	v16 =	vadd.s32 s8, v16;
	v21 =	vadd.s32 v27, v21  }
0x161: {  	v15 =	vadd.s32 v15, v16;
	v16 =	vmul.u32 v1, v18;
	v21 =	vadd.s32 v28, v21  }
0x162: {  	v19 =	vmul.u32 v6, v19;
	v15 =	vadd.s32 v17, v15;
	v18 =	vadd.s32 v29, v21  }
0x163: {  	v15 =	vadd.s32 v16, v15;
	v17 =	vadd.s32 v30, v18;
	v18 =	vmul.u32 v2, v20  }
0x164: {  	v15 =	vadd.s32 v19, v15;
	v16 =	vadd.s32 v31, v17;
	v17 =	vmul.u32 v7, v22  }
0x165: {  	v19 =	vmul.u32 v4, v23;
	(xrf0) =	vadd.scan.msk.s32 $0xffff, v16;
	v15 =	vadd.s32 v18, v15  }
0x166: {  	v15 =	vadd.s32 v17, v15  }
0x167: {  	v18 =	vmul.u32 v9, v24;
	v15 =	vadd.s32 v19, v15;
	v19 =	vmul.u32 v10, v26  }
0x168: {  	v17 =	vmul.u32 v8, v25  }
0x169: {  	v15 =	vadd.s32 v18, v15  }
0x16a: {  	v18 =	vmul.u32 v11, v27;
	v15 =	vadd.s32 v17, v15  }
0x16b: {  	v17 =	vmul.u32 v12, v28;
	v15 =	vadd.s32 v19, v15;
	v19, _, _ =	vpop (xrf0)  }
0x16c: {  	v63 =	vmul.u32 v13, v29;
	v15 =	vadd.s32 v18, v15;
	(v2sf) =	vpush v19, $0xF  }
0x16d: {  	v18 =	vmul.u32 v14, v30;
	v15 =	vadd.s32 v17, v15  }
0x16e: {  	v15 =	vadd.s32 v63, v15  }
0x16f: {  	v15 =	vadd.s32 v18, v15  }
0x170: {  	v15 =	vsub.s32 v15, v16  }
0x171: {  	s30 =	sadd.s32 $0x10, s9;
	v15 =	vadd.s32 v19, v15  }
0x172: {  	s9 =	simm.s32 $0x0;
	[tilespmem:s30+$0x0] =	vst v15  }
0x173: {  	v16 =	vld [tilespmem:s9+$0x1000];
	_ =	sdelay $0x6  }
0x174: {  	s8 =	simm.s32 $0x2900;
	v15 =	vld [tilespmem:s9+$0x1800]  }
0x175: {  	s11 =	simm.s32 $0x80;
	s10 =	simm.s32 $0x10;
	v16 =	vld.idx.msk [tilespmem:v16+s8+$0x0], $0xffff;
	s31 =	spop (v2sf)  }
.LBB2_13:
0x176: {  	p1 =	sne.s32 s11, $0x1FC0;
	v17 =	vld [tilespmem:s10+$0x1000];
	_ =	sdelay $0x3  }
.Ltmp6:
0x177: {  	(pc) =	sbr.rel @p1 .LBB2_13-.Ltmp6, $4  }
0x178: {  	v15 =	vadd.s32 v16, v15  }
0x179: {  	[tilespmem:s9+$0x2000] =	vst v15;
	s9 =	smov.u32 s10  }
0x17a: {  	v15 =	vld [tilespmem:s9+$0x1800]  }
0x17b: {  	s10 =	sshra.s32 s11, $0x2;
	s11 =	sadd.s32 $0x40, s11;
	v16 =	vld.idx.msk [tilespmem:v17+s8+$0x0], $0xffff  }
0x17c: {  	v17 =	vld [tilespmem:s10+$0x1000];
	_ =	sdelay $0x4  }
0x17d: {  	v15 =	vadd.s32 v16, v15  }
0x17e: {  	[tilespmem:s9+$0x2000] =	vst v15  }
0x17f: {  	v15 =	vld [tilespmem:s10+$0x1800]  }
0x180: {  	v16 =	vld.idx.msk [tilespmem:v17+s8+$0x0], $0xffff;
	_ =	sdelay $0x4  }
0x181: {  	s28 =	simm.s32 $0x800;
	v15 =	vadd.s32 v16, v15  }
0x182: {  	s29 =	simm.s32 $0x2000;
	s30 =	simm.s32 $0x0;
	s11 =	simm.s32 $0x1;
	[tilespmem:s10+$0x2000] =	vst v15  }
0x183: {  	[spmem:s4] =	stream.indirect.scatter [tilespmem:s30], [sflag:$0x1], $0x1, s29, s28, $0xb8;
	[tilespmem:$0x4B00] =	vst v63  }
0x184: {  	_ =	swait.ge [sflag:s11], $0x800  }
0x185: {  	[sflag:s11] =	ssyncset.done $0x0  }
0x186: {  	[sflag:s11] =	ssyncadd.s32 $0xFFFFF800  }
0x187: {  	[spmem:s3] =	stream.indirect.scatter [tilespmem:s28], [sflag:$0x1], $0x1, s29, s28, $0xb8;
	[tilespmem:$0x4B00] =	vst v63  }
0x188: {  	_ =	swait.ge [sflag:s11], $0x800  }
0x189: {  	[sflag:s11] =	ssyncset.done $0x0  }
0x18a: {  	[sflag:s11] =	ssyncadd.s32 $0xFFFFF800  }
0x18b: {  	[bflag:$0x0] =	sbarrier.arrive $0xFFFF  }
0x18c: {  	[tilespmem:s30], [sflag:$0x1] =	stream.linear.gather [spmem:s6], $0x800, $0x38;
	[tilespmem:$0x4B00] =	vst v63  }
0x18d: {  	_ =	swait.ge [sflag:s11], $0x800  }
0x18e: {  	[sflag:s11] =	ssyncset.done $0x0  }
0x18f: {  	[sflag:s11] =	ssyncadd.s32 $0xFFFFF800  }
0x190: {  	[tilespmem:s28], [sflag:$0x1] =	stream.linear.gather [spmem:s7], $0x800, $0x38;
	[tilespmem:$0x4B00] =	vst v63  }
0x191: {  	_ =	swait.ge [sflag:s11], $0x800  }
0x192: {  	[sflag:s11] =	ssyncset.done $0x0  }
0x193: {  	v15 =	vimm.s32 $0x0;
	[sflag:s11] =	ssyncadd.s32 $0xFFFFF800  }
0x194: {  	[tilespmem:$0x2800] =	vst v15  }
0x195: {  	[tilespmem:$0x2810] =	vst v15  }
0x196: {  	[tilespmem:$0x2820] =	vst v15  }
0x197: {  	[tilespmem:$0x2830] =	vst v15  }
0x198: {  	[tilespmem:$0x2840] =	vst v15  }
0x199: {  	[tilespmem:$0x2850] =	vst v15  }
0x19a: {  	[tilespmem:$0x2860] =	vst v15  }
0x19b: {  	[tilespmem:$0x2870] =	vst v15  }
0x19c: {  	[tilespmem:$0x2880] =	vst v15  }
0x19d: {  	[tilespmem:$0x2890] =	vst v15  }
0x19e: {  	[tilespmem:$0x28A0] =	vst v15  }
0x19f: {  	[tilespmem:$0x28B0] =	vst v15  }
0x1a0: {  	[tilespmem:$0x28C0] =	vst v15  }
0x1a1: {  	[tilespmem:$0x28D0] =	vst v15  }
0x1a2: {  	[tilespmem:$0x28E0] =	vst v15  }
0x1a3: {  	s31 =	simm.s32 $0x0;
	[tilespmem:$0x28F0] =	vst v15  }
0x1a4: {  	v15 =	vld [tilespmem:s31+$0x0];
	_ =	sdelay $0x4  }
0x1a5: {  	v15 =	vshrl.u32 v15, $0x10  }
0x1a6: {  	v15 =	vand.u32 $0xFF, v15  }
0x1a7: {  	(xrf1) =	vunique.msk.u32 $0xffff, v15;
	_ =	sdelay $0x8  }
0x1a8: {  	s8 =	simm.s32 $0x2800;
	[tilespmem:s31+$0x1000] =	vst v15  }
0x1a9: {  	v17 =	vld.idx.msk [tilespmem:v15+s8+$0x0], $0xffff;
	_ =	sdelay $0x3  }
0x1aa: {  	_, v16, vm0 =	vpop (xrf1)  }
0x1ab: {  	v17 =	vadd.s32 v16, v17  }
0x1ac: {  	v17 =	vadd.s32 $0xFFFFFFFF, v17  }
0x1ad: {  	s9 =	simm.s32 $0x40;
	s10 =	simm.s32 $0x80;
	[tilespmem:s31+$0x1800] =	vst v17  }
.LBB2_15:
0x1ae: {  	_ = 	snop  }
0x1af: {  	p1 =	sne.s32 s10, $0x1FC0  }
0x1b0: {  	s11 =	sshra.s32 s9, $0x2;
	[tilespmem:v15+s8+$0x0] =	vst.idx.add.s32.msk vm0, v16;
	s9 =	smov.u32 s10;
	s10 =	sadd.s32 $0x40, s10  }
0x1b1: {  	v15 =	vld [tilespmem:s11+$0x0];
	_ =	sdelay $0x4  }
0x1b2: {  	v15 =	vshrl.u32 v15, $0x10  }
0x1b3: {  	v15 =	vand.u32 $0xFF, v15  }
0x1b4: {  	(xrf1) =	vunique.msk.u32 $0xffff, v15;
	_ =	sdelay $0x7  }
0x1b5: {  	[tilespmem:s11+$0x1000] =	vst v15  }
0x1b6: {  	v17 =	vld.idx.msk [tilespmem:v15+s8+$0x0], $0xffff;
	_ =	sdelay $0x3  }
.Ltmp7:
0x1b7: {  	(pc) =	sbr.rel @p1 .LBB2_15-.Ltmp7, $4  }
0x1b8: {  	_, v16, vm0 =	vpop (xrf1)  }
0x1b9: {  	v17 =	vadd.s32 v16, v17  }
0x1ba: {  	v17 =	vadd.s32 $0xFFFFFFFF, v17  }
0x1bb: {  	[tilespmem:s11+$0x1800] =	vst v17  }
0x1bc: {  	_ =	sdelay $0x4  }
0x1bd: {  	s9 =	sshra.s32 s9, $0x2;
	[tilespmem:v15+s8+$0x0] =	vst.idx.add.s32.msk vm0, v16  }
0x1be: {  	v15 =	vld [tilespmem:s9+$0x0];
	_ =	sdelay $0x4  }
0x1bf: {  	v15 =	vshrl.u32 v15, $0x10  }
0x1c0: {  	v15 =	vand.u32 $0xFF, v15  }
0x1c1: {  	(xrf1) =	vunique.msk.u32 $0xffff, v15;
	_ =	sdelay $0xa  }
0x1c2: {  	[tilespmem:s9+$0x1000] =	vst v15  }
0x1c3: {  	v16 =	vld.idx.msk [tilespmem:v15+s8+$0x0], $0xffff;
	_ =	sdelay $0x1  }
0x1c4: {  	_, v17, vm15 =	vpop (xrf1);
	_ =	sdelay $0x2  }
0x1c5: {  	v16 =	vadd.s32 v17, v16  }
0x1c6: {  	v16 =	vadd.s32 $0xFFFFFFFF, v16  }
0x1c7: {  	s24 =	simm.s32 $0x80;
	[tilespmem:s9+$0x1800] =	vst v16  }
0x1c8: {  	s25 =	simm.s32 $0x400;
	s10 =	simm.s32 $0x2800;
	s26 =	simm.s32 $0x1;
	[tilespmem:v15+s8+$0x0] =	vst.idx.add.s32.msk vm15, v17  }
0x1c9: {  	[spmem:s5] =	stream.strided.scatter [tilespmem:s10], [sflag:$0x1], $0x100, s25, s24, $0x38;
	[tilespmem:$0x4B00] =	vst v63  }
0x1ca: {  	_ =	swait.ge [sflag:s26], $0x100  }
0x1cb: {  	[sflag:s26] =	ssyncset.done $0x0  }
0x1cc: {  	[sflag:s26] =	ssyncadd.s32 $0xFFFFFF00  }
0x1cd: {  	s28 =	simm.s32 $0x2A00;
	[bflag:$0x0] =	sbarrier.arrive $0xFFFF  }
0x1ce: {  	[tilespmem:s28], [sflag:$0x1] =	stream.linear.gather [spmem:s2], $0x1000, $0x38;
	[tilespmem:$0x4B00] =	vst v63  }
0x1cf: {  	s8 =	simm.s32 $0x0;
	_ =	swait.ge [sflag:s26], $0x1000  }
0x1d0: {  	s29 =	sand.u32 $0x70, s8;
	s11 =	sand.u32 $0x400, s8;
	[sflag:s26] =	ssyncset.done $0x0  }
0x1d1: {  	s30 =	sor.u32 s29, s11;
	[sflag:s26] =	ssyncadd.s32 $0xFFFFF000  }
0x1d2: {  	v15 =	vld [tilespmem:s30+$0x2A80]  }
0x1d3: {  	v47 =	vld [tilespmem:s30+$0x2A00]  }
0x1d4: {  	v48 =	vld [tilespmem:s30+$0x2B00]  }
0x1d5: {  	v18 =	vld [tilespmem:s30+$0x2B80]  }
0x1d6: {  	v19 =	vld [tilespmem:s30+$0x2C00]  }
0x1d7: {  	v20 =	vld [tilespmem:s30+$0x2C80]  }
0x1d8: {  	v22 =	vld [tilespmem:s30+$0x2D00];
	v21 =	vadd.s32 v47, v15  }
0x1d9: {  	v23 =	vld [tilespmem:s30+$0x2D80];
	v21 =	vadd.s32 v48, v21  }
0x1da: {  	v24 =	vld [tilespmem:s30+$0x3200];
	v21 =	vadd.s32 v18, v21  }
0x1db: {  	v25 =	vld [tilespmem:s30+$0x3280];
	v21 =	vadd.s32 v19, v21  }
0x1dc: {  	v26 =	vld [tilespmem:s30+$0x3300];
	v21 =	vadd.s32 v20, v21  }
0x1dd: {  	v27 =	vld [tilespmem:s30+$0x3380];
	v21 =	vadd.s32 v22, v21  }
0x1de: {  	v28 =	vld [tilespmem:s30+$0x3400];
	v16 =	vmul.u32 v5, v47;
	v21 =	vadd.s32 v23, v21  }
0x1df: {  	v29 =	vld [tilespmem:s30+$0x3480];
	v15 =	vmul.u32 v0, v15;
	v17 =	vmul.u32 v3, v48;
	v21 =	vadd.s32 v24, v21  }
0x1e0: {  	v51 =	vld [tilespmem:s30+$0x3500];
	v49 =	vmul.u32 v6, v19;
	v16 =	vadd.s32 s8, v16;
	v50 =	vadd.s32 v25, v21  }
0x1e1: {  	v53 =	vld [tilespmem:s30+$0x3580];
	v18 =	vmul.u32 v1, v18;
	v15 =	vadd.s32 v15, v16;
	v19 =	vadd.s32 v26, v50  }
0x1e2: {  	v15 =	vadd.s32 v17, v15;
	v19 =	vadd.s32 v27, v19  }
0x1e3: {  	v52 =	vmul.u32 v2, v20;
	v15 =	vadd.s32 v18, v15;
	v19 =	vadd.s32 v28, v19  }
0x1e4: {  	v54 =	vmul.u32 v7, v22;
	v15 =	vadd.s32 v49, v15;
	v19 =	vadd.s32 v29, v19  }
0x1e5: {  	v55 =	vmul.u32 v4, v23;
	v15 =	vadd.s32 v52, v15;
	v19 =	vadd.s32 v51, v19  }
0x1e6: {  	v56 =	vmul.u32 v9, v24;
	v15 =	vadd.s32 v54, v15;
	v19 =	vadd.s32 v53, v19  }
0x1e7: {  	v57 =	vmul.u32 v8, v25;
	v15 =	vadd.s32 v55, v15;
	(xrf0) =	vadd.scan.msk.s32 $0xffff, v19  }
0x1e8: {  	v58 =	vmul.u32 v10, v26;
	v15 =	vadd.s32 v56, v15  }
0x1e9: {  	v59 =	vmul.u32 v11, v27;
	v15 =	vadd.s32 v57, v15  }
0x1ea: {  	v60 =	vmul.u32 v12, v28;
	v15 =	vadd.s32 v58, v15  }
0x1eb: {  	v61 =	vmul.u32 v13, v29;
	v15 =	vadd.s32 v59, v15  }
0x1ec: {  	v62 =	vmul.u32 v14, v51;
	v15 =	vadd.s32 v60, v15  }
0x1ed: {  	v15 =	vadd.s32 v61, v15;
	v63, _, _ =	vpop (xrf0)  }
0x1ee: {  	v15 =	vadd.s32 v62, v15;
	(v2sf) =	vpush v63, $0xF  }
0x1ef: {  	s31 =	simm.s32 $0x10;
	s10 =	simm.s32 $0x80;
	v15 =	vsub.s32 v15, v19  }
0x1f0: {  	s9 =	simm.s32 $0x2900;
	s11 =	sand.u32 $0x70, s31;
	s12 =	sand.u32 $0x400, s10;
	v15 =	vadd.s32 v63, v15  }
0x1f1: {  	s12 =	sor.u32 s11, s12;
	s11 =	simm.s32 $0x20;
	[tilespmem:s9+$0x0] =	vst v15  }
.LBB2_17:
0x1f2: {  	p1 =	sne.s32 s11, $0xF0;
	v15 =	vld [tilespmem:s12+$0x2A80]  }
0x1f3: {  	v16 =	vld [tilespmem:s12+$0x2A00]  }
0x1f4: {  	v17 =	vld [tilespmem:s12+$0x2B00]  }
0x1f5: {  	v18 =	vld [tilespmem:s12+$0x2B80]  }
0x1f6: {  	v19 =	vld [tilespmem:s12+$0x2C00]  }
0x1f7: {  	v20 =	vmul.u32 v0, v15;
	v21 =	vld [tilespmem:s12+$0x2C80]  }
0x1f8: {  	v22 =	vmul.u32 v5, v16;
	v15 =	vadd.s32 v16, v15;
	v16 =	vld [tilespmem:s12+$0x2D00]  }
0x1f9: {  	v15 =	vadd.s32 v17, v15;
	v17 =	vmul.u32 v3, v17;
	v23 =	vld [tilespmem:s12+$0x2D80]  }
0x1fa: {  	v15 =	vadd.s32 v18, v15;
	v18 =	vmul.u32 v1, v18;
	v24 =	vld [tilespmem:s12+$0x3200]  }
0x1fb: {  	v15 =	vadd.s32 v19, v15;
	v19 =	vmul.u32 v6, v19;
	v25 =	vld [tilespmem:s12+$0x3280]  }
0x1fc: {  	v15 =	vadd.s32 v21, v15;
	v21 =	vmul.u32 v2, v21;
	v26 =	vld [tilespmem:s12+$0x3300]  }
0x1fd: {  	v15 =	vadd.s32 v16, v15;
	v16 =	vmul.u32 v7, v16;
	v27 =	vld [tilespmem:s12+$0x3380];
	s13 =	spop (v2sf)  }
0x1fe: {  	v15 =	vadd.s32 v23, v15;
	v23 =	vmul.u32 v4, v23;
	v28 =	vld [tilespmem:s12+$0x3400];
	s8 =	sadd.s32 s8, s13  }
0x1ff: {  	v15 =	vadd.s32 v24, v15;
	v24 =	vmul.u32 v9, v24;
	v29 =	vld [tilespmem:s12+$0x3480];
	v22 =	vadd.s32 s8, v22  }
0x200: {  	v15 =	vadd.s32 v25, v15;
	v25 =	vmul.u32 v8, v25;
	v30 =	vld [tilespmem:s12+$0x3500];
	v20 =	vadd.s32 v20, v22  }
0x201: {  	v15 =	vadd.s32 v26, v15;
	v22 =	vmul.u32 v10, v26;
	v26 =	vld [tilespmem:s12+$0x3580];
	v17 =	vadd.s32 v17, v20  }
0x202: {  	v15 =	vadd.s32 v27, v15;
	v20 =	vmul.u32 v11, v27;
	v17 =	vadd.s32 v18, v17  }
0x203: {  	v15 =	vadd.s32 v28, v15;
	v18 =	vmul.u32 v12, v28;
	v17 =	vadd.s32 v19, v17  }
0x204: {  	v15 =	vadd.s32 v29, v15;
	v19 =	vmul.u32 v13, v29;
	v17 =	vadd.s32 v21, v17  }
0x205: {  	v15 =	vadd.s32 v30, v15;
	v21 =	vmul.u32 v14, v30;
	v16 =	vadd.s32 v16, v17  }
0x206: {  	v15 =	vadd.s32 v26, v15;
	v16 =	vadd.s32 v23, v16  }
0x207: {  	v16 =	vadd.s32 v24, v16;
	(xrf0) =	vadd.scan.msk.s32 $0xffff, v15  }
0x208: {  	v16 =	vadd.s32 v25, v16  }
0x209: {  	v16 =	vadd.s32 v22, v16  }
0x20a: {  	v16 =	vadd.s32 v20, v16  }
0x20b: {  	v16 =	vadd.s32 v18, v16  }
0x20c: {  	v16 =	vadd.s32 v19, v16  }
.Ltmp8:
0x20d: {  	v16 =	vadd.s32 v21, v16;
	v17, _, _ =	vpop (xrf0);
	(pc) =	sbr.rel @p1 .LBB2_17-.Ltmp8, $4  }
0x20e: {  	v15 =	vsub.s32 v16, v15;
	(v2sf) =	vpush v17, $0xF  }
0x20f: {  	s10 =	sadd.s32 $0x80, s10;
	s9 =	sadd.s32 $0x10, s9;
	v15 =	vadd.s32 v17, v15  }
0x210: {  	s13 =	sand.u32 $0x400, s10;
	s12 =	sand.u32 $0x70, s11;
	[tilespmem:s9+$0x0] =	vst v15  }
0x211: {  	s11 =	sadd.s32 $0x10, s11;
	s12 =	sor.u32 s12, s13  }
0x212: {  	v15 =	vld [tilespmem:s12+$0x2A80]  }
0x213: {  	v16 =	vld [tilespmem:s12+$0x2A00]  }
0x214: {  	v17 =	vld [tilespmem:s12+$0x2B00]  }
0x215: {  	v18 =	vld [tilespmem:s12+$0x2B80]  }
0x216: {  	v19 =	vld [tilespmem:s12+$0x2C00]  }
0x217: {  	v20 =	vld [tilespmem:s12+$0x2C80]  }
0x218: {  	v22 =	vld [tilespmem:s12+$0x2D00];
	v21 =	vadd.s32 v16, v15  }
0x219: {  	v23 =	vld [tilespmem:s12+$0x2D80];
	v21 =	vadd.s32 v17, v21  }
0x21a: {  	v24 =	vld [tilespmem:s12+$0x3200];
	v21 =	vadd.s32 v18, v21  }
0x21b: {  	v25 =	vld [tilespmem:s12+$0x3280];
	v21 =	vadd.s32 v19, v21  }
0x21c: {  	v26 =	vld [tilespmem:s12+$0x3300];
	v21 =	vadd.s32 v20, v21  }
0x21d: {  	v27 =	vld [tilespmem:s12+$0x3380];
	v21 =	vadd.s32 v22, v21  }
0x21e: {  	v28 =	vld [tilespmem:s12+$0x3400];
	v21 =	vadd.s32 v23, v21  }
0x21f: {  	v29 =	vld [tilespmem:s12+$0x3480];
	v21 =	vadd.s32 v24, v21  }
0x220: {  	v30 =	vld [tilespmem:s12+$0x3500];
	v16 =	vmul.u32 v5, v16;
	s10 =	spop (v2sf);
	v21 =	vadd.s32 v25, v21  }
0x221: {  	v31 =	vld [tilespmem:s12+$0x3580];
	v15 =	vmul.u32 v0, v15;
	s8 =	sadd.s32 s8, s10;
	v21 =	vadd.s32 v26, v21  }
0x222: {  	v17 =	vmul.u32 v3, v17;
	v16 =	vadd.s32 s8, v16;
	v21 =	vadd.s32 v27, v21  }
0x223: {  	v15 =	vadd.s32 v15, v16;
	v16 =	vmul.u32 v1, v18;
	v21 =	vadd.s32 v28, v21  }
0x224: {  	v19 =	vmul.u32 v6, v19;
	v15 =	vadd.s32 v17, v15;
	v18 =	vadd.s32 v29, v21  }
0x225: {  	v15 =	vadd.s32 v16, v15;
	v17 =	vadd.s32 v30, v18;
	v18 =	vmul.u32 v2, v20  }
0x226: {  	v15 =	vadd.s32 v19, v15;
	v16 =	vadd.s32 v31, v17;
	v17 =	vmul.u32 v7, v22  }
0x227: {  	v19 =	vmul.u32 v4, v23;
	(xrf0) =	vadd.scan.msk.s32 $0xffff, v16;
	v15 =	vadd.s32 v18, v15  }
0x228: {  	v15 =	vadd.s32 v17, v15  }
0x229: {  	v18 =	vmul.u32 v9, v24;
	v15 =	vadd.s32 v19, v15;
	v19 =	vmul.u32 v10, v26  }
0x22a: {  	v17 =	vmul.u32 v8, v25  }
0x22b: {  	v15 =	vadd.s32 v18, v15  }
0x22c: {  	v18 =	vmul.u32 v11, v27;
	v15 =	vadd.s32 v17, v15  }
0x22d: {  	v17 =	vmul.u32 v12, v28;
	v15 =	vadd.s32 v19, v15;
	v19, _, _ =	vpop (xrf0)  }
0x22e: {  	v63 =	vmul.u32 v13, v29;
	v15 =	vadd.s32 v18, v15;
	(v2sf) =	vpush v19, $0xF  }
0x22f: {  	v18 =	vmul.u32 v14, v30;
	v15 =	vadd.s32 v17, v15  }
0x230: {  	v15 =	vadd.s32 v63, v15  }
0x231: {  	v15 =	vadd.s32 v18, v15  }
0x232: {  	v15 =	vsub.s32 v15, v16  }
0x233: {  	s30 =	sadd.s32 $0x10, s9;
	v15 =	vadd.s32 v19, v15  }
0x234: {  	s9 =	simm.s32 $0x0;
	[tilespmem:s30+$0x0] =	vst v15  }
0x235: {  	v16 =	vld [tilespmem:s9+$0x1000];
	_ =	sdelay $0x6  }
0x236: {  	s8 =	simm.s32 $0x2900;
	v15 =	vld [tilespmem:s9+$0x1800]  }
0x237: {  	s11 =	simm.s32 $0x80;
	s10 =	simm.s32 $0x10;
	v16 =	vld.idx.msk [tilespmem:v16+s8+$0x0], $0xffff;
	s31 =	spop (v2sf)  }
.LBB2_19:
0x238: {  	p1 =	sne.s32 s11, $0x1FC0;
	v17 =	vld [tilespmem:s10+$0x1000];
	_ =	sdelay $0x3  }
.Ltmp9:
0x239: {  	(pc) =	sbr.rel @p1 .LBB2_19-.Ltmp9, $4  }
0x23a: {  	v15 =	vadd.s32 v16, v15  }
0x23b: {  	[tilespmem:s9+$0x2000] =	vst v15;
	s9 =	smov.u32 s10  }
0x23c: {  	v15 =	vld [tilespmem:s9+$0x1800]  }
0x23d: {  	s10 =	sshra.s32 s11, $0x2;
	s11 =	sadd.s32 $0x40, s11;
	v16 =	vld.idx.msk [tilespmem:v17+s8+$0x0], $0xffff  }
0x23e: {  	v17 =	vld [tilespmem:s10+$0x1000];
	_ =	sdelay $0x4  }
0x23f: {  	v15 =	vadd.s32 v16, v15  }
0x240: {  	[tilespmem:s9+$0x2000] =	vst v15  }
0x241: {  	v15 =	vld [tilespmem:s10+$0x1800]  }
0x242: {  	v16 =	vld.idx.msk [tilespmem:v17+s8+$0x0], $0xffff;
	_ =	sdelay $0x4  }
0x243: {  	s26 =	simm.s32 $0x800;
	v15 =	vadd.s32 v16, v15  }
0x244: {  	s28 =	simm.s32 $0x2000;
	s29 =	simm.s32 $0x0;
	s30 =	simm.s32 $0x1;
	[tilespmem:s10+$0x2000] =	vst v15  }
0x245: {  	[spmem:s4] =	stream.indirect.scatter [tilespmem:s29], [sflag:$0x1], $0x1, s28, s26, $0xb8;
	[tilespmem:$0x4B00] =	vst v63  }
0x246: {  	_ =	swait.ge [sflag:s30], $0x800  }
0x247: {  	[sflag:s30] =	ssyncset.done $0x0  }
0x248: {  	[sflag:s30] =	ssyncadd.s32 $0xFFFFF800  }
0x249: {  	[spmem:s3] =	stream.indirect.scatter [tilespmem:s26], [sflag:$0x1], $0x1, s28, s26, $0xb8;
	[tilespmem:$0x4B00] =	vst v63  }
0x24a: {  	_ =	swait.ge [sflag:s30], $0x800  }
0x24b: {  	[sflag:s30] =	ssyncset.done $0x0  }
0x24c: {  	[sflag:s30] =	ssyncadd.s32 $0xFFFFF800  }
0x24d: {  	[bflag:$0x0] =	sbarrier.arrive $0xFFFF  }
0x24e: {  	[tilespmem:s29], [sflag:$0x1] =	stream.linear.gather [spmem:s6], $0x800, $0x38;
	[tilespmem:$0x4B00] =	vst v63  }
0x24f: {  	_ =	swait.ge [sflag:s30], $0x800  }
0x250: {  	[sflag:s30] =	ssyncset.done $0x0  }
0x251: {  	[sflag:s30] =	ssyncadd.s32 $0xFFFFF800  }
0x252: {  	[tilespmem:s26], [sflag:$0x1] =	stream.linear.gather [spmem:s7], $0x800, $0x38;
	[tilespmem:$0x4B00] =	vst v63  }
0x253: {  	_ =	swait.ge [sflag:s30], $0x800  }
0x254: {  	[sflag:s30] =	ssyncset.done $0x0  }
0x255: {  	v15 =	vimm.s32 $0x0;
	[sflag:s30] =	ssyncadd.s32 $0xFFFFF800  }
0x256: {  	[tilespmem:$0x2800] =	vst v15  }
0x257: {  	[tilespmem:$0x2810] =	vst v15  }
0x258: {  	[tilespmem:$0x2820] =	vst v15  }
0x259: {  	[tilespmem:$0x2830] =	vst v15  }
0x25a: {  	[tilespmem:$0x2840] =	vst v15  }
0x25b: {  	[tilespmem:$0x2850] =	vst v15  }
0x25c: {  	[tilespmem:$0x2860] =	vst v15  }
0x25d: {  	[tilespmem:$0x2870] =	vst v15  }
0x25e: {  	[tilespmem:$0x2880] =	vst v15  }
0x25f: {  	[tilespmem:$0x2890] =	vst v15  }
0x260: {  	[tilespmem:$0x28A0] =	vst v15  }
0x261: {  	[tilespmem:$0x28B0] =	vst v15  }
0x262: {  	[tilespmem:$0x28C0] =	vst v15  }
0x263: {  	[tilespmem:$0x28D0] =	vst v15  }
0x264: {  	[tilespmem:$0x28E0] =	vst v15  }
0x265: {  	s31 =	simm.s32 $0x0;
	[tilespmem:$0x28F0] =	vst v15  }
0x266: {  	v15 =	vld [tilespmem:s31+$0x0];
	_ =	sdelay $0x4  }
0x267: {  	v15 =	vshrl.u32 v15, $0x18  }
0x268: {  	(xrf1) =	vunique.msk.u32 $0xffff, v15;
	_ =	sdelay $0x8  }
0x269: {  	s3 =	simm.s32 $0x2800;
	[tilespmem:s31+$0x1000] =	vst v15  }
0x26a: {  	v17 =	vld.idx.msk [tilespmem:v15+s3+$0x0], $0xffff;
	_ =	sdelay $0x3  }
0x26b: {  	_, v16, vm0 =	vpop (xrf1)  }
0x26c: {  	v17 =	vadd.s32 v16, v17  }
0x26d: {  	v17 =	vadd.s32 $0xFFFFFFFF, v17  }
0x26e: {  	s4 =	simm.s32 $0x40;
	s6 =	simm.s32 $0x80;
	[tilespmem:s31+$0x1800] =	vst v17  }
.LBB2_21:
0x26f: {  	_ = 	snop  }
0x270: {  	p1 =	sne.s32 s6, $0x1FC0  }
0x271: {  	s7 =	sshra.s32 s4, $0x2;
	[tilespmem:v15+s3+$0x0] =	vst.idx.add.s32.msk vm0, v16;
	s4 =	smov.u32 s6;
	s6 =	sadd.s32 $0x40, s6  }
0x272: {  	v15 =	vld [tilespmem:s7+$0x0];
	_ =	sdelay $0x4  }
0x273: {  	v15 =	vshrl.u32 v15, $0x18  }
0x274: {  	(xrf1) =	vunique.msk.u32 $0xffff, v15;
	_ =	sdelay $0x7  }
0x275: {  	[tilespmem:s7+$0x1000] =	vst v15  }
0x276: {  	v17 =	vld.idx.msk [tilespmem:v15+s3+$0x0], $0xffff;
	_ =	sdelay $0x3  }
.Ltmp10:
0x277: {  	(pc) =	sbr.rel @p1 .LBB2_21-.Ltmp10, $4  }
0x278: {  	_, v16, vm0 =	vpop (xrf1)  }
0x279: {  	v17 =	vadd.s32 v16, v17  }
0x27a: {  	v17 =	vadd.s32 $0xFFFFFFFF, v17  }
0x27b: {  	[tilespmem:s7+$0x1800] =	vst v17  }
0x27c: {  	_ =	sdelay $0x4  }
0x27d: {  	s4 =	sshra.s32 s4, $0x2;
	[tilespmem:v15+s3+$0x0] =	vst.idx.add.s32.msk vm0, v16  }
0x27e: {  	v15 =	vld [tilespmem:s4+$0x0];
	_ =	sdelay $0x4  }
0x27f: {  	v15 =	vshrl.u32 v15, $0x18  }
0x280: {  	(xrf1) =	vunique.msk.u32 $0xffff, v15;
	_ =	sdelay $0xa  }
0x281: {  	[tilespmem:s4+$0x1000] =	vst v15  }
0x282: {  	v16 =	vld.idx.msk [tilespmem:v15+s3+$0x0], $0xffff;
	_ =	sdelay $0x1  }
0x283: {  	_, v17, vm15 =	vpop (xrf1);
	_ =	sdelay $0x2  }
0x284: {  	v16 =	vadd.s32 v17, v16  }
0x285: {  	v16 =	vadd.s32 $0xFFFFFFFF, v16  }
0x286: {  	s22 =	simm.s32 $0x80;
	[tilespmem:s4+$0x1800] =	vst v16  }
0x287: {  	s23 =	simm.s32 $0x400;
	s6 =	simm.s32 $0x2800;
	s24 =	simm.s32 $0x1;
	[tilespmem:v15+s3+$0x0] =	vst.idx.add.s32.msk vm15, v17  }
0x288: {  	[spmem:s5] =	stream.strided.scatter [tilespmem:s6], [sflag:$0x1], $0x100, s23, s22, $0x38;
	[tilespmem:$0x4B00] =	vst v63  }
0x289: {  	_ =	swait.ge [sflag:s24], $0x100  }
0x28a: {  	[sflag:s24] =	ssyncset.done $0x0  }
0x28b: {  	[sflag:s24] =	ssyncadd.s32 $0xFFFFFF00  }
0x28c: {  	s25 =	simm.s32 $0x2A00;
	[bflag:$0x0] =	sbarrier.arrive $0xFFFF  }
0x28d: {  	[tilespmem:s25], [sflag:$0x1] =	stream.linear.gather [spmem:s2], $0x1000, $0x38;
	[tilespmem:$0x4B00] =	vst v63  }
0x28e: {  	s2 =	simm.s32 $0x0;
	_ =	swait.ge [sflag:s24], $0x1000  }
0x28f: {  	s26 =	sand.u32 $0x70, s2;
	s28 =	sand.u32 $0x400, s2;
	[sflag:s24] =	ssyncset.done $0x0  }
0x290: {  	s29 =	sor.u32 s26, s28;
	[sflag:s24] =	ssyncadd.s32 $0xFFFFF000  }
0x291: {  	v15 =	vld [tilespmem:s29+$0x2A80]  }
0x292: {  	v47 =	vld [tilespmem:s29+$0x2A00]  }
0x293: {  	v48 =	vld [tilespmem:s29+$0x2B00]  }
0x294: {  	v18 =	vld [tilespmem:s29+$0x2B80]  }
0x295: {  	v19 =	vld [tilespmem:s29+$0x2C00]  }
0x296: {  	v20 =	vld [tilespmem:s29+$0x2C80]  }
0x297: {  	v22 =	vld [tilespmem:s29+$0x2D00];
	v21 =	vadd.s32 v47, v15  }
0x298: {  	v23 =	vld [tilespmem:s29+$0x2D80];
	v21 =	vadd.s32 v48, v21  }
0x299: {  	v24 =	vld [tilespmem:s29+$0x3200];
	v21 =	vadd.s32 v18, v21  }
0x29a: {  	v25 =	vld [tilespmem:s29+$0x3280];
	v21 =	vadd.s32 v19, v21  }
0x29b: {  	v26 =	vld [tilespmem:s29+$0x3300];
	v21 =	vadd.s32 v20, v21  }
0x29c: {  	v27 =	vld [tilespmem:s29+$0x3380];
	v21 =	vadd.s32 v22, v21  }
0x29d: {  	v28 =	vld [tilespmem:s29+$0x3400];
	v16 =	vmul.u32 v5, v47;
	v21 =	vadd.s32 v23, v21  }
0x29e: {  	v29 =	vld [tilespmem:s29+$0x3480];
	v15 =	vmul.u32 v0, v15;
	v17 =	vmul.u32 v3, v48;
	v21 =	vadd.s32 v24, v21  }
0x29f: {  	v51 =	vld [tilespmem:s29+$0x3500];
	v49 =	vmul.u32 v6, v19;
	v16 =	vadd.s32 s2, v16;
	v50 =	vadd.s32 v25, v21  }
0x2a0: {  	v53 =	vld [tilespmem:s29+$0x3580];
	v18 =	vmul.u32 v1, v18;
	v15 =	vadd.s32 v15, v16;
	v19 =	vadd.s32 v26, v50  }
0x2a1: {  	v15 =	vadd.s32 v17, v15;
	v19 =	vadd.s32 v27, v19  }
0x2a2: {  	v52 =	vmul.u32 v2, v20;
	v15 =	vadd.s32 v18, v15;
	v19 =	vadd.s32 v28, v19  }
0x2a3: {  	v54 =	vmul.u32 v7, v22;
	v15 =	vadd.s32 v49, v15;
	v19 =	vadd.s32 v29, v19  }
0x2a4: {  	v55 =	vmul.u32 v4, v23;
	v15 =	vadd.s32 v52, v15;
	v19 =	vadd.s32 v51, v19  }
0x2a5: {  	v56 =	vmul.u32 v9, v24;
	v15 =	vadd.s32 v54, v15;
	v19 =	vadd.s32 v53, v19  }
0x2a6: {  	v57 =	vmul.u32 v8, v25;
	v15 =	vadd.s32 v55, v15;
	(xrf0) =	vadd.scan.msk.s32 $0xffff, v19  }
0x2a7: {  	v58 =	vmul.u32 v10, v26;
	v15 =	vadd.s32 v56, v15  }
0x2a8: {  	v59 =	vmul.u32 v11, v27;
	v15 =	vadd.s32 v57, v15  }
0x2a9: {  	v60 =	vmul.u32 v12, v28;
	v15 =	vadd.s32 v58, v15  }
0x2aa: {  	v61 =	vmul.u32 v13, v29;
	v15 =	vadd.s32 v59, v15  }
0x2ab: {  	v62 =	vmul.u32 v14, v51;
	v15 =	vadd.s32 v60, v15  }
0x2ac: {  	v15 =	vadd.s32 v61, v15;
	v63, _, _ =	vpop (xrf0)  }
0x2ad: {  	v15 =	vadd.s32 v62, v15;
	(v2sf) =	vpush v63, $0xF  }
0x2ae: {  	s30 =	simm.s32 $0x10;
	s4 =	simm.s32 $0x80;
	v15 =	vsub.s32 v15, v19  }
0x2af: {  	s31 =	sand.u32 $0x400, s4;
	s3 =	simm.s32 $0x2900;
	s5 =	sand.u32 $0x70, s30;
	v15 =	vadd.s32 v63, v15  }
0x2b0: {  	s6 =	sor.u32 s5, s31;
	s5 =	simm.s32 $0x20;
	[tilespmem:s3+$0x0] =	vst v15  }
.LBB2_23:
0x2b1: {  	p1 =	sne.s32 s5, $0xF0;
	v15 =	vld [tilespmem:s6+$0x2A80]  }
0x2b2: {  	v16 =	vld [tilespmem:s6+$0x2A00]  }
0x2b3: {  	v17 =	vld [tilespmem:s6+$0x2B00]  }
0x2b4: {  	v18 =	vld [tilespmem:s6+$0x2B80]  }
0x2b5: {  	v19 =	vld [tilespmem:s6+$0x2C00]  }
0x2b6: {  	v20 =	vmul.u32 v0, v15;
	v21 =	vld [tilespmem:s6+$0x2C80]  }
0x2b7: {  	v22 =	vmul.u32 v5, v16;
	v15 =	vadd.s32 v16, v15;
	v16 =	vld [tilespmem:s6+$0x2D00]  }
0x2b8: {  	v15 =	vadd.s32 v17, v15;
	v17 =	vmul.u32 v3, v17;
	v23 =	vld [tilespmem:s6+$0x2D80]  }
0x2b9: {  	v15 =	vadd.s32 v18, v15;
	v18 =	vmul.u32 v1, v18;
	v24 =	vld [tilespmem:s6+$0x3200]  }
0x2ba: {  	v15 =	vadd.s32 v19, v15;
	v19 =	vmul.u32 v6, v19;
	v25 =	vld [tilespmem:s6+$0x3280]  }
0x2bb: {  	v15 =	vadd.s32 v21, v15;
	v21 =	vmul.u32 v2, v21;
	v26 =	vld [tilespmem:s6+$0x3300]  }
0x2bc: {  	v15 =	vadd.s32 v16, v15;
	v16 =	vmul.u32 v7, v16;
	v27 =	vld [tilespmem:s6+$0x3380];
	s7 =	spop (v2sf)  }
0x2bd: {  	v15 =	vadd.s32 v23, v15;
	v23 =	vmul.u32 v4, v23;
	v28 =	vld [tilespmem:s6+$0x3400];
	s2 =	sadd.s32 s2, s7  }
0x2be: {  	v15 =	vadd.s32 v24, v15;
	v24 =	vmul.u32 v9, v24;
	v29 =	vld [tilespmem:s6+$0x3480];
	v22 =	vadd.s32 s2, v22  }
0x2bf: {  	v15 =	vadd.s32 v25, v15;
	v25 =	vmul.u32 v8, v25;
	v30 =	vld [tilespmem:s6+$0x3500];
	v20 =	vadd.s32 v20, v22  }
0x2c0: {  	v15 =	vadd.s32 v26, v15;
	v22 =	vmul.u32 v10, v26;
	v26 =	vld [tilespmem:s6+$0x3580];
	v17 =	vadd.s32 v17, v20  }
0x2c1: {  	v15 =	vadd.s32 v27, v15;
	v20 =	vmul.u32 v11, v27;
	v17 =	vadd.s32 v18, v17  }
0x2c2: {  	v15 =	vadd.s32 v28, v15;
	v18 =	vmul.u32 v12, v28;
	v17 =	vadd.s32 v19, v17  }
0x2c3: {  	v15 =	vadd.s32 v29, v15;
	v19 =	vmul.u32 v13, v29;
	v17 =	vadd.s32 v21, v17  }
0x2c4: {  	v15 =	vadd.s32 v30, v15;
	v21 =	vmul.u32 v14, v30;
	v16 =	vadd.s32 v16, v17  }
0x2c5: {  	v15 =	vadd.s32 v26, v15;
	v16 =	vadd.s32 v23, v16  }
0x2c6: {  	v16 =	vadd.s32 v24, v16;
	(xrf0) =	vadd.scan.msk.s32 $0xffff, v15  }
0x2c7: {  	v16 =	vadd.s32 v25, v16  }
0x2c8: {  	v16 =	vadd.s32 v22, v16  }
0x2c9: {  	v16 =	vadd.s32 v20, v16  }
0x2ca: {  	v16 =	vadd.s32 v18, v16  }
0x2cb: {  	v16 =	vadd.s32 v19, v16  }
.Ltmp11:
0x2cc: {  	v16 =	vadd.s32 v21, v16;
	v17, _, _ =	vpop (xrf0);
	(pc) =	sbr.rel @p1 .LBB2_23-.Ltmp11, $4  }
0x2cd: {  	v15 =	vsub.s32 v16, v15;
	(v2sf) =	vpush v17, $0xF  }
0x2ce: {  	s4 =	sadd.s32 $0x80, s4;
	s3 =	sadd.s32 $0x10, s3;
	v15 =	vadd.s32 v17, v15  }
0x2cf: {  	s7 =	sand.u32 $0x400, s4;
	s6 =	sand.u32 $0x70, s5;
	[tilespmem:s3+$0x0] =	vst v15  }
0x2d0: {  	s5 =	sadd.s32 $0x10, s5;
	s6 =	sor.u32 s6, s7  }
0x2d1: {  	v15 =	vld [tilespmem:s6+$0x2A80]  }
0x2d2: {  	v16 =	vld [tilespmem:s6+$0x2A00]  }
0x2d3: {  	v17 =	vld [tilespmem:s6+$0x2B00]  }
0x2d4: {  	v18 =	vld [tilespmem:s6+$0x2B80]  }
0x2d5: {  	v19 =	vld [tilespmem:s6+$0x2C00]  }
0x2d6: {  	v20 =	vld [tilespmem:s6+$0x2C80]  }
0x2d7: {  	v22 =	vld [tilespmem:s6+$0x2D00];
	v21 =	vadd.s32 v16, v15  }
0x2d8: {  	v23 =	vld [tilespmem:s6+$0x2D80];
	v21 =	vadd.s32 v17, v21  }
0x2d9: {  	v24 =	vld [tilespmem:s6+$0x3200];
	v21 =	vadd.s32 v18, v21  }
0x2da: {  	v25 =	vld [tilespmem:s6+$0x3280];
	v21 =	vadd.s32 v19, v21  }
0x2db: {  	v26 =	vld [tilespmem:s6+$0x3300];
	v21 =	vadd.s32 v20, v21  }
0x2dc: {  	v27 =	vld [tilespmem:s6+$0x3380];
	v21 =	vadd.s32 v22, v21  }
0x2dd: {  	v28 =	vld [tilespmem:s6+$0x3400];
	v21 =	vadd.s32 v23, v21  }
0x2de: {  	v29 =	vld [tilespmem:s6+$0x3480];
	v21 =	vadd.s32 v24, v21  }
0x2df: {  	v30 =	vld [tilespmem:s6+$0x3500];
	v21 =	vadd.s32 v25, v21  }
0x2e0: {  	v58 =	vld [tilespmem:s6+$0x3580];
	v5 =	vmul.u32 v5, v16;
	s4 =	spop (v2sf);
	v57 =	vadd.s32 v26, v21  }
0x2e1: {  	v0 =	vmul.u32 v0, v15;
	s2 =	sadd.s32 s2, s4;
	v59 =	vadd.s32 v27, v57  }
0x2e2: {  	v3 =	vmul.u32 v3, v17;
	v5 =	vadd.s32 s2, v5;
	v15 =	vadd.s32 v28, v59  }
0x2e3: {  	v1 =	vmul.u32 v1, v18;
	v0 =	vadd.s32 v0, v5;
	v60 =	vadd.s32 v29, v15  }
0x2e4: {  	v6 =	vmul.u32 v6, v19;
	v0 =	vadd.s32 v3, v0;
	v3 =	vadd.s32 v30, v60  }
0x2e5: {  	v2 =	vmul.u32 v2, v20;
	v0 =	vadd.s32 v1, v0;
	v1 =	vadd.s32 v58, v3  }
0x2e6: {  	v0 =	vadd.s32 v6, v0;
	v3 =	vmul.u32 v7, v22;
	(xrf0) =	vadd.scan.msk.s32 $0xffff, v1  }
0x2e7: {  	v4 =	vmul.u32 v4, v23;
	v0 =	vadd.s32 v2, v0  }
0x2e8: {  	v2 =	vmul.u32 v9, v24;
	v0 =	vadd.s32 v3, v0  }
0x2e9: {  	v3 =	vmul.u32 v8, v25;
	v0 =	vadd.s32 v4, v0  }
0x2ea: {  	v61 =	vmul.u32 v10, v26;
	v0 =	vadd.s32 v2, v0  }
0x2eb: {  	v2 =	vmul.u32 v11, v27;
	v0 =	vadd.s32 v3, v0  }
0x2ec: {  	v3 =	vmul.u32 v12, v28;
	v0 =	vadd.s32 v61, v0;
	v62, _, _ =	vpop (xrf0)  }
0x2ed: {  	v63 =	vmul.u32 v13, v29;
	v0 =	vadd.s32 v2, v0;
	(v2sf) =	vpush v62, $0xF  }
0x2ee: {  	v2 =	vmul.u32 v14, v30;
	v0 =	vadd.s32 v3, v0  }
0x2ef: {  	v0 =	vadd.s32 v63, v0  }
0x2f0: {  	v0 =	vadd.s32 v2, v0  }
0x2f1: {  	v0 =	vsub.s32 v0, v1  }
0x2f2: {  	s30 =	sadd.s32 $0x10, s3;
	v0 =	vadd.s32 v62, v0  }
0x2f3: {  	s3 =	simm.s32 $0x0;
	[tilespmem:s30+$0x0] =	vst v0  }
0x2f4: {  	v1 =	vld [tilespmem:s3+$0x1000];
	_ =	sdelay $0x6  }
0x2f5: {  	s2 =	simm.s32 $0x2900;
	v0 =	vld [tilespmem:s3+$0x1800]  }
0x2f6: {  	s5 =	simm.s32 $0x80;
	s4 =	simm.s32 $0x10;
	v1 =	vld.idx.msk [tilespmem:v1+s2+$0x0], $0xffff;
	s31 =	spop (v2sf)  }
.LBB2_25:
0x2f7: {  	p1 =	sne.s32 s5, $0x1FC0;
	v2 =	vld [tilespmem:s4+$0x1000];
	_ =	sdelay $0x3  }
.Ltmp12:
0x2f8: {  	(pc) =	sbr.rel @p1 .LBB2_25-.Ltmp12, $4  }
0x2f9: {  	v0 =	vadd.s32 v1, v0  }
0x2fa: {  	[tilespmem:s3+$0x2000] =	vst v0;
	s3 =	smov.u32 s4  }
0x2fb: {  	v0 =	vld [tilespmem:s3+$0x1800]  }
0x2fc: {  	s4 =	sshra.s32 s5, $0x2;
	s5 =	sadd.s32 $0x40, s5;
	v1 =	vld.idx.msk [tilespmem:v2+s2+$0x0], $0xffff  }
0x2fd: {  	v2 =	vld [tilespmem:s4+$0x1000];
	_ =	sdelay $0x4  }
0x2fe: {  	v0 =	vadd.s32 v1, v0  }
0x2ff: {  	[tilespmem:s3+$0x2000] =	vst v0  }
0x300: {  	v0 =	vld [tilespmem:s4+$0x1800]  }
0x301: {  	v63 =	vld.idx.msk [tilespmem:v2+s2+$0x0], $0xffff;
	_ =	sdelay $0x4  }
0x302: {  	v0 =	vadd.s32 v63, v0  }
0x303: {  	s29 =	simm.s32 $0x800;
	s30 =	simm.s32 $0x2000;
	s31 =	simm.s32 $0x1;
	[tilespmem:s4+$0x2000] =	vst v0  }
0x304: {  	[hbm4b:s1+s29] =	stream.indirect.scatter [tilespmem:s30], [sflag:$0x1], $0x1, s29, s29, $0xb8;
	[tilespmem:$0x4B00] =	vst v63  }
0x305: {  	_ =	swait.ge [sflag:s31], $0x800  }
0x306: {  	[sflag:s31] =	ssyncset.done $0x0  }
0x307: {  	[sflag:s31] =	ssyncadd.s32 $0xFFFFF800  }
0x308: {  	_ =	sfence.sel $0x180000  }
0x309: {  	[bflag:$0x0] =	sbarrier.arrive $0xFFFF  }
0x30a: {  	_ =	strace $0x90000047  }
0x30b: {  	s0 =	sadd.s32 @!p0 $0x100000, s0;
	[bflag:$0x2] =	sbarrier.arrive $0xFFFF  }
0x30c: {  	[sflag:s0] =	ssyncadd.tile.s32 @!p0 $0x1;
	_ =	shalt  }
.Lfunc_end2:
_tile_overlayer_lowered:
.L_overlay_start_2:
0x30d: {  	(tag) =	ssettag $0x2  }
0x30e: {  	s0 =	rddreg [dreg:$0x0];
	s2 =	stileid.u32  }
0x30f: {  	s1 =	rddreg [dreg:$0x1];
	p0 =	sne.s32 s2, $0x0  }
0x310: {  	s3 =	rddreg [dreg:$0x2];
	[bflag:$0x3] =	sbarrier.arrive $0xFFFF;
	s2 =	simm.s32 @!p0 $0x1C01  }
0x311: {  	[timem:s3], [sflag:s2] =	dma.local @!p0 [hbm:s0], s1  }
0x312: {  	s0 =	simm.s32 @!p0 $0x1  }
0x313: {  	_ =	swait.ge @!p0 [sflag:s0], s1  }
0x314: {  	s1 =	ssub.s32 @!p0 $0x0, s1;
	[sflag:s0] =	ssyncset.done @!p0 $0x0  }
0x315: {  	[sflag:s0] =	ssyncadd.s32 @!p0 s1  }
0x316: {  	[bflag:$0x3] =	sbarrier.arrive $0xFFFF  }
0x317: {  	_ =	shalt  }

// kernel: kernel.9.cloned.1.call-start
scs
__scs_entry_jumppad:
0x0: {  	(pc) =	sbr.rel $0x88, $3  }
0x1: {  	(tag) =	ssettag $0x0;
	lr =	simm.s32 $0x1  }
0x2: {  	[smem:$0x3F96] =	sst lr;
	_ =	strace $0xD0000000  }
0x3: {  	_ = 	snop  }
0x4: {  	_ = 	snop  }
0x5: {  	_ = 	snop  }
0x6: {  	_ = 	snop  }
0x7: {  	_ = 	snop  }
__scs_overlays_trampoline_lowered:
0x8: {  	[smem:$0x3FA5] =	sst s0  }
0x9: {  	[smem:$0x3FA6] =	sst s1  }
0xa: {  	[smem:$0x3FA7] =	sst s2  }
0xb: {  	[smem:$0x3FA8] =	sst s3  }
0xc: {  	[smem:$0x3FA9] =	sst s4  }
0xd: {  	[smem:$0x3FAA] =	sst s5  }
0xe: {  	[smem:$0x3FAB] =	sst s6  }
0xf: {  	[smem:$0x3FAC] =	sst s7  }
0x10: {  	[smem:$0x3FAD] =	sst s8  }
0x11: {  	[smem:$0x3FAE] =	sst s9;
	s0 =	simm.s32 @!p0 $0x0  }
0x12: {  	s1 =	sld [smem:$0x3F94];
	s0 =	simm.s32 @p0 $0x1  }
0x13: {  	[smem:$0x3FAF] =	sst s0;
	s0 =	simm.s32 @!p1 $0x0  }
0x14: {  	s2 =	sld [smem:$0x3F93];
	s0 =	simm.s32 @p1 $0x1  }
0x15: {  	[smem:$0x3FB0] =	sst s0;
	s0 =	simm.s32 @!p2 $0x0  }
0x16: {  	s3 =	sld [smem:$0x3FDB];
	s0 =	simm.s32 @p2 $0x1  }
0x17: {  	s4 =	simm.s32 $0x1BF5;
	[smem:$0x3FB2] =	sst s0  }
0x18: {  	s0 =	sld [smem:$0x3F95];
	_ =	swait.ge [sflag:s4], $0x0  }
0x19: {  	s7 =	sld [smem:$0x3F96]  }
0x1a: {  	s8 =	sadd.s32 $0xFFFFE003, lr  }
0x1b: {  	s9 =	sadd.s32 $0xFFFFFEF7, lr;
	s5 =	simm.s32 $0xFFFFFFFF;
	p2 =	slt.u32 s8, $0xFFFFF086  }
0x1c: {  	p1 =	slt.u32 s9, $0xF7A;
	s5 =	simm.s32 @!p2 $0x0  }
0x1d: {  	s5 =	simm.s32 @p1 $0x1;
	p0 =	seq.s32 s7, s2  }
0x1e: {  	s7 =	smul.u32 @!p0 $0xF7A, s2;
	p2 =	seq.s32 @!p0 s5, $0x0  }
0x1f: {  	s9 =	smul.u32 $0xF7A, s1;
	s8 =	simm.s32 @!p0 $0x1BF5;
	p2 =	por !p2, p0  }
0x20: {  	[sflag:s8] =	ssyncset.s32 @!p0 $0xFFFFF086;
	s6 =	sadd.s32 @!p0 s3, s7;
	s7 =	simm.s32 @!p0 $0x108  }
0x21: {  	s3 =	sadd.s32 s3, s9;
	s6 =	sadd.s32 @!p0 $0x88, s6;
	s7 =	simm.s32 @p2 $0x1082  }
0x22: {  	[simem:s7], [sflag:s8] =	dma.local @!p0 [hbm:s6], $0xF7A  }
0x23: {  	s9 =	sor.u32 $0xD0000000, s2;
	s6 =	simm.s32 $0x108;
	_ =	swait.ge @!p0 [sflag:s8], $0x0  }
0x24: {  	s3 =	sadd.s32 $0x88, s3;
	s6 =	simm.s32 @!p1 $0x1082;
	[sflag:s4] =	ssyncset.s32 $0xFFFFF086  }
0x25: {  	[simem:s6], [sflag:s4] =	dma.local [hbm:s3], $0xF7A  }
0x26: {  	[smem:$0x3F96] =	sst s1;
	(tag) =	ssettag s2;
	_ =	strace s9  }
0x27: {  	s1 =	sld [smem:$0x3FA6]  }
0x28: {  	s2 =	sld [smem:$0x3FA7]  }
0x29: {  	s4 =	sld [smem:$0x3FA9]  }
0x2a: {  	p0 =	seq.s32 s5, $0x0;
	s5 =	sld [smem:$0x3FAA]  }
0x2b: {  	s6 =	sld [smem:$0x3FAB]  }
0x2c: {  	s7 =	sld [smem:$0x3FAC]  }
0x2d: {  	s3 =	simm.s32 $0x108;
	s8 =	sld [smem:$0x3FAD]  }
0x2e: {  	s3 =	simm.s32 @!p0 $0x1082;
	s9 =	sld [smem:$0x3FAE]  }
0x2f: {  	lr =	sadd.s32 s0, s3;
	s0 =	sld [smem:$0x3FA5]  }
0x30: {  	s3 =	sld [smem:$0x3FA8]  }
0x31: {  	[smem:$0x3FB1] =	sst s10  }
0x32: {  	s10 =	sld [smem:$0x3FAF];
	_ =	sdelay $0x3  }
0x33: {  	p0 =	seq.s32 s10, $0x1;
	s10 =	sld [smem:$0x3FB1];
	_ =	sdelay $0x3  }
0x34: {  	[smem:$0x3FB1] =	sst s10  }
0x35: {  	s10 =	sld [smem:$0x3FB0];
	_ =	sdelay $0x3  }
0x36: {  	p1 =	seq.s32 s10, $0x1;
	s10 =	sld [smem:$0x3FB1];
	_ =	sdelay $0x3  }
0x37: {  	[smem:$0x3FB1] =	sst s10  }
0x38: {  	s10 =	sld [smem:$0x3FB2]  }
0x39: {  	_ = 	snop;
	(pc) =	sbr.ind lr, $3  }
0x3a: {  	_ = 	snop  }
0x3b: {  	_ = 	snop  }
0x3c: {  	p2 =	seq.s32 s10, $0x1;
	s10 =	sld [smem:$0x3FB1]  }
0x3d: {  	_ =	shalt  }
0x3e: {  	_ =	shalt  }
0x3f: {  	_ =	shalt  }
0x40: {  	_ =	shalt  }
0x41: {  	_ =	shalt  }
0x42: {  	_ =	shalt  }
0x43: {  	_ =	shalt  }
0x44: {  	_ =	shalt  }
0x45: {  	_ =	shalt  }
0x46: {  	_ =	shalt  }
0x47: {  	_ =	shalt  }
0x48: {  	_ =	shalt  }
0x49: {  	_ =	shalt  }
0x4a: {  	_ =	shalt  }
0x4b: {  	_ =	shalt  }
0x4c: {  	_ =	shalt  }
0x4d: {  	_ =	shalt  }
0x4e: {  	_ =	shalt  }
0x4f: {  	_ =	shalt  }
0x50: {  	_ =	shalt  }
0x51: {  	_ =	shalt  }
0x52: {  	_ =	shalt  }
0x53: {  	_ =	shalt  }
0x54: {  	_ =	shalt  }
0x55: {  	_ =	shalt  }
0x56: {  	_ =	shalt  }
0x57: {  	_ =	shalt  }
0x58: {  	_ =	shalt  }
0x59: {  	_ =	shalt  }
0x5a: {  	_ =	shalt  }
0x5b: {  	_ =	shalt  }
0x5c: {  	_ =	shalt  }
0x5d: {  	_ =	shalt  }
0x5e: {  	_ =	shalt  }
0x5f: {  	_ =	shalt  }
0x60: {  	_ =	shalt  }
0x61: {  	_ =	shalt  }
0x62: {  	_ =	shalt  }
0x63: {  	_ =	shalt  }
0x64: {  	_ =	shalt  }
0x65: {  	_ =	shalt  }
0x66: {  	_ =	shalt  }
0x67: {  	_ =	shalt  }
0x68: {  	_ =	shalt  }
0x69: {  	_ =	shalt  }
0x6a: {  	_ =	shalt  }
0x6b: {  	_ =	shalt  }
0x6c: {  	_ =	shalt  }
0x6d: {  	_ =	shalt  }
0x6e: {  	_ =	shalt  }
0x6f: {  	_ =	shalt  }
0x70: {  	_ =	shalt  }
0x71: {  	_ =	shalt  }
0x72: {  	_ =	shalt  }
0x73: {  	_ =	shalt  }
0x74: {  	_ =	shalt  }
0x75: {  	_ =	shalt  }
0x76: {  	_ =	shalt  }
0x77: {  	_ =	shalt  }
0x78: {  	_ =	shalt  }
0x79: {  	_ =	shalt  }
0x7a: {  	_ =	shalt  }
0x7b: {  	_ =	shalt  }
0x7c: {  	_ =	shalt  }
0x7d: {  	_ =	shalt  }
0x7e: {  	_ =	shalt  }
0x7f: {  	_ =	shalt  }
0x80: {  	_ =	shalt  }
0x81: {  	_ =	shalt  }
0x82: {  	_ =	shalt  }
0x83: {  	_ =	shalt  }
0x84: {  	_ =	shalt  }
0x85: {  	_ =	shalt  }
0x86: {  	_ =	shalt  }
0x87: {  	_ =	shalt  }
.Lfunc_end0:
.L_simem_size_0:
called_computation.1_lowered:
.L_overlay_start_0:
0x88: {  	s2 =	sld [smem:$0x3FD9]  }
0x89: {  	s3 =	sld [smem:$0x3FFE];
	_ =	sdelay $0x1  }
0x8a: {  	s1 =	srdreg.scid  }
0x8b: {  	s0 =	sand.u32 $0x1, s1  }
0x8c: {  	s17 =	sshll.u32 s0, $0xA;
	s2 =	sadd.s32 s3, s2  }
0x8d: {  	s2 =	sadd.s32 s2, s17  }
0x8e: {  	[smem:$0x3FBD] =	sst s2  }
0x8f: {  	_ = 	snop  }
0x90: {  	s2 =	sld [smem:$0x3FD0];
	(tm) =	ssettm $0x1  }
0x91: {  	s18 =	sld [smem:$0x3FFB];
	_ =	sdelay $0x3  }
0x92: {  	_ =	strace s18  }
0x93: {  	s3 =	sld [smem:$0x3FFC];
	_ =	sdelay $0x3  }
0x94: {  	_ =	strace s3  }
0x95: {  	s3 =	sld [smem:$0x3FFD];
	_ =	sdelay $0x3  }
0x96: {  	_ =	strace s3  }
0x97: {  	_ =	strace $0x8FFFFFFF  }
0x98: {  	s19 =	sld [smem:$0x3FDB];
	_ =	sdelay $0x1  }
0x99: {  	s4 =	simm.s32 $_scs_section_size  }
0x9a: {  	s5 =	simm.s32 $_size__tile_overlayer_lowered;
	s6 =	simm.s32 $_tile_overlayer_lowered  }
0x9b: {  	s22 =	simm.s32 $0x1BFF;
	s21 =	sshll.u32 s6, $0x1;
	s3 =	sadd.s32 s4, s19  }
0x9c: {  	s7 =	simm.s32 $0x0;
	s20 =	sshll.u32 s5, $0x1;
	s5 =	sadd.s32 s21, s3  }
0x9d: {  	[timem:s7], [sflag:s22] =	dma.local [hbm:s5], s20  }
0x9e: {  	_ =	swait.ge [sflag:s22], s20  }
0x9f: {  	s4 =	ssub.s32 $0x0, s20;
	[sflag:s22] =	ssyncset.done $0x0  }
0xa0: {  	[sflag:s22] =	ssyncadd.s32 s4;
	_ =	sdelay $0x1  }
0xa1: {  	s23 =	simm.s32 $0x1B8B  }
0xa2: {  	_ =	swait.ge [sflag:s23], $0x1  }
0xa3: {  	[sflag:s23] =	ssyncset.done $0x0  }
0xa4: {  	s25 =	simm.s32 $0x1B8E;
	s24 =	sld [smem:$0x3FFE];
	[sflag:s23] =	ssyncadd.s32 $0xFFFFFFFF  }
0xa5: {  	s26 =	simm.s32 $execute0_lowered;
	[smem:$0x3FD2] =	sst s25  }
0xa6: {  	s5 =	sshll.u32 s26, $0x1;
	_ =	strace $0x80000049;
	[dreg:$0x1] =	wrdreg $0xFFFFFFFF  }
0xa7: {  	s28 =	simm.s32 $_size_execute0_lowered;
	s3 =	sadd.s32 s3, s5;
	[dreg:$0x0] =	wrdreg $0x0  }
0xa8: {  	s5 =	sshll.u32 s28, $0x1;
	[dreg:$0x2] =	wrdreg s3  }
0xa9: {  	[dreg:$0x3] =	wrdreg s5  }
0xaa: {  	[dreg:$0x4] =	wrdreg $0xC0  }
0xab: {  	_ =	task [dreg:s7], $0x5FFFF  }
0xac: {  	[dreg:$0x1] =	wrdreg $0xFFFFFFFF  }
0xad: {  	[dreg:$0x0] =	wrdreg $0x60  }
0xae: {  	[dreg:$0x2] =	wrdreg s24  }
0xaf: {  	[dreg:$0x3] =	wrdreg s2  }
0xb0: {  	[dreg:$0x4] =	wrdreg $0x9  }
0xb1: {  	_ =	task.clear_ibuf [dreg:s7], $0x5FFFF;
	_ =	strace $0x90000049  }
0xb2: {  	s29 =	simm.s32 $0x9;
	_ =	strace $0x8000004B  }
0xb3: {  	_ =	swait.ge [sflag:s29], $0x1  }
0xb4: {  	[sflag:s29] =	ssyncadd.s32 $0xFFFFFFFF  }
0xb5: {  	_ =	strace $0x9000004B  }
0xb6: {  	_ =	sfence  }
0xb7: {  	s30 =	sld [smem:$0x0];
	_ =	sdelay $0x2  }
0xb8: {  	s31 =	sshll.u32 s1, $0xD;
	s1 =	sshrl.u32 s1, $0x2  }
0xb9: {  	s3 =	sand.u32 $0x4000, s31;
	s1 =	sadd.s32 s1, s30  }
0xba: {  	s0 =	sor.u32 s3, s0;
	s1 =	sshll.u32 s1, $0x11  }
0xbb: {  	s0 =	sor.u32 s1, s0  }
0xbc: {  	s0 =	sadd.s32 $0x8F2B, s0  }
0xbd: {  	[sflag:s0] =	ssyncadd.remote.s32 $0x1  }
0xbe: {  	_ =	sfence.sel $0xFFFF  }
0xbf: {  	[dreg:$0x0] =	wrdreg $0xFFFFFFFF;
	(pc) =	sbr.abs _section_cstart, $3  }
0xc0: {  	[dreg:$0x1] =	wrdreg $0xFFFFFFFF  }
0xc1: {  	_ =	task.clear_ibuf [dreg:s7], $0x2FFFF;
	_ =	strace $0x9FFFFFFF  }
0xc2: {  	(tm) =	ssettm $0x7FFFFFFF  }
0xc3: {  	_ =	shalt  }
tec
execute0_lowered:
.L_overlay_start_1:
0x0: {  	(tag) =	ssettag $0x1  }
0x1: {  	s3 =	rddreg [dreg:$0x0]  }
0x2: {  	s5 =	rddreg [dreg:$0x1];
	s2 =	srdreg.scid  }
0x3: {  	s0 =	rddreg [dreg:$0x2];
	s1 =	stileid.u32;
	s9 =	simm.s32 $0x2A80  }
0x4: {  	s10 =	simm.s32 $0x0;
	s4 =	sand.u32 $0x1, s2;
	s2 =	simm.s32 $0x0  }
0x5: {  	s6 =	sshll.u32 s1, $0x8;
	s7 =	sshll.u32 s4, $0x7;
	[smem:$0x7FF] =	sst s2  }
0x6: {  	s4 =	ssub.s32 $0x2, s4;
	s6 =	sor.u32 s7, s6;
	_ =	strace $0x8000004A  }
0x7: {  	s8 =	sshrl.u32 s4, $0x1;
	s7 =	sadd.s32 s6, s3;
	s3 =	sadd.s32 $0x2A00, s3  }
0x8: {  	s8 =	ssub.s32 s4, s8;
	s5 =	sadd.s32 s5, s6;
	s4 =	sadd.s32 $0x1A00, s7  }
0x9: {  	s6 =	smax.u32 s8, $0x1;
	s7 =	simm.s32 $0x1;
	s8 =	simm.s32 $0x400  }
.LBB2_1:
0xa: {  	[tilespmem:s2], [sflag:$0x1] =	stream.linear.gather [hbm4b:s4+s2], $0x400, $0x38;
	[tilespmem:$0x2E80] =	vst v63  }
0xb: {  	_ =	swait.ge [sflag:s7], $0x400  }
0xc: {  	[sflag:s7] =	ssyncset.done $0x0  }
0xd: {  	[sflag:s7] =	ssyncadd.s32 $0xFFFFFC00  }
0xe: {  	[tilespmem:s8], [sflag:$0x1] =	stream.linear.gather [hbm4b:s3+s2], $0x2680, $0x38;
	[tilespmem:$0x2E80] =	vst v63  }
0xf: {  	_ =	swait.ge [sflag:s7], $0x2680  }
0x10: {  	[sflag:s7] =	ssyncset.done $0x0  }
0x11: {  	s12 =	simm.s32 $0x0;
	[sflag:s7] =	ssyncadd.s32 $0xFFFFD980  }
0x12: {  	v0 =	vld [tilespmem:s12+$0x0];
	_ =	sdelay $0x4  }
0x13: {  	vm0 =	vlt.s32 v0, $0x2666  }
0x14: {  	s11 =	simm.s32 $0x10;
	v0 =	vnsel vm0, $0x0, v0  }
0x15: {  	v2 =	vld [tilespmem:s11+$0x0];
	_ =	sdelay $0x3  }
0x16: {  	v1 =	vld.idx.msk [tilespmem:v0+s8+$0x0], $0xffff  }
0x17: {  	vm1 =	vlt.s32 v2, $0x2666  }
0x18: {  	v0 =	vnsel vm1, $0x0, v2  }
0x19: {  	s13 =	simm.s32 $0x20;
	s14 =	simm.s32 $0xC0;
	vm0 =	vmmov vm0  }
.LBB2_2:
0x1a: {  	p0 =	sne.s32 s14, $0xFC0;
	v2 =	vld [tilespmem:s13+$0x0]  }
0x1b: {  	v1 =	vnsel vm0, $0x0, v1;
	vm0 =	vmmov vm1  }
0x1c: {  	[tilespmem:s12+$0x2A80] =	vst v1;
	s12 =	smov.u32 s11;
	s11 =	smov.u32 s13  }
.Ltmp0:
0x1d: {  	v1 =	vld.idx.msk [tilespmem:v0+s8+$0x0], $0xffff;
	(pc) =	sbr.rel @p0 .LBB2_2-.Ltmp0, $4  }
0x1e: {  	_ = 	snop  }
0x1f: {  	vm1 =	vlt.s32 v2, $0x2666  }
0x20: {  	v0 =	vnsel vm1, $0x0, v2  }
0x21: {  	s13 =	sshra.s32 s14, $0x2;
	s14 =	sadd.s32 $0x40, s14  }
0x22: {  	v2 =	vld [tilespmem:s13+$0x0];
	_ =	sdelay $0x1  }
0x23: {  	v1 =	vnsel vm0, $0x0, v1  }
0x24: {  	[tilespmem:s12+$0x2A80] =	vst v1  }
0x25: {  	v0 =	vld.idx.msk [tilespmem:v0+s8+$0x0], $0xffff  }
0x26: {  	vm15 =	vlt.s32 v2, $0x2666  }
0x27: {  	v63 =	vnsel vm15, $0x0, v2;
	_ =	sdelay $0x1  }
0x28: {  	vm1 =	vmmov vm1  }
0x29: {  	v0 =	vnsel vm1, $0x0, v0  }
0x2a: {  	[tilespmem:s11+$0x2A80] =	vst v0  }
0x2b: {  	v0 =	vld.idx.msk [tilespmem:v63+s8+$0x0], $0xffff;
	_ =	sdelay $0x3  }
0x2c: {  	s10 =	sadd.s32 $0x1, s10;
	vm0 =	vmmov vm15  }
0x2d: {  	p0 =	sne.s32 s10, s6;
	v0 =	vnsel vm0, $0x0, v0  }
.Ltmp1:
0x2e: {  	[tilespmem:s13+$0x2A80] =	vst v0;
	(pc) =	sbr.rel @p0 .LBB2_1-.Ltmp1, $4  }
0x2f: {  	[hbm4b:s5+s2] =	stream.linear.scatter [tilespmem:s9], [sflag:$0x1], $0x400, $0x38;
	[tilespmem:$0x2E80] =	vst v63  }
0x30: {  	_ =	swait.ge [sflag:s7], $0x400  }
0x31: {  	[sflag:s7] =	ssyncset.done $0x0  }
0x32: {  	[sflag:s7] =	ssyncadd.s32 $0xFFFFFC00  }
0x33: {  	_ =	sfence.sel $0x180000  }
0x34: {  	[bflag:$0x0] =	sbarrier.arrive $0xFFFF  }
0x35: {  	p0 =	sne.s32 s1, $0x0;
	_ =	strace $0x9000004A  }
0x36: {  	s0 =	sadd.s32 @!p0 $0x100000, s0;
	[bflag:$0x2] =	sbarrier.arrive $0xFFFF  }
0x37: {  	[sflag:s0] =	ssyncadd.tile.s32 @!p0 $0x1;
	_ =	shalt  }
.Lfunc_end2:
_tile_overlayer_lowered:
.L_overlay_start_2:
0x38: {  	(tag) =	ssettag $0x2  }
0x39: {  	s0 =	rddreg [dreg:$0x0];
	s2 =	stileid.u32  }
0x3a: {  	s1 =	rddreg [dreg:$0x1];
	p0 =	sne.s32 s2, $0x0  }
0x3b: {  	s3 =	rddreg [dreg:$0x2];
	[bflag:$0x3] =	sbarrier.arrive $0xFFFF;
	s2 =	simm.s32 @!p0 $0x1C01  }
0x3c: {  	[timem:s3], [sflag:s2] =	dma.local @!p0 [hbm:s0], s1  }
0x3d: {  	s0 =	simm.s32 @!p0 $0x1  }
0x3e: {  	_ =	swait.ge @!p0 [sflag:s0], s1  }
0x3f: {  	s1 =	ssub.s32 @!p0 $0x0, s1;
	[sflag:s0] =	ssyncset.done @!p0 $0x0  }
0x40: {  	[sflag:s0] =	ssyncadd.s32 @!p0 s1  }
0x41: {  	[bflag:$0x3] =	sbarrier.arrive $0xFFFF  }
0x42: {  	_ =	shalt  }

</sc_bundles>
